<compile_context>
chip_gen: v7x
topology: tpu7x:2x2x1
jax: 0.10.2.dev20260603
libtpu: 0.0.44.dev20260713+nightly
codegen_flags: <defaults>
</compile_context>

<pallas_src>
import functools

import jax
import jax.numpy as jnp
from jax import lax
from jax.experimental import pallas as pl
from jax.experimental.pallas import tpu as pltpu
from jax.experimental.pallas import tpu_sc as plsc

N = 8192
DH = 32
DSLOT = 16
NC = 2
NS = 16
NW = NC * NS
ROWS_PER_TILE = N // NW
ROWS_PER_SUB = N // NS
ACC_ROWS = N + DSLOT
LANES = 16

_F32 = jnp.float32
_HIGH = lax.Precision.HIGHEST



def _layer0_body(nt_ref, tpar_ref, hist_ref, w_ref, b_ref, h_ref):
    cols = lax.broadcasted_iota(jnp.int32, (N, DH), 1)
    x = jnp.where(cols == nt_ref[...], 1.0, 0.0).astype(_F32)
    rows = lax.broadcasted_iota(jnp.int32, (N, 1), 0)
    rowmask = (rows > 0).astype(_F32)
    xp = jnp.where(cols == tpar_ref[...], rowmask, 0.0).astype(_F32)
    xcat = jnp.concatenate([x, hist_ref[...], xp], axis=1)
    z = lax.dot_general(xcat, w_ref[...], (((1,), (0,)), ((), ())),
                        precision=_HIGH, preferred_element_type=_F32)
    h_ref[...] = jnp.maximum(z + b_ref[...], 0.0)


def _layer1_heads_body(h_ref, cs_ref, pg_ref, w_ref, b_ref, wh_ref, bh_ref,
                       y_ref):
    rows = lax.broadcasted_iota(jnp.int32, (N, 1), 0)
    rowmask = (rows > 0).astype(_F32)
    xcat = jnp.concatenate([h_ref[...], cs_ref[0] + cs_ref[1],
                            pg_ref[...] * rowmask], axis=1)
    z = lax.dot_general(xcat, w_ref[...], (((1,), (0,)), ((), ())),
                        precision=_HIGH, preferred_element_type=_F32)
    h2 = jnp.maximum(z + b_ref[...], 0.0)
    y = lax.dot_general(h2, wh_ref[...], (((1,), (0,)), ((), ())),
                        precision=_HIGH, preferred_element_type=_F32)
    y_ref[...] = y + bh_ref[...]


def _tc_layer0(nt2d, tpar2d, hist, w0stack, b0):
    return pl.pallas_call(
        _layer0_body,
        out_shape=jax.ShapeDtypeStruct((N, DH), _F32),
    )(nt2d, tpar2d, hist, w0stack, b0)


def _tc_layer1_heads(h1, cs, pg, w1stack, b1, wh, bh):
    return pl.pallas_call(
        _layer1_heads_body,
        out_shape=jax.ShapeDtypeStruct((N, 40), _F32),
    )(h1, cs, pg, w1stack, b1, wh, bh)



@functools.cache
def _sc_mesh():
    return plsc.VectorSubcoreMesh(core_axis_name="c", subcore_axis_name="s")


_SC_PARAMS = pltpu.CompilerParams(use_tc_tiling_on_sc=False)
_SC_GATHER_PARAMS = pltpu.CompilerParams(use_tc_tiling_on_sc=False,
                                         needs_layout_passes=False)


def _sc_hist(node_types, ch_t, mask_t, par):

    @functools.partial(
        pl.kernel,
        out_type=[jax.ShapeDtypeStruct((N, DH), _F32),
                  jax.ShapeDtypeStruct((N,), jnp.int32)],
        mesh=_sc_mesh(),
        compiler_params=_SC_GATHER_PARAMS,
        scratch_types=[pltpu.VMEM((N,), jnp.int32),
                       pltpu.VMEM((DSLOT, ROWS_PER_TILE), jnp.int32),
                       pltpu.VMEM((DSLOT, ROWS_PER_TILE), _F32),
                       pltpu.VMEM((ROWS_PER_TILE,), jnp.int32),
                       pltpu.VMEM((ROWS_PER_TILE, DH), _F32),
                       pltpu.VMEM((ROWS_PER_TILE,), jnp.int32),
                       pltpu.SemaphoreType.DMA,
                       pltpu.SemaphoreType.DMA,
                       pltpu.SemaphoreType.DMA,
                       pltpu.SemaphoreType.DMA],
    )
    def k(nt_hbm, cht_hbm, mt_hbm, par_hbm, hist_hbm, tpar_hbm,
          nt_v, cht_v, mt_v, par_v, hist_v, opar_v, sem0, sem1, sem2, sem3):
        cid = lax.axis_index("c")
        sid = lax.axis_index("s")
        wid = sid * NC + cid
        base = wid * ROWS_PER_TILE
        c0 = pltpu.async_copy(nt_hbm, nt_v, sem0)
        c1 = pltpu.async_copy(cht_hbm.at[:, pl.ds(base, ROWS_PER_TILE)],
                              cht_v, sem1)
        c2 = pltpu.async_copy(mt_hbm.at[:, pl.ds(base, ROWS_PER_TILE)],
                              mt_v, sem2)
        c3 = pltpu.async_copy(par_hbm.at[pl.ds(base, ROWS_PER_TILE)],
                              par_v, sem3)

        zeros16 = jnp.zeros((LANES,), _F32)

        @plsc.parallel_loop(0, ROWS_PER_TILE, unroll=4)
        def _(p):
            hist_v[p, pl.ds(0, LANES)] = zeros16
            hist_v[p, pl.ds(LANES, LANES)] = zeros16

        c0.wait()
        c1.wait()
        c2.wait()
        c3.wait()
        rowiota = lax.iota(jnp.int32, LANES)

        @plsc.parallel_loop(0, ROWS_PER_TILE, step=LANES)
        def _(p):
            rows = rowiota + p
            for d in range(DSLOT):
                ids = cht_v[d, pl.ds(p, LANES)]
                types = plsc.load_gather(nt_v, [ids])
                mvals = mt_v[d, pl.ds(p, LANES)]
                plsc.addupdate_scatter(hist_v, [rows, types], mvals)

        @plsc.parallel_loop(0, ROWS_PER_TILE, step=LANES, unroll=4)
        def _(p):
            opar_v[pl.ds(p, LANES)] = plsc.load_gather(
                nt_v, [par_v[pl.ds(p, LANES)]])

        pltpu.sync_copy(hist_v, hist_hbm.at[pl.ds(base, ROWS_PER_TILE)])
        pltpu.sync_copy(opar_v, tpar_hbm.at[pl.ds(base, ROWS_PER_TILE)])

    return k(node_types, ch_t, mask_t, par)


def _sc_layer(h_rows, par, par_scatter, zeros):

    @functools.partial(
        pl.kernel,
        out_type=[jax.ShapeDtypeStruct((NC, N, DH), _F32),
                  jax.ShapeDtypeStruct((N, DH), _F32)],
        mesh=_sc_mesh(),
        compiler_params=_SC_PARAMS,
        scratch_types=[pltpu.VMEM((ROWS_PER_TILE,), jnp.int32),
                       pltpu.VMEM((ROWS_PER_TILE,), jnp.int32),
                       pltpu.VMEM((ROWS_PER_TILE, DH), _F32),
                       pltpu.VMEM((ROWS_PER_TILE, DH), _F32),
                       pltpu.VMEM_SHARED((ACC_ROWS, DH), _F32),
                       pltpu.SemaphoreType.DMA,
                       pltpu.SemaphoreType.DMA,
                       pltpu.SemaphoreType.DMA,
                       pltpu.SemaphoreType.DMA],
    )
    def k(h_hbm, par_hbm, pars_hbm, z_hbm, cs_hbm, pg_hbm,
          idx_v, idxs_v, hrow_v, prow_v, acc_sh, semz, semi, semj, semh):
        cid = lax.axis_index("c")
        sid = lax.axis_index("s")
        wid = sid * NC + cid
        base = wid * ROWS_PER_TILE
        sub_base = sid * ROWS_PER_SUB
        cz = pltpu.async_copy(z_hbm.at[pl.ds(sub_base, ROWS_PER_SUB)],
                              acc_sh.at[pl.ds(sub_base, ROWS_PER_SUB)], semz)
        ci = pltpu.async_copy(par_hbm.at[pl.ds(base, ROWS_PER_TILE)],
                              idx_v, semi)
        cj = pltpu.async_copy(pars_hbm.at[pl.ds(base, ROWS_PER_TILE)],
                              idxs_v, semj)
        ch = pltpu.async_copy(h_hbm.at[pl.ds(base, ROWS_PER_TILE)],
                              hrow_v, semh)
        ci.wait()
        pltpu.sync_copy(h_hbm.at[idx_v], prow_v)
        cp = pltpu.async_copy(prow_v, pg_hbm.at[pl.ds(base, ROWS_PER_TILE)],
                              semi)
        cz.wait()
        cj.wait()
        ch.wait()
        plsc.subcore_barrier()
        pltpu.sync_copy(hrow_v, acc_sh.at[idxs_v], add=True)
        plsc.subcore_barrier()
        pltpu.sync_copy(acc_sh.at[pl.ds(sub_base, ROWS_PER_SUB)],
                        cs_hbm.at[cid, pl.ds(sub_base, ROWS_PER_SUB)])
        cp.wait()

    return k(h_rows, par, par_scatter, zeros)


def _sc_heads(civ, cnv, ui, un, children, mask, scal):

    @functools.partial(
        pl.kernel,
        out_type=[jax.ShapeDtypeStruct((N, DSLOT), _F32),
                  jax.ShapeDtypeStruct((N,), _F32),
                  jax.ShapeDtypeStruct((N, DSLOT), _F32)],
        mesh=_sc_mesh(),
        compiler_params=_SC_GATHER_PARAMS,
        scratch_types=[pltpu.VMEM((N,), _F32),
                       pltpu.VMEM((N,), _F32),
                       pltpu.VMEM((ROWS_PER_TILE,), _F32),
                       pltpu.VMEM((ROWS_PER_TILE,), _F32),
                       pltpu.VMEM((ROWS_PER_TILE, DSLOT), jnp.int32),
                       pltpu.VMEM((ROWS_PER_TILE, DSLOT), _F32),
                       pltpu.VMEM((8, LANES), _F32),
                       pltpu.VMEM((ROWS_PER_TILE, DSLOT), _F32),
                       pltpu.VMEM((ROWS_PER_TILE,), _F32),
                       pltpu.VMEM((ROWS_PER_TILE, DSLOT), _F32),
                       pltpu.SemaphoreType.DMA,
                       pltpu.SemaphoreType.DMA,
                       pltpu.SemaphoreType.DMA,
                       pltpu.SemaphoreType.DMA],
    )
    def k(civ_hbm, cnv_hbm, ui_hbm, un_hbm, ch_hbm, m_hbm, scal_hbm,
          ci_hbm, ul_hbm, cn_hbm,
          civ_v, cnv_v, ui_v, un_v, ch_v, m_v, scal_v,
          oci_v, oul_v, ocn_v, sem0, sem1, sem2, sem3):
        cid = lax.axis_index("c")
        sid = lax.axis_index("s")
        wid = sid * NC + cid
        base = wid * ROWS_PER_TILE
        c0 = pltpu.async_copy(civ_hbm, civ_v, sem0)
        c1 = pltpu.async_copy(cnv_hbm, cnv_v, sem1)
        c2 = pltpu.async_copy(ui_hbm.at[pl.ds(base, ROWS_PER_TILE)],
                              ui_v, sem2)
        c3 = pltpu.async_copy(un_hbm.at[pl.ds(base, ROWS_PER_TILE)],
                              un_v, sem3)
        c4 = pltpu.async_copy(ch_hbm.at[pl.ds(base, ROWS_PER_TILE)],
                              ch_v, sem0)
        c5 = pltpu.async_copy(m_hbm.at[pl.ds(base, ROWS_PER_TILE)],
                              m_v, sem1)
        pltpu.sync_copy(scal_hbm, scal_v)
        c0.wait()
        c1.wait()
        c2.wait()
        c3.wait()
        c4.wait()
        c5.wait()

        zi = jnp.zeros((LANES,), jnp.int32)
        b_ciu = scal_v[0, :]
        b_civ = scal_v[1, :]
        w_ciw = scal_v[2, :]
        b_ciw = scal_v[3, :]
        b_cnu = scal_v[4, :]
        b_cnv = scal_v[5, :]
        w_cnw = scal_v[6, :]
        b_cnw = scal_v[7, :]

        @plsc.parallel_loop(0, ROWS_PER_TILE, unroll=4)
        def _(p):
            idx = ch_v[p, :]
            m = m_v[p, :]
            u = plsc.load_gather(ui_v, [zi + p]) + b_ciu
            vci = plsc.load_gather(civ_v, [idx])
            oci_v[p, :] = (u + vci * m + b_civ) * w_ciw + b_ciw
            w = plsc.load_gather(un_v, [zi + p]) + b_cnu
            vcn = plsc.load_gather(cnv_v, [idx])
            ocn_v[p, :] = (w + vcn * m + b_cnv) * w_cnw + b_cnw

        @plsc.parallel_loop(0, ROWS_PER_TILE, step=LANES, unroll=4)
        def _(p):
            uc = ui_v[pl.ds(p, LANES)]
            oul_v[pl.ds(p, LANES)] = (uc + b_ciu) * w_ciw + b_ciw

        pltpu.sync_copy(oci_v, ci_hbm.at[pl.ds(base, ROWS_PER_TILE)])
        pltpu.sync_copy(oul_v, ul_hbm.at[pl.ds(base, ROWS_PER_TILE)])
        pltpu.sync_copy(ocn_v, cn_hbm.at[pl.ds(base, ROWS_PER_TILE)])

    return k(civ, cnv, ui, un, children, mask, scal)



def kernel(node_types, edge_index, children, child_mask,
           W_self_0, b_self_0, W_child_0, W_parent_0,
           W_self_1, b_self_1, W_child_1, W_parent_1,
           W_edits, b_edits, W_types, b_types,
           W_ciu, b_ciu, W_civ, b_civ, w_ciw, b_ciw,
           W_cnu, b_cnu, W_cnv, b_cnv, w_cnw, b_cnw):
    nt = node_types.astype(jnp.int32)
    par = jnp.concatenate([jnp.zeros((1,), jnp.int32),
                           edge_index[0].astype(jnp.int32)])
    par_scatter = jnp.concatenate([jnp.full((1,), N, jnp.int32),
                                   edge_index[0].astype(jnp.int32)])
    ch = children.astype(jnp.int32)
    mask = child_mask.astype(_F32)
    zeros = jnp.zeros((N, DH), _F32)

    w0stack = jnp.concatenate([W_self_0, W_child_0, W_parent_0], axis=0)
    w1stack = jnp.concatenate([W_self_1, W_child_1, W_parent_1], axis=0)
    wh = jnp.concatenate([W_edits, W_types, W_ciu, W_civ, W_cnu, W_cnv,
                          jnp.zeros((DH, 3), _F32)], axis=1)
    bh = jnp.concatenate([b_edits, b_types,
                          jnp.zeros((7,), _F32)]).reshape(1, 40)

    hist, tpar = _sc_hist(nt, ch.T, mask.T, par)
    h1 = _tc_layer0(nt.reshape(N, 1), tpar.reshape(N, 1), hist,
                    w0stack, b_self_0.reshape(1, DH))
    cs, pg = _sc_layer(h1, par, par_scatter, zeros)
    yh = _tc_layer1_heads(h1, cs, pg, w1stack, b_self_1.reshape(1, DH),
                          wh, bh)

    delta = yh[:, 0]
    types = yh[:, 1:33]
    ui = yh[:, 33]
    civ = yh[:, 34]
    un = yh[:, 35]
    cnv = yh[:, 36]

    scal = jnp.tile(jnp.stack([b_ciu[0], b_civ[0], w_ciw, b_ciw,
                               b_cnu[0], b_cnv[0], w_cnw,
                               b_cnw]).reshape(8, 1), (1, LANES))
    cidx16, ulast, cnum = _sc_heads(civ, cnv, ui, un, ch, mask, scal)
    cidx = jnp.concatenate([cidx16, ulast.reshape(N, 1)], axis=1)
    return delta, types, cidx, cnum

# --- scband reference (transcript-rebuilt; emitter-appended) ---
"""Pipeline reference for scband-ten-28149215658625 (READ-ONLY COPY).

The authoritative reference and input builder live on the scoring server;
editing this copy changes nothing except your own understanding.
"""

import jax, jax.numpy as jnp
import numpy as np

N = 8192
D = 16
ALPHA = 32
DIM_IN = 32
DIM_HID = 32
NUM_LAYERS = 2


def _build_tree():
    rng = np.random.RandomState(0)
    deg = np.zeros(N, dtype=np.int64)
    children = np.full((N, D), -1, dtype=np.int64)
    parents = np.full(N, -1, dtype=np.int64)
    for i in range(1, N):
        p = rng.randint(0, i)
        while deg[p] >= D:
            p = rng.randint(0, i)
        parents[i] = p
        children[p, deg[p]] = i
        deg[p] += 1
    edge_index = np.stack([parents[1:], np.arange(1, N, dtype=np.int64)]).astype(np.int64)
    return edge_index, children


def _lin(key, din, dout):
    return jax.random.normal(key, (din, dout), dtype=jnp.float32) / np.sqrt(din)


def setup_inputs() -> dict:
    edge_index, children = _build_tree()
    rng = np.random.RandomState(1)
    node_types = rng.randint(0, ALPHA, size=N).astype(np.int64)
    child_mask = (children >= 0).astype(np.float32)
    children = np.maximum(children, 0).astype(np.int64)
    keys = jax.random.split(jax.random.key(0), 40)
    inp = {
        'node_types': jnp.asarray(node_types),
        'edge_index': jnp.asarray(edge_index),
        'children': jnp.asarray(children),
        'child_mask': jnp.asarray(child_mask),
    }
    ki = 0
    for l in range(NUM_LAYERS):
        din = DIM_IN if l == 0 else DIM_HID
        inp['W_self_%d' % l] = _lin(keys[ki], din, DIM_HID); ki += 1
        inp['b_self_%d' % l] = jnp.zeros((DIM_HID,), jnp.float32)
        inp['W_child_%d' % l] = _lin(keys[ki], din, DIM_HID); ki += 1
        inp['W_parent_%d' % l] = _lin(keys[ki], din, DIM_HID); ki += 1
    inp['W_edits'] = _lin(keys[ki], DIM_HID, 1); ki += 1
    inp['b_edits'] = jnp.zeros((1,), jnp.float32)
    inp['W_types'] = _lin(keys[ki], DIM_HID, ALPHA); ki += 1
    inp['b_types'] = jnp.zeros((ALPHA,), jnp.float32)
    inp['W_ciu'] = _lin(keys[ki], DIM_HID, 1); ki += 1
    inp['b_ciu'] = jnp.zeros((1,), jnp.float32)
    inp['W_civ'] = _lin(keys[ki], DIM_HID, 1); ki += 1
    inp['b_civ'] = jnp.zeros((1,), jnp.float32)
    inp['w_ciw'] = jnp.asarray(1.0, jnp.float32)
    inp['b_ciw'] = jnp.asarray(0.0, jnp.float32)
    inp['W_cnu'] = _lin(keys[ki], DIM_HID, 1); ki += 1
    inp['b_cnu'] = jnp.zeros((1,), jnp.float32)
    inp['W_cnv'] = _lin(keys[ki], DIM_HID, 1); ki += 1
    inp['b_cnv'] = jnp.zeros((1,), jnp.float32)
    inp['w_cnw'] = jnp.asarray(1.0, jnp.float32)
    inp['b_cnw'] = jnp.asarray(0.0, jnp.float32)
    return inp


def _forward(node_types, edge_index, children, child_mask, params):
    # one-hot node type features (X), dense adjacency (A) built by scatter
    X = jax.nn.one_hot(node_types, ALPHA, dtype=jnp.float32)
    A = jnp.zeros((N, N), jnp.float32).at[edge_index[0], edge_index[1]].set(1.0)
    H = X
    for l in range(NUM_LAYERS):
        Z = H @ params['W_self_%d' % l] + params['b_self_%d' % l]
        Z = Z + A @ (H @ params['W_child_%d' % l])
        Z = Z + A.T @ (H @ params['W_parent_%d' % l])
        H = jax.nn.relu(Z)
    delta = (H @ params['W_edits'] + params['b_edits'])[:, 0]
    types = H @ params['W_types'] + params['b_types']
    # per-slot child representations (gather) with mask for missing children
    Hc = H[children] * child_mask[..., None]  # [N, D, dh]
    u_i = H @ params['W_ciu'] + params['b_ciu']  # [N, 1]
    v_i = (Hc @ params['W_civ'])[..., 0] + params['b_civ']  # [N, D]
    s = u_i + v_i  # [N, D]
    Cidx = jnp.concatenate([s, u_i], axis=1) * params['w_ciw'] + params['b_ciw']  # [N, D+1]
    u_n = H @ params['W_cnu'] + params['b_cnu']
    v_n = (Hc @ params['W_cnv'])[..., 0] + params['b_cnv']
    Cnum = (u_n + v_n) * params['w_cnw'] + params['b_cnw']  # [N, D]
    return delta, types, Cidx, Cnum


def reference(node_types, edge_index, children, child_mask,
              W_self_0, b_self_0, W_child_0, W_parent_0,
              W_self_1, b_self_1, W_child_1, W_parent_1,
              W_edits, b_edits, W_types, b_types,
              W_ciu, b_ciu, W_civ, b_civ, w_ciw, b_ciw,
              W_cnu, b_cnu, W_cnv, b_cnv, w_cnw, b_cnw):
    params = {
        'W_self_0': W_self_0, 'b_self_0': b_self_0,
        'W_child_0': W_child_0, 'W_parent_0': W_parent_0,
        'W_self_1': W_self_1, 'b_self_1': b_self_1,
        'W_child_1': W_child_1, 'W_parent_1': W_parent_1,
        'W_edits': W_edits, 'b_edits': b_edits,
        'W_types': W_types, 'b_types': b_types,
        'W_ciu': W_ciu, 'b_ciu': b_ciu,
        'W_civ': W_civ, 'b_civ': b_civ,
        'w_ciw': w_ciw, 'b_ciw': b_ciw,
        'W_cnu': W_cnu, 'b_cnu': b_cnu,
        'W_cnv': W_cnv, 'b_cnv': b_cnv,
        'w_cnw': w_cnw, 'b_cnw': b_cnw,
    }
    return _forward(node_types, edge_index, children, child_mask, params)

if __name__ == "__main__":
    import jax
    _d = setup_inputs()
    print(jax.jit(kernel)(*tuple(_d.values())))

</pallas_src>

<mosaic_0001>
#map = affine_map<(d0, d1) -> (0, 0)>
#map1 = affine_map<(d0, d1) -> (0)>
#map2 = affine_map<(d0, d1) -> (0, 0, 0)>
module attributes {stable_mosaic.version = 14 : i64} {
  func.func @k(%arg0: i32, %arg1: i32, %arg2: memref<8192x32xf32, #tpu.memory_space<hbm>>, %arg3: memref<8192xi32, #tpu.memory_space<hbm>>, %arg4: memref<8192xi32, #tpu.memory_space<hbm>>, %arg5: memref<8192x32xf32, #tpu.memory_space<hbm>>, %arg6: memref<2x8192x32xf32, #tpu.memory_space<hbm>>, %arg7: memref<8192x32xf32, #tpu.memory_space<hbm>>, %arg8: memref<256xi32, #tpu.memory_space<vmem>>, %arg9: memref<256xi32, #tpu.memory_space<vmem>>, %arg10: memref<256x32xf32, #tpu.memory_space<vmem>>, %arg11: memref<256x32xf32, #tpu.memory_space<vmem>>, %arg12: memref<8208x32xf32, #tpu.memory_space<vmem_shared>>, %arg13: memref<!tpu.dma_semaphore, #tpu.memory_space<semaphore_mem>>, %arg14: memref<!tpu.dma_semaphore, #tpu.memory_space<semaphore_mem>>, %arg15: memref<!tpu.dma_semaphore, #tpu.memory_space<semaphore_mem>>, %arg16: memref<!tpu.dma_semaphore, #tpu.memory_space<semaphore_mem>>) attributes {dimension_semantics = [#tpu.dimension_semantics<core_parallel>, #tpu.dimension_semantics<subcore_parallel>], iteration_bounds = array<i64: 2, 16>, scalar_prefetch = 0 : i64, scratch_operands = 9 : i64, tpu.core_type = #tpu.core_type<sc_vector_subcore>, window_params = [{transform_indices = #map}, {transform_indices = #map1}, {transform_indices = #map1}, {transform_indices = #map}, {transform_indices = #map2}, {transform_indices = #map}]} {
    %mul3A = arith.constant 2 : i32
    %mul3A_0 = arith.muli %arg1, %mul3A : i32
    %add3A = arith.addi %mul3A_0, %arg0 : i32
    %mul3A_1 = arith.constant 256 : i32
    %mul3A_2 = arith.muli %add3A, %mul3A_1 : i32
    %mul3A_3 = arith.constant 512 : i32
    %mul3A_4 = arith.muli %arg1, %mul3A_3 : i32
    %dma_start3A = arith.constant 0 : i32
    %dma_start3A_5 = tpu.memref_slice %arg12[%mul3A_4, %dma_start3A] : memref<8208x32xf32, #tpu.memory_space<vmem_shared>> -> memref<512x32xf32, #tpu.memory_space<vmem_shared>>
    %dma_start3A_6 = arith.constant 0 : i32
    %dma_start3A_7 = tpu.memref_slice %arg5[%mul3A_4, %dma_start3A_6] : memref<8192x32xf32, #tpu.memory_space<hbm>> -> memref<512x32xf32, #tpu.memory_space<hbm>>
    tpu.enqueue_dma source(%dma_start3A_7 : memref<512x32xf32, #tpu.memory_space<hbm>>) target(%dma_start3A_5 : memref<512x32xf32, #tpu.memory_space<vmem_shared>>) target_semaphore(%arg13 : memref<!tpu.dma_semaphore, #tpu.memory_space<semaphore_mem>>)
    %dma_start3A_8 = tpu.memref_slice %arg3[%mul3A_2] : memref<8192xi32, #tpu.memory_space<hbm>> -> memref<256xi32, #tpu.memory_space<hbm>>
    %dma_start3A_9 = tpu.memref_slice %arg3[%mul3A_2] : memref<8192xi32, #tpu.memory_space<hbm>> -> memref<256xi32, #tpu.memory_space<hbm>>
    tpu.enqueue_dma source(%dma_start3A_9 : memref<256xi32, #tpu.memory_space<hbm>>) target(%arg8 : memref<256xi32, #tpu.memory_space<vmem>>) target_semaphore(%arg14 : memref<!tpu.dma_semaphore, #tpu.memory_space<semaphore_mem>>)
    %dma_start3A_10 = tpu.memref_slice %arg4[%mul3A_2] : memref<8192xi32, #tpu.memory_space<hbm>> -> memref<256xi32, #tpu.memory_space<hbm>>
    %dma_start3A_11 = tpu.memref_slice %arg4[%mul3A_2] : memref<8192xi32, #tpu.memory_space<hbm>> -> memref<256xi32, #tpu.memory_space<hbm>>
    tpu.enqueue_dma source(%dma_start3A_11 : memref<256xi32, #tpu.memory_space<hbm>>) target(%arg9 : memref<256xi32, #tpu.memory_space<vmem>>) target_semaphore(%arg15 : memref<!tpu.dma_semaphore, #tpu.memory_space<semaphore_mem>>)
    %dma_start3A_12 = arith.constant 0 : i32
    %dma_start3A_13 = tpu.memref_slice %arg2[%mul3A_2, %dma_start3A_12] : memref<8192x32xf32, #tpu.memory_space<hbm>> -> memref<256x32xf32, #tpu.memory_space<hbm>>
    %dma_start3A_14 = arith.constant 0 : i32
    %dma_start3A_15 = tpu.memref_slice %arg2[%mul3A_2, %dma_start3A_14] : memref<8192x32xf32, #tpu.memory_space<hbm>> -> memref<256x32xf32, #tpu.memory_space<hbm>>
    tpu.enqueue_dma source(%dma_start3A_15 : memref<256x32xf32, #tpu.memory_space<hbm>>) target(%arg10 : memref<256x32xf32, #tpu.memory_space<vmem>>) target_semaphore(%arg16 : memref<!tpu.dma_semaphore, #tpu.memory_space<semaphore_mem>>)
    %dma_wait3A = tpu.memref_slice %arg3[%mul3A_2] : memref<8192xi32, #tpu.memory_space<hbm>> -> memref<256xi32, #tpu.memory_space<hbm>>
    %dma_wait3A_16 = tpu.memref_slice %arg3[%mul3A_2] : memref<8192xi32, #tpu.memory_space<hbm>> -> memref<256xi32, #tpu.memory_space<hbm>>
    tpu.wait_dma2 semaphore(%arg14 : memref<!tpu.dma_semaphore, #tpu.memory_space<semaphore_mem>>) src(%dma_wait3A_16 : memref<256xi32, #tpu.memory_space<hbm>>) dst(%arg8 : memref<256xi32, #tpu.memory_space<vmem>>)
    "tpu.region"() ({
      %run_scoped3A = tpu.sem_alloc : memref<!tpu.dma_semaphore, #tpu.memory_space<semaphore_mem>>
      %dma_start3A_36 = arith.constant 0 : i32
      %dma_start3A_37 = arith.constant 0 : i32
      %dma_start3A_38 = tpu.memref_slice %arg2[%dma_start3A_36, %dma_start3A_37] : memref<8192x32xf32, #tpu.memory_space<hbm>> -> memref<8192x32xf32, #tpu.memory_space<hbm>>
      tpu.enqueue_indirect_dma source(%dma_start3A_38 : memref<8192x32xf32, #tpu.memory_space<hbm>>) target(%arg11 : memref<256x32xf32, #tpu.memory_space<vmem>>) offsets(%arg8 : memref<256xi32, #tpu.memory_space<vmem>>) semaphore(%run_scoped3A : memref<!tpu.dma_semaphore, #tpu.memory_space<semaphore_mem>>)
      %dma_wait3A_39 = arith.constant 0 : i32
      %dma_wait3A_40 = arith.constant 0 : i32
      %dma_wait3A_41 = tpu.memref_slice %arg2[%dma_wait3A_39, %dma_wait3A_40] : memref<8192x32xf32, #tpu.memory_space<hbm>> -> memref<8192x32xf32, #tpu.memory_space<hbm>>
      tpu.wait_indirect_dma semaphore(%run_scoped3A : memref<!tpu.dma_semaphore, #tpu.memory_space<semaphore_mem>>) src(%dma_wait3A_41 : memref<8192x32xf32, #tpu.memory_space<hbm>>) dst(%arg11 : memref<256x32xf32, #tpu.memory_space<vmem>>)
      tpu.yield
    }) : () -> ()
    %dma_start3A_17 = arith.constant 0 : i32
    %dma_start3A_18 = tpu.memref_slice %arg7[%mul3A_2, %dma_start3A_17] : memref<8192x32xf32, #tpu.memory_space<hbm>> -> memref<256x32xf32, #tpu.memory_space<hbm>>
    %dma_start3A_19 = arith.constant 0 : i32
    %dma_start3A_20 = tpu.memref_slice %arg7[%mul3A_2, %dma_start3A_19] : memref<8192x32xf32, #tpu.memory_space<hbm>> -> memref<256x32xf32, #tpu.memory_space<hbm>>
    tpu.enqueue_dma source(%arg11 : memref<256x32xf32, #tpu.memory_space<vmem>>) target(%dma_start3A_20 : memref<256x32xf32, #tpu.memory_space<hbm>>) target_semaphore(%arg14 : memref<!tpu.dma_semaphore, #tpu.memory_space<semaphore_mem>>)
    %dma_wait3A_21 = arith.constant 0 : i32
    %dma_wait3A_22 = tpu.memref_slice %arg12[%mul3A_4, %dma_wait3A_21] : memref<8208x32xf32, #tpu.memory_space<vmem_shared>> -> memref<512x32xf32, #tpu.memory_space<vmem_shared>>
    %dma_wait3A_23 = arith.constant 0 : i32
    %dma_wait3A_24 = tpu.memref_slice %arg5[%mul3A_4, %dma_wait3A_23] : memref<8192x32xf32, #tpu.memory_space<hbm>> -> memref<512x32xf32, #tpu.memory_space<hbm>>
    tpu.wait_dma2 semaphore(%arg13 : memref<!tpu.dma_semaphore, #tpu.memory_space<semaphore_mem>>) src(%dma_wait3A_24 : memref<512x32xf32, #tpu.memory_space<hbm>>) dst(%dma_wait3A_22 : memref<512x32xf32, #tpu.memory_space<vmem_shared>>)
    %dma_wait3A_25 = tpu.memref_slice %arg4[%mul3A_2] : memref<8192xi32, #tpu.memory_space<hbm>> -> memref<256xi32, #tpu.memory_space<hbm>>
    %dma_wait3A_26 = tpu.memref_slice %arg4[%mul3A_2] : memref<8192xi32, #tpu.memory_space<hbm>> -> memref<256xi32, #tpu.memory_space<hbm>>
    tpu.wait_dma2 semaphore(%arg15 : memref<!tpu.dma_semaphore, #tpu.memory_space<semaphore_mem>>) src(%dma_wait3A_26 : memref<256xi32, #tpu.memory_space<hbm>>) dst(%arg9 : memref<256xi32, #tpu.memory_space<vmem>>)
    %dma_wait3A_27 = arith.constant 0 : i32
    %dma_wait3A_28 = tpu.memref_slice %arg2[%mul3A_2, %dma_wait3A_27] : memref<8192x32xf32, #tpu.memory_space<hbm>> -> memref<256x32xf32, #tpu.memory_space<hbm>>
    %dma_wait3A_29 = arith.constant 0 : i32
    %dma_wait3A_30 = tpu.memref_slice %arg2[%mul3A_2, %dma_wait3A_29] : memref<8192x32xf32, #tpu.memory_space<hbm>> -> memref<256x32xf32, #tpu.memory_space<hbm>>
    tpu.wait_dma2 semaphore(%arg16 : memref<!tpu.dma_semaphore, #tpu.memory_space<semaphore_mem>>) src(%dma_wait3A_30 : memref<256x32xf32, #tpu.memory_space<hbm>>) dst(%arg10 : memref<256x32xf32, #tpu.memory_space<vmem>>)
    %barrier3A = arith.constant 0 : index
    tpu.barrier barrier_id(%barrier3A)
    "tpu.region"() ({
      %run_scoped3A = tpu.sem_alloc : memref<!tpu.dma_semaphore, #tpu.memory_space<semaphore_mem>>
      %dma_start3A_36 = arith.constant 0 : i32
      %dma_start3A_37 = arith.constant 0 : i32
      %dma_start3A_38 = tpu.memref_slice %arg12[%dma_start3A_36, %dma_start3A_37] : memref<8208x32xf32, #tpu.memory_space<vmem_shared>> -> memref<8208x32xf32, #tpu.memory_space<vmem_shared>>
      tpu.enqueue_indirect_dma source(%arg10 : memref<256x32xf32, #tpu.memory_space<vmem>>) target(%dma_start3A_38 : memref<8208x32xf32, #tpu.memory_space<vmem_shared>>) offsets(%arg9 : memref<256xi32, #tpu.memory_space<vmem>>) semaphore(%run_scoped3A : memref<!tpu.dma_semaphore, #tpu.memory_space<semaphore_mem>>) {add = true}
      %dma_wait3A_39 = arith.constant 0 : i32
      %dma_wait3A_40 = arith.constant 0 : i32
      %dma_wait3A_41 = tpu.memref_slice %arg12[%dma_wait3A_39, %dma_wait3A_40] : memref<8208x32xf32, #tpu.memory_space<vmem_shared>> -> memref<8208x32xf32, #tpu.memory_space<vmem_shared>>
      tpu.wait_indirect_dma semaphore(%run_scoped3A : memref<!tpu.dma_semaphore, #tpu.memory_space<semaphore_mem>>) src(%arg10 : memref<256x32xf32, #tpu.memory_space<vmem>>) dst(%dma_wait3A_41 : memref<8208x32xf32, #tpu.memory_space<vmem_shared>>)
      tpu.yield
    }) : () -> ()
    %barrier3A_31 = arith.constant 0 : index
    tpu.barrier barrier_id(%barrier3A_31)
    "tpu.region"() ({
      %run_scoped3A = tpu.sem_alloc : memref<!tpu.dma_semaphore, #tpu.memory_space<semaphore_mem>>
      %dma_start3A_36 = arith.constant 0 : i32
      %dma_start3A_37 = tpu.memref_slice %arg6[%arg0, %mul3A_4, %dma_start3A_36] : memref<2x8192x32xf32, #tpu.memory_space<hbm>> -> memref<1x512x32xf32, #tpu.memory_space<hbm>>
      %dma_start3A_38 = tpu.memref_squeeze %dma_start3A_37 : memref<1x512x32xf32, #tpu.memory_space<hbm>> -> memref<512x32xf32, #tpu.memory_space<hbm>>
      %dma_start3A_39 = arith.constant 0 : i32
      %dma_start3A_40 = tpu.memref_slice %arg12[%mul3A_4, %dma_start3A_39] : memref<8208x32xf32, #tpu.memory_space<vmem_shared>> -> memref<512x32xf32, #tpu.memory_space<vmem_shared>>
      tpu.enqueue_dma source(%dma_start3A_40 : memref<512x32xf32, #tpu.memory_space<vmem_shared>>) target(%dma_start3A_38 : memref<512x32xf32, #tpu.memory_space<hbm>>) target_semaphore(%run_scoped3A : memref<!tpu.dma_semaphore, #tpu.memory_space<semaphore_mem>>)
      %dma_wait3A_41 = arith.constant 0 : i32
      %dma_wait3A_42 = tpu.memref_slice %arg6[%arg0, %mul3A_4, %dma_wait3A_41] : memref<2x8192x32xf32, #tpu.memory_space<hbm>> -> memref<1x512x32xf32, #tpu.memory_space<hbm>>
      %dma_wait3A_43 = tpu.memref_squeeze %dma_wait3A_42 : memref<1x512x32xf32, #tpu.memory_space<hbm>> -> memref<512x32xf32, #tpu.memory_space<hbm>>
      %dma_wait3A_44 = arith.constant 0 : i32
      %dma_wait3A_45 = tpu.memref_slice %arg12[%mul3A_4, %dma_wait3A_44] : memref<8208x32xf32, #tpu.memory_space<vmem_shared>> -> memref<512x32xf32, #tpu.memory_space<vmem_shared>>
      tpu.wait_dma2 semaphore(%run_scoped3A : memref<!tpu.dma_semaphore, #tpu.memory_space<semaphore_mem>>) src(%dma_wait3A_45 : memref<512x32xf32, #tpu.memory_space<vmem_shared>>) dst(%dma_wait3A_43 : memref<512x32xf32, #tpu.memory_space<hbm>>)
      tpu.yield
    }) : () -> ()
    %dma_wait3A_32 = arith.constant 0 : i32
    %dma_wait3A_33 = tpu.memref_slice %arg7[%mul3A_2, %dma_wait3A_32] : memref<8192x32xf32, #tpu.memory_space<hbm>> -> memref<256x32xf32, #tpu.memory_space<hbm>>
    %dma_wait3A_34 = arith.constant 0 : i32
    %dma_wait3A_35 = tpu.memref_slice %arg7[%mul3A_2, %dma_wait3A_34] : memref<8192x32xf32, #tpu.memory_space<hbm>> -> memref<256x32xf32, #tpu.memory_space<hbm>>
    tpu.wait_dma2 semaphore(%arg14 : memref<!tpu.dma_semaphore, #tpu.memory_space<semaphore_mem>>) src(%arg11 : memref<256x32xf32, #tpu.memory_space<vmem>>) dst(%dma_wait3A_35 : memref<256x32xf32, #tpu.memory_space<hbm>>)
    return
  }
}

#map = affine_map<(d0, d1) -> (0)>
#map1 = affine_map<(d0, d1) -> (0, 0)>
module attributes {stable_mosaic.version = 14 : i64} {
  func.func @k(%arg0: i32, %arg1: i32, %arg2: memref<8192xi32, #tpu.memory_space<hbm>>, %arg3: memref<16x8192xi32, #tpu.memory_space<hbm>>, %arg4: memref<16x8192xf32, #tpu.memory_space<hbm>>, %arg5: memref<8192xi32, #tpu.memory_space<hbm>>, %arg6: memref<8192x32xf32, #tpu.memory_space<hbm>>, %arg7: memref<8192xi32, #tpu.memory_space<hbm>>, %arg8: memref<8192xi32, #tpu.memory_space<vmem>>, %arg9: memref<16x256xi32, #tpu.memory_space<vmem>>, %arg10: memref<16x256xf32, #tpu.memory_space<vmem>>, %arg11: memref<256xi32, #tpu.memory_space<vmem>>, %arg12: memref<256x32xf32, #tpu.memory_space<vmem>>, %arg13: memref<256xi32, #tpu.memory_space<vmem>>, %arg14: memref<!tpu.dma_semaphore, #tpu.memory_space<semaphore_mem>>, %arg15: memref<!tpu.dma_semaphore, #tpu.memory_space<semaphore_mem>>, %arg16: memref<!tpu.dma_semaphore, #tpu.memory_space<semaphore_mem>>, %arg17: memref<!tpu.dma_semaphore, #tpu.memory_space<semaphore_mem>>) attributes {dimension_semantics = [#tpu.dimension_semantics<core_parallel>, #tpu.dimension_semantics<subcore_parallel>], iteration_bounds = array<i64: 2, 16>, scalar_prefetch = 0 : i64, scratch_operands = 10 : i64, tpu.core_type = #tpu.core_type<sc_vector_subcore>, window_params = [{transform_indices = #map}, {transform_indices = #map1}, {transform_indices = #map1}, {transform_indices = #map}, {transform_indices = #map1}, {transform_indices = #map}]} {
    %mul3A = arith.constant 2 : i32
    %mul3A_0 = arith.muli %arg1, %mul3A : i32
    %add3A = arith.addi %mul3A_0, %arg0 : i32
    %mul3A_1 = arith.constant 256 : i32
    %mul3A_2 = arith.muli %add3A, %mul3A_1 : i32
    tpu.enqueue_dma source(%arg2 : memref<8192xi32, #tpu.memory_space<hbm>>) target(%arg8 : memref<8192xi32, #tpu.memory_space<vmem>>) target_semaphore(%arg14 : memref<!tpu.dma_semaphore, #tpu.memory_space<semaphore_mem>>)
    %dma_start3A = arith.constant 0 : i32
    %dma_start3A_3 = tpu.memref_slice %arg3[%dma_start3A, %mul3A_2] : memref<16x8192xi32, #tpu.memory_space<hbm>> -> memref<16x256xi32, #tpu.memory_space<hbm>>
    %dma_start3A_4 = arith.constant 0 : i32
    %dma_start3A_5 = tpu.memref_slice %arg3[%dma_start3A_4, %mul3A_2] : memref<16x8192xi32, #tpu.memory_space<hbm>> -> memref<16x256xi32, #tpu.memory_space<hbm>>
    tpu.enqueue_dma source(%dma_start3A_5 : memref<16x256xi32, #tpu.memory_space<hbm>>) target(%arg9 : memref<16x256xi32, #tpu.memory_space<vmem>>) target_semaphore(%arg15 : memref<!tpu.dma_semaphore, #tpu.memory_space<semaphore_mem>>)
    %dma_start3A_6 = arith.constant 0 : i32
    %dma_start3A_7 = tpu.memref_slice %arg4[%dma_start3A_6, %mul3A_2] : memref<16x8192xf32, #tpu.memory_space<hbm>> -> memref<16x256xf32, #tpu.memory_space<hbm>>
    %dma_start3A_8 = arith.constant 0 : i32
    %dma_start3A_9 = tpu.memref_slice %arg4[%dma_start3A_8, %mul3A_2] : memref<16x8192xf32, #tpu.memory_space<hbm>> -> memref<16x256xf32, #tpu.memory_space<hbm>>
    tpu.enqueue_dma source(%dma_start3A_9 : memref<16x256xf32, #tpu.memory_space<hbm>>) target(%arg10 : memref<16x256xf32, #tpu.memory_space<vmem>>) target_semaphore(%arg16 : memref<!tpu.dma_semaphore, #tpu.memory_space<semaphore_mem>>)
    %dma_start3A_10 = tpu.memref_slice %arg5[%mul3A_2] : memref<8192xi32, #tpu.memory_space<hbm>> -> memref<256xi32, #tpu.memory_space<hbm>>
    %dma_start3A_11 = tpu.memref_slice %arg5[%mul3A_2] : memref<8192xi32, #tpu.memory_space<hbm>> -> memref<256xi32, #tpu.memory_space<hbm>>
    tpu.enqueue_dma source(%dma_start3A_11 : memref<256xi32, #tpu.memory_space<hbm>>) target(%arg11 : memref<256xi32, #tpu.memory_space<vmem>>) target_semaphore(%arg17 : memref<!tpu.dma_semaphore, #tpu.memory_space<semaphore_mem>>)
    %broadcast_in_dim3A = arith.constant 0.000000e+00 : f32
    %broadcast_in_dim3A_12 = vector.broadcast %broadcast_in_dim3A : f32 to vector<16xf32>
    %parallel_loop3A = arith.constant 0 : i32
    %parallel_loop3A_13 = arith.constant 256 : i32
    %parallel_loop3A_14 = arith.constant 1 : i32
    scf.for %parallel_loop3A_30 = %parallel_loop3A to %parallel_loop3A_13 step %parallel_loop3A_14  : i32 {
      %parallel_loop3A_31 = arith.index_cast %parallel_loop3A_30 : i32 to index
      %parallel_loop3A_32 = arith.constant 0 : index
      %parallel_loop3A_33 = tpu.vector_load %arg12[%parallel_loop3A_31, %parallel_loop3A_32] {strides = array<i32>} : memref<256x32xf32, #tpu.memory_space<vmem>>, vector<16xf32>,
      tpu.vector_store %arg12[%parallel_loop3A_31, %parallel_loop3A_32], %broadcast_in_dim3A_12 {strides = array<i32>} : memref<256x32xf32, #tpu.memory_space<vmem>>, vector<16xf32>,
      %parallel_loop3A_34 = arith.index_cast %parallel_loop3A_30 : i32 to index
      %parallel_loop3A_35 = arith.constant 16 : index
      %parallel_loop3A_36 = tpu.vector_load %arg12[%parallel_loop3A_34, %parallel_loop3A_35] {strides = array<i32>} : memref<256x32xf32, #tpu.memory_space<vmem>>, vector<16xf32>,
      tpu.vector_store %arg12[%parallel_loop3A_34, %parallel_loop3A_35], %broadcast_in_dim3A_12 {strides = array<i32>} : memref<256x32xf32, #tpu.memory_space<vmem>>, vector<16xf32>,
    } {sc.loop_unroll_factor = 4 : i64, sc.parallel_access}
    tpu.wait_dma2 semaphore(%arg14 : memref<!tpu.dma_semaphore, #tpu.memory_space<semaphore_mem>>) src(%arg2 : memref<8192xi32, #tpu.memory_space<hbm>>) dst(%arg8 : memref<8192xi32, #tpu.memory_space<vmem>>)
    %dma_wait3A = arith.constant 0 : i32
    %dma_wait3A_15 = tpu.memref_slice %arg3[%dma_wait3A, %mul3A_2] : memref<16x8192xi32, #tpu.memory_space<hbm>> -> memref<16x256xi32, #tpu.memory_space<hbm>>
    %dma_wait3A_16 = arith.constant 0 : i32
    %dma_wait3A_17 = tpu.memref_slice %arg3[%dma_wait3A_16, %mul3A_2] : memref<16x8192xi32, #tpu.memory_space<hbm>> -> memref<16x256xi32, #tpu.memory_space<hbm>>
    tpu.wait_dma2 semaphore(%arg15 : memref<!tpu.dma_semaphore, #tpu.memory_space<semaphore_mem>>) src(%dma_wait3A_17 : memref<16x256xi32, #tpu.memory_space<hbm>>) dst(%arg9 : memref<16x256xi32, #tpu.memory_space<vmem>>)
    %dma_wait3A_18 = arith.constant 0 : i32
    %dma_wait3A_19 = tpu.memref_slice %arg4[%dma_wait3A_18, %mul3A_2] : memref<16x8192xf32, #tpu.memory_space<hbm>> -> memref<16x256xf32, #tpu.memory_space<hbm>>
    %dma_wait3A_20 = arith.constant 0 : i32
    %dma_wait3A_21 = tpu.memref_slice %arg4[%dma_wait3A_20, %mul3A_2] : memref<16x8192xf32, #tpu.memory_space<hbm>> -> memref<16x256xf32, #tpu.memory_space<hbm>>
    tpu.wait_dma2 semaphore(%arg16 : memref<!tpu.dma_semaphore, #tpu.memory_space<semaphore_mem>>) src(%dma_wait3A_21 : memref<16x256xf32, #tpu.memory_space<hbm>>) dst(%arg10 : memref<16x256xf32, #tpu.memory_space<vmem>>)
    %dma_wait3A_22 = tpu.memref_slice %arg5[%mul3A_2] : memref<8192xi32, #tpu.memory_space<hbm>> -> memref<256xi32, #tpu.memory_space<hbm>>
    %dma_wait3A_23 = tpu.memref_slice %arg5[%mul3A_2] : memref<8192xi32, #tpu.memory_space<hbm>> -> memref<256xi32, #tpu.memory_space<hbm>>
    tpu.wait_dma2 semaphore(%arg17 : memref<!tpu.dma_semaphore, #tpu.memory_space<semaphore_mem>>) src(%dma_wait3A_23 : memref<256xi32, #tpu.memory_space<hbm>>) dst(%arg11 : memref<256xi32, #tpu.memory_space<vmem>>)
    %iota3A = tpu.iota {dimensions = array<i32: 0>} : vector<16xi32>
    %parallel_loop3A_24 = arith.constant 0 : i32
    %parallel_loop3A_25 = arith.constant 256 : i32
    %parallel_loop3A_26 = arith.constant 16 : i32
    scf.for %parallel_loop3A_30 = %parallel_loop3A_24 to %parallel_loop3A_25 step %parallel_loop3A_26  : i32 {
      %parallel_loop3A_31 = vector.broadcast %parallel_loop3A_30 : i32 to vector<16xi32>
      %parallel_loop3A_32 = arith.addi %iota3A, %parallel_loop3A_31 : vector<16xi32>
      %parallel_loop3A_33 = arith.constant 0 : i32
      %parallel_loop3A_34 = arith.index_cast %parallel_loop3A_33 : i32 to index
      %parallel_loop3A_35 = arith.index_cast %parallel_loop3A_30 : i32 to index
      %parallel_loop3A_36 = tpu.vector_load %arg9[%parallel_loop3A_34, %parallel_loop3A_35] {strides = array<i32>} : memref<16x256xi32, #tpu.memory_space<vmem>>, vector<16xi32>,
      %parallel_loop3A_37 = tpu.vector_load_idx %arg8[%parallel_loop3A_36] : memref<8192xi32, #tpu.memory_space<vmem>>[vector<16xi32>], vector<16xi32>,
      %parallel_loop3A_38 = arith.constant 0 : i32
      %parallel_loop3A_39 = arith.index_cast %parallel_loop3A_38 : i32 to index
      %parallel_loop3A_40 = arith.index_cast %parallel_loop3A_30 : i32 to index
      %parallel_loop3A_41 = tpu.vector_load %arg10[%parallel_loop3A_39, %parallel_loop3A_40] {strides = array<i32>} : memref<16x256xf32, #tpu.memory_space<vmem>>, vector<16xf32>,
      tpu.vector_store_idx %arg12[%parallel_loop3A_32, %parallel_loop3A_37], %parallel_loop3A_41 {add = true} : memref<256x32xf32, #tpu.memory_space<vmem>>[vector<16xi32>, vector<16xi32>], vector<16xf32>,
      %parallel_loop3A_42 = arith.constant 1 : i32
      %parallel_loop3A_43 = arith.index_cast %parallel_loop3A_42 : i32 to index
      %parallel_loop3A_44 = arith.index_cast %parallel_loop3A_30 : i32 to index
      %parallel_loop3A_45 = tpu.vector_load %arg9[%parallel_loop3A_43, %parallel_loop3A_44] {strides = array<i32>} : memref<16x256xi32, #tpu.memory_space<vmem>>, vector<16xi32>,
      %parallel_loop3A_46 = tpu.vector_load_idx %arg8[%parallel_loop3A_45] : memref<8192xi32, #tpu.memory_space<vmem>>[vector<16xi32>], vector<16xi32>,
      %parallel_loop3A_47 = arith.constant 1 : i32
      %parallel_loop3A_48 = arith.index_cast %parallel_loop3A_47 : i32 to index
      %parallel_loop3A_49 = arith.index_cast %parallel_loop3A_30 : i32 to index
      %parallel_loop3A_50 = tpu.vector_load %arg10[%parallel_loop3A_48, %parallel_loop3A_49] {strides = array<i32>} : memref<16x256xf32, #tpu.memory_space<vmem>>, vector<16xf32>,
      tpu.vector_store_idx %arg12[%parallel_loop3A_32, %parallel_loop3A_46], %parallel_loop3A_50 {add = true} : memref<256x32xf32, #tpu.memory_space<vmem>>[vector<16xi32>, vector<16xi32>], vector<16xf32>,
      %parallel_loop3A_51 = arith.constant 2 : i32
      %parallel_loop3A_52 = arith.index_cast %parallel_loop3A_51 : i32 to index
      %parallel_loop3A_53 = arith.index_cast %parallel_loop3A_30 : i32 to index
      %parallel_loop3A_54 = tpu.vector_load %arg9[%parallel_loop3A_52, %parallel_loop3A_53] {strides = array<i32>} : memref<16x256xi32, #tpu.memory_space<vmem>>, vector<16xi32>,
      %parallel_loop3A_55 = tpu.vector_load_idx %arg8[%parallel_loop3A_54] : memref<8192xi32, #tpu.memory_space<vmem>>[vector<16xi32>], vector<16xi32>,
      %parallel_loop3A_56 = arith.constant 2 : i32
      %parallel_loop3A_57 = arith.index_cast %parallel_loop3A_56 : i32 to index
      %parallel_loop3A_58 = arith.index_cast %parallel_loop3A_30 : i32 to index
      %parallel_loop3A_59 = tpu.vector_load %arg10[%parallel_loop3A_57, %parallel_loop3A_58] {strides = array<i32>} : memref<16x256xf32, #tpu.memory_space<vmem>>, vector<16xf32>,
      tpu.vector_store_idx %arg12[%parallel_loop3A_32, %parallel_loop3A_55], %parallel_loop3A_59 {add = true} : memref<256x32xf32, #tpu.memory_space<vmem>>[vector<16xi32>, vector<16xi32>], vector<16xf32>,
      %parallel_loop3A_60 = arith.constant 3 : i32
      %parallel_loop3A_61 = arith.index_cast %parallel_loop3A_60 : i32 to index
      %parallel_loop3A_62 = arith.index_cast %parallel_loop3A_30 : i32 to index
      %parallel_loop3A_63 = tpu.vector_load %arg9[%parallel_loop3A_61, %parallel_loop3A_62] {strides = array<i32>} : memref<16x256xi32, #tpu.memory_space<vmem>>, vector<16xi32>,
      %parallel_loop3A_64 = tpu.vector_load_idx %arg8[%parallel_loop3A_63] : memref<8192xi32, #tpu.memory_space<vmem>>[vector<16xi32>], vector<16xi32>,
      %parallel_loop3A_65 = arith.constant 3 : i32
      %parallel_loop3A_66 = arith.index_cast %parallel_loop3A_65 : i32 to index
      %parallel_loop3A_67 = arith.index_cast %parallel_loop3A_30 : i32 to index
      %parallel_loop3A_68 = tpu.vector_load %arg10[%parallel_loop3A_66, %parallel_loop3A_67] {strides = array<i32>} : memref<16x256xf32, #tpu.memory_space<vmem>>, vector<16xf32>,
      tpu.vector_store_idx %arg12[%parallel_loop3A_32, %parallel_loop3A_64], %parallel_loop3A_68 {add = true} : memref<256x32xf32, #tpu.memory_space<vmem>>[vector<16xi32>, vector<16xi32>], vector<16xf32>,
      %parallel_loop3A_69 = arith.constant 4 : i32
      %parallel_loop3A_70 = arith.index_cast %parallel_loop3A_69 : i32 to index
      %parallel_loop3A_71 = arith.index_cast %parallel_loop3A_30 : i32 to index
      %parallel_loop3A_72 = tpu.vector_load %arg9[%parallel_loop3A_70, %parallel_loop3A_71] {strides = array<i32>} : memref<16x256xi32, #tpu.memory_space<vmem>>, vector<16xi32>,
      %parallel_loop3A_73 = tpu.vector_load_idx %arg8[%parallel_loop3A_72] : memref<8192xi32, #tpu.memory_space<vmem>>[vector<16xi32>], vector<16xi32>,
      %parallel_loop3A_74 = arith.constant 4 : i32
      %parallel_loop3A_75 = arith.index_cast %parallel_loop3A_74 : i32 to index
      %parallel_loop3A_76 = arith.index_cast %parallel_loop3A_30 : i32 to index
      %parallel_loop3A_77 = tpu.vector_load %arg10[%parallel_loop3A_75, %parallel_loop3A_76] {strides = array<i32>} : memref<16x256xf32, #tpu.memory_space<vmem>>, vector<16xf32>,
      tpu.vector_store_idx %arg12[%parallel_loop3A_32, %parallel_loop3A_73], %parallel_loop3A_77 {add = true} : memref<256x32xf32, #tpu.memory_space<vmem>>[vector<16xi32>, vector<16xi32>], vector<16xf32>,
      %parallel_loop3A_78 = arith.constant 5 : i32
      %parallel_loop3A_79 = arith.index_cast %parallel_loop3A_78 : i32 to index
      %parallel_loop3A_80 = arith.index_cast %parallel_loop3A_30 : i32 to index
      %parallel_loop3A_81 = tpu.vector_load %arg9[%parallel_loop3A_79, %parallel_loop3A_80] {strides = array<i32>} : memref<16x256xi32, #tpu.memory_space<vmem>>, vector<16xi32>,
      %parallel_loop3A_82 = tpu.vector_load_idx %arg8[%parallel_loop3A_81] : memref<8192xi32, #tpu.memory_space<vmem>>[vector<16xi32>], vector<16xi32>,
      %parallel_loop3A_83 = arith.constant 5 : i32
      %parallel_loop3A_84 = arith.index_cast %parallel_loop3A_83 : i32 to index
      %parallel_loop3A_85 = arith.index_cast %parallel_loop3A_30 : i32 to index
      %parallel_loop3A_86 = tpu.vector_load %arg10[%parallel_loop3A_84, %parallel_loop3A_85] {strides = array<i32>} : memref<16x256xf32, #tpu.memory_space<vmem>>, vector<16xf32>,
      tpu.vector_store_idx %arg12[%parallel_loop3A_32, %parallel_loop3A_82], %parallel_loop3A_86 {add = true} : memref<256x32xf32, #tpu.memory_space<vmem>>[vector<16xi32>, vector<16xi32>], vector<16xf32>,
      %parallel_loop3A_87 = arith.constant 6 : i32
      %parallel_loop3A_88 = arith.index_cast %parallel_loop3A_87 : i32 to index
      %parallel_loop3A_89 = arith.index_cast %parallel_loop3A_30 : i32 to index
      %parallel_loop3A_90 = tpu.vector_load %arg9[%parallel_loop3A_88, %parallel_loop3A_89] {strides = array<i32>} : memref<16x256xi32, #tpu.memory_space<vmem>>, vector<16xi32>,
      %parallel_loop3A_91 = tpu.vector_load_idx %arg8[%parallel_loop3A_90] : memref<8192xi32, #tpu.memory_space<vmem>>[vector<16xi32>], vector<16xi32>,
      %parallel_loop3A_92 = arith.constant 6 : i32
      %parallel_loop3A_93 = arith.index_cast %parallel_loop3A_92 : i32 to index
      %parallel_loop3A_94 = arith.index_cast %parallel_loop3A_30 : i32 to index
      %parallel_loop3A_95 = tpu.vector_load %arg10[%parallel_loop3A_93, %parallel_loop3A_94] {strides = array<i32>} : memref<16x256xf32, #tpu.memory_space<vmem>>, vector<16xf32>,
      tpu.vector_store_idx %arg12[%parallel_loop3A_32, %parallel_loop3A_91], %parallel_loop3A_95 {add = true} : memref<256x32xf32, #tpu.memory_space<vmem>>[vector<16xi32>, vector<16xi32>], vector<16xf32>,
      %parallel_loop3A_96 = arith.constant 7 : i32
      %parallel_loop3A_97 = arith.index_cast %parallel_loop3A_96 : i32 to index
      %parallel_loop3A_98 = arith.index_cast %parallel_loop3A_30 : i32 to index
      %parallel_loop3A_99 = tpu.vector_load %arg9[%parallel_loop3A_97, %parallel_loop3A_98] {strides = array<i32>} : memref<16x256xi32, #tpu.memory_space<vmem>>, vector<16xi32>,
      %parallel_loop3A_100 = tpu.vector_load_idx %arg8[%parallel_loop3A_99] : memref<8192xi32, #tpu.memory_space<vmem>>[vector<16xi32>], vector<16xi32>,
      %parallel_loop3A_101 = arith.constant 7 : i32
      %parallel_loop3A_102 = arith.index_cast %parallel_loop3A_101 : i32 to index
      %parallel_loop3A_103 = arith.index_cast %parallel_loop3A_30 : i32 to index
      %parallel_loop3A_104 = tpu.vector_load %arg10[%parallel_loop3A_102, %parallel_loop3A_103] {strides = array<i32>} : memref<16x256xf32, #tpu.memory_space<vmem>>, vector<16xf32>,
      tpu.vector_store_idx %arg12[%parallel_loop3A_32, %parallel_loop3A_100], %parallel_loop3A_104 {add = true} : memref<256x32xf32, #tpu.memory_space<vmem>>[vector<16xi32>, vector<16xi32>], vector<16xf32>,
      %parallel_loop3A_105 = arith.constant 8 : i32
      %parallel_loop3A_106 = arith.index_cast %parallel_loop3A_105 : i32 to index
      %parallel_loop3A_107 = arith.index_cast %parallel_loop3A_30 : i32 to index
      %parallel_loop3A_108 = tpu.vector_load %arg9[%parallel_loop3A_106, %parallel_loop3A_107] {strides = array<i32>} : memref<16x256xi32, #tpu.memory_space<vmem>>, vector<16xi32>,
      %parallel_loop3A_109 = tpu.vector_load_idx %arg8[%parallel_loop3A_108] : memref<8192xi32, #tpu.memory_space<vmem>>[vector<16xi32>], vector<16xi32>,
      %parallel_loop3A_110 = arith.constant 8 : i32
      %parallel_loop3A_111 = arith.index_cast %parallel_loop3A_110 : i32 to index
      %parallel_loop3A_112 = arith.index_cast %parallel_loop3A_30 : i32 to index
      %parallel_loop3A_113 = tpu.vector_load %arg10[%parallel_loop3A_111, %parallel_loop3A_112] {strides = array<i32>} : memref<16x256xf32, #tpu.memory_space<vmem>>, vector<16xf32>,
      tpu.vector_store_idx %arg12[%parallel_loop3A_32, %parallel_loop3A_109], %parallel_loop3A_113 {add = true} : memref<256x32xf32, #tpu.memory_space<vmem>>[vector<16xi32>, vector<16xi32>], vector<16xf32>,
      %parallel_loop3A_114 = arith.constant 9 : i32
      %parallel_loop3A_115 = arith.index_cast %parallel_loop3A_114 : i32 to index
      %parallel_loop3A_116 = arith.index_cast %parallel_loop3A_30 : i32 to index
      %parallel_loop3A_117 = tpu.vector_load %arg9[%parallel_loop3A_115, %parallel_loop3A_116] {strides = array<i32>} : memref<16x256xi32, #tpu.memory_space<vmem>>, vector<16xi32>,
      %parallel_loop3A_118 = tpu.vector_load_idx %arg8[%parallel_loop3A_117] : memref<8192xi32, #tpu.memory_space<vmem>>[vector<16xi32>], vector<16xi32>,
      %parallel_loop3A_119 = arith.constant 9 : i32
      %parallel_loop3A_120 = arith.index_cast %parallel_loop3A_119 : i32 to index
      %parallel_loop3A_121 = arith.index_cast %parallel_loop3A_30 : i32 to index
      %parallel_loop3A_122 = tpu.vector_load %arg10[%parallel_loop3A_120, %parallel_loop3A_121] {strides = array<i32>} : memref<16x256xf32, #tpu.memory_space<vmem>>, vector<16xf32>,
      tpu.vector_store_idx %arg12[%parallel_loop3A_32, %parallel_loop3A_118], %parallel_loop3A_122 {add = true} : memref<256x32xf32, #tpu.memory_space<vmem>>[vector<16xi32>, vector<16xi32>], vector<16xf32>,
      %parallel_loop3A_123 = arith.constant 10 : i32
      %parallel_loop3A_124 = arith.index_cast %parallel_loop3A_123 : i32 to index
      %parallel_loop3A_125 = arith.index_cast %parallel_loop3A_30 : i32 to index
      %parallel_loop3A_126 = tpu.vector_load %arg9[%parallel_loop3A_124, %parallel_loop3A_125] {strides = array<i32>} : memref<16x256xi32, #tpu.memory_space<vmem>>, vector<16xi32>,
      %parallel_loop3A_127 = tpu.vector_load_idx %arg8[%parallel_loop3A_126] : memref<8192xi32, #tpu.memory_space<vmem>>[vector<16xi32>], vector<16xi32>,
      %parallel_loop3A_128 = arith.constant 10 : i32
      %parallel_loop3A_129 = arith.index_cast %parallel_loop3A_128 : i32 to index
      %parallel_loop3A_130 = arith.index_cast %parallel_loop3A_30 : i32 to index
      %parallel_loop3A_131 = tpu.vector_load %arg10[%parallel_loop3A_129, %parallel_loop3A_130] {strides = array<i32>} : memref<16x256xf32, #tpu.memory_space<vmem>>, vector<16xf32>,
      tpu.vector_store_idx %arg12[%parallel_loop3A_32, %parallel_loop3A_127], %parallel_loop3A_131 {add = true} : memref<256x32xf32, #tpu.memory_space<vmem>>[vector<16xi32>, vector<16xi32>], vector<16xf32>,
      %parallel_loop3A_132 = arith.constant 11 : i32
      %parallel_loop3A_133 = arith.index_cast %parallel_loop3A_132 : i32 to index
      %parallel_loop3A_134 = arith.index_cast %parallel_loop3A_30 : i32 to index
      %parallel_loop3A_135 = tpu.vector_load %arg9[%parallel_loop3A_133, %parallel_loop3A_134] {strides = array<i32>} : memref<16x256xi32, #tpu.memory_space<vmem>>, vector<16xi32>,
      %parallel_loop3A_136 = tpu.vector_load_idx %arg8[%parallel_loop3A_135] : memref<8192xi32, #tpu.memory_space<vmem>>[vector<16xi32>], vector<16xi32>,
      %parallel_loop3A_137 = arith.constant 11 : i32
      %parallel_loop3A_138 = arith.index_cast %parallel_loop3A_137 : i32 to index
      %parallel_loop3A_139 = arith.index_cast %parallel_loop3A_30 : i32 to index
      %parallel_loop3A_140 = tpu.vector_load %arg10[%parallel_loop3A_138, %parallel_loop3A_139] {strides = array<i32>} : memref<16x256xf32, #tpu.memory_space<vmem>>, vector<16xf32>,
      tpu.vector_store_idx %arg12[%parallel_loop3A_32, %parallel_loop3A_136], %parallel_loop3A_140 {add = true} : memref<256x32xf32, #tpu.memory_space<vmem>>[vector<16xi32>, vector<16xi32>], vector<16xf32>,
      %parallel_loop3A_141 = arith.constant 12 : i32
      %parallel_loop3A_142 = arith.index_cast %parallel_loop3A_141 : i32 to index
      %parallel_loop3A_143 = arith.index_cast %parallel_loop3A_30 : i32 to index
      %parallel_loop3A_144 = tpu.vector_load %arg9[%parallel_loop3A_142, %parallel_loop3A_143] {strides = array<i32>} : memref<16x256xi32, #tpu.memory_space<vmem>>, vector<16xi32>,
      %parallel_loop3A_145 = tpu.vector_load_idx %arg8[%parallel_loop3A_144] : memref<8192xi32, #tpu.memory_space<vmem>>[vector<16xi32>], vector<16xi32>,
      %parallel_loop3A_146 = arith.constant 12 : i32
      %parallel_loop3A_147 = arith.index_cast %parallel_loop3A_146 : i32 to index
      %parallel_loop3A_148 = arith.index_cast %parallel_loop3A_30 : i32 to index
      %parallel_loop3A_149 = tpu.vector_load %arg10[%parallel_loop3A_147, %parallel_loop3A_148] {strides = array<i32>} : memref<16x256xf32, #tpu.memory_space<vmem>>, vector<16xf32>,
      tpu.vector_store_idx %arg12[%parallel_loop3A_32, %parallel_loop3A_145], %parallel_loop3A_149 {add = true} : memref<256x32xf32, #tpu.memory_space<vmem>>[vector<16xi32>, vector<16xi32>], vector<16xf32>,
      %parallel_loop3A_150 = arith.constant 13 : i32
      %parallel_loop3A_151 = arith.index_cast %parallel_loop3A_150 : i32 to index
      %parallel_loop3A_152 = arith.index_cast %parallel_loop3A_30 : i32 to index
      %parallel_loop3A_153 = tpu.vector_load %arg9[%parallel_loop3A_151, %parallel_loop3A_152] {strides = array<i32>} : memref<16x256xi32, #tpu.memory_space<vmem>>, vector<16xi32>,
      %parallel_loop3A_154 = tpu.vector_load_idx %arg8[%parallel_loop3A_153] : memref<8192xi32, #tpu.memory_space<vmem>>[vector<16xi32>], vector<16xi32>,
      %parallel_loop3A_155 = arith.constant 13 : i32
      %parallel_loop3A_156 = arith.index_cast %parallel_loop3A_155 : i32 to index
      %parallel_loop3A_157 = arith.index_cast %parallel_loop3A_30 : i32 to index
      %parallel_loop3A_158 = tpu.vector_load %arg10[%parallel_loop3A_156, %parallel_loop3A_157] {strides = array<i32>} : memref<16x256xf32, #tpu.memory_space<vmem>>, vector<16xf32>,
      tpu.vector_store_idx %arg12[%parallel_loop3A_32, %parallel_loop3A_154], %parallel_loop3A_158 {add = true} : memref<256x32xf32, #tpu.memory_space<vmem>>[vector<16xi32>, vector<16xi32>], vector<16xf32>,
      %parallel_loop3A_159 = arith.constant 14 : i32
      %parallel_loop3A_160 = arith.index_cast %parallel_loop3A_159 : i32 to index
      %parallel_loop3A_161 = arith.index_cast %parallel_loop3A_30 : i32 to index
      %parallel_loop3A_162 = tpu.vector_load %arg9[%parallel_loop3A_160, %parallel_loop3A_161] {strides = array<i32>} : memref<16x256xi32, #tpu.memory_space<vmem>>, vector<16xi32>,
      %parallel_loop3A_163 = tpu.vector_load_idx %arg8[%parallel_loop3A_162] : memref<8192xi32, #tpu.memory_space<vmem>>[vector<16xi32>], vector<16xi32>,
      %parallel_loop3A_164 = arith.constant 14 : i32
      %parallel_loop3A_165 = arith.index_cast %parallel_loop3A_164 : i32 to index
      %parallel_loop3A_166 = arith.index_cast %parallel_loop3A_30 : i32 to index
      %parallel_loop3A_167 = tpu.vector_load %arg10[%parallel_loop3A_165, %parallel_loop3A_166] {strides = array<i32>} : memref<16x256xf32, #tpu.memory_space<vmem>>, vector<16xf32>,
      tpu.vector_store_idx %arg12[%parallel_loop3A_32, %parallel_loop3A_163], %parallel_loop3A_167 {add = true} : memref<256x32xf32, #tpu.memory_space<vmem>>[vector<16xi32>, vector<16xi32>], vector<16xf32>,
      %parallel_loop3A_168 = arith.constant 15 : i32
      %parallel_loop3A_169 = arith.index_cast %parallel_loop3A_168 : i32 to index
      %parallel_loop3A_170 = arith.index_cast %parallel_loop3A_30 : i32 to index
      %parallel_loop3A_171 = tpu.vector_load %arg9[%parallel_loop3A_169, %parallel_loop3A_170] {strides = array<i32>} : memref<16x256xi32, #tpu.memory_space<vmem>>, vector<16xi32>,
      %parallel_loop3A_172 = tpu.vector_load_idx %arg8[%parallel_loop3A_171] : memref<8192xi32, #tpu.memory_space<vmem>>[vector<16xi32>], vector<16xi32>,
      %parallel_loop3A_173 = arith.constant 15 : i32
      %parallel_loop3A_174 = arith.index_cast %parallel_loop3A_173 : i32 to index
      %parallel_loop3A_175 = arith.index_cast %parallel_loop3A_30 : i32 to index
      %parallel_loop3A_176 = tpu.vector_load %arg10[%parallel_loop3A_174, %parallel_loop3A_175] {strides = array<i32>} : memref<16x256xf32, #tpu.memory_space<vmem>>, vector<16xf32>,
      tpu.vector_store_idx %arg12[%parallel_loop3A_32, %parallel_loop3A_172], %parallel_loop3A_176 {add = true} : memref<256x32xf32, #tpu.memory_space<vmem>>[vector<16xi32>, vector<16xi32>], vector<16xf32>,
    } {sc.loop_unroll_factor = 1 : i64, sc.parallel_access}
    %parallel_loop3A_27 = arith.constant 0 : i32
    %parallel_loop3A_28 = arith.constant 256 : i32
    %parallel_loop3A_29 = arith.constant 16 : i32
    scf.for %parallel_loop3A_30 = %parallel_loop3A_27 to %parallel_loop3A_28 step %parallel_loop3A_29  : i32 {
      %parallel_loop3A_31 = arith.index_cast %parallel_loop3A_30 : i32 to index
      %parallel_loop3A_32 = tpu.vector_load %arg11[%parallel_loop3A_31] {strides = array<i32>} : memref<256xi32, #tpu.memory_space<vmem>>, vector<16xi32>,
      %parallel_loop3A_33 = tpu.vector_load_idx %arg8[%parallel_loop3A_32] : memref<8192xi32, #tpu.memory_space<vmem>>[vector<16xi32>], vector<16xi32>,
      %parallel_loop3A_34 = arith.index_cast %parallel_loop3A_30 : i32 to index
      %parallel_loop3A_35 = tpu.vector_load %arg13[%parallel_loop3A_34] {strides = array<i32>} : memref<256xi32, #tpu.memory_space<vmem>>, vector<16xi32>,
      tpu.vector_store %arg13[%parallel_loop3A_34], %parallel_loop3A_33 {strides = array<i32>} : memref<256xi32, #tpu.memory_space<vmem>>, vector<16xi32>,
    } {sc.loop_unroll_factor = 4 : i64, sc.parallel_access}
    "tpu.region"() ({
      %run_scoped3A = tpu.sem_alloc : memref<!tpu.dma_semaphore, #tpu.memory_space<semaphore_mem>>
      %dma_start3A_30 = arith.constant 0 : i32
      %dma_start3A_31 = tpu.memref_slice %arg6[%mul3A_2, %dma_start3A_30] : memref<8192x32xf32, #tpu.memory_space<hbm>> -> memref<256x32xf32, #tpu.memory_space<hbm>>
      %dma_start3A_32 = arith.constant 0 : i32
      %dma_start3A_33 = tpu.memref_slice %arg6[%mul3A_2, %dma_start3A_32] : memref<8192x32xf32, #tpu.memory_space<hbm>> -> memref<256x32xf32, #tpu.memory_space<hbm>>
      tpu.enqueue_dma source(%arg12 : memref<256x32xf32, #tpu.memory_space<vmem>>) target(%dma_start3A_33 : memref<256x32xf32, #tpu.memory_space<hbm>>) target_semaphore(%run_scoped3A : memref<!tpu.dma_semaphore, #tpu.memory_space<semaphore_mem>>)
      %dma_wait3A_34 = arith.constant 0 : i32
      %dma_wait3A_35 = tpu.memref_slice %arg6[%mul3A_2, %dma_wait3A_34] : memref<8192x32xf32, #tpu.memory_space<hbm>> -> memref<256x32xf32, #tpu.memory_space<hbm>>
      %dma_wait3A_36 = arith.constant 0 : i32
      %dma_wait3A_37 = tpu.memref_slice %arg6[%mul3A_2, %dma_wait3A_36] : memref<8192x32xf32, #tpu.memory_space<hbm>> -> memref<256x32xf32, #tpu.memory_space<hbm>>
      tpu.wait_dma2 semaphore(%run_scoped3A : memref<!tpu.dma_semaphore, #tpu.memory_space<semaphore_mem>>) src(%arg12 : memref<256x32xf32, #tpu.memory_space<vmem>>) dst(%dma_wait3A_37 : memref<256x32xf32, #tpu.memory_space<hbm>>)
      tpu.yield
    }) : () -> ()
    "tpu.region"() ({
      %run_scoped3A = tpu.sem_alloc : memref<!tpu.dma_semaphore, #tpu.memory_space<semaphore_mem>>
      %dma_start3A_30 = tpu.memref_slice %arg7[%mul3A_2] : memref<8192xi32, #tpu.memory_space<hbm>> -> memref<256xi32, #tpu.memory_space<hbm>>
      %dma_start3A_31 = tpu.memref_slice %arg7[%mul3A_2] : memref<8192xi32, #tpu.memory_space<hbm>> -> memref<256xi32, #tpu.memory_space<hbm>>
      tpu.enqueue_dma source(%arg13 : memref<256xi32, #tpu.memory_space<vmem>>) target(%dma_start3A_31 : memref<256xi32, #tpu.memory_space<hbm>>) target_semaphore(%run_scoped3A : memref<!tpu.dma_semaphore, #tpu.memory_space<semaphore_mem>>)
      %dma_wait3A_32 = tpu.memref_slice %arg7[%mul3A_2] : memref<8192xi32, #tpu.memory_space<hbm>> -> memref<256xi32, #tpu.memory_space<hbm>>
      %dma_wait3A_33 = tpu.memref_slice %arg7[%mul3A_2] : memref<8192xi32, #tpu.memory_space<hbm>> -> memref<256xi32, #tpu.memory_space<hbm>>
      tpu.wait_dma2 semaphore(%run_scoped3A : memref<!tpu.dma_semaphore, #tpu.memory_space<semaphore_mem>>) src(%arg13 : memref<256xi32, #tpu.memory_space<vmem>>) dst(%dma_wait3A_33 : memref<256xi32, #tpu.memory_space<hbm>>)
      tpu.yield
    }) : () -> ()
    return
  }
}

#map = affine_map<(d0, d1) -> (0)>
#map1 = affine_map<(d0, d1) -> (0, 0)>
module attributes {stable_mosaic.version = 14 : i64} {
  func.func @k(%arg0: i32, %arg1: i32, %arg2: memref<8192xf32, #tpu.memory_space<hbm>>, %arg3: memref<8192xf32, #tpu.memory_space<hbm>>, %arg4: memref<8192xf32, #tpu.memory_space<hbm>>, %arg5: memref<8192xf32, #tpu.memory_space<hbm>>, %arg6: memref<8192x16xi32, #tpu.memory_space<hbm>>, %arg7: memref<8192x16xf32, #tpu.memory_space<hbm>>, %arg8: memref<8x16xf32, #tpu.memory_space<hbm>>, %arg9: memref<8192x16xf32, #tpu.memory_space<hbm>>, %arg10: memref<8192xf32, #tpu.memory_space<hbm>>, %arg11: memref<8192x16xf32, #tpu.memory_space<hbm>>, %arg12: memref<8192xf32, #tpu.memory_space<vmem>>, %arg13: memref<8192xf32, #tpu.memory_space<vmem>>, %arg14: memref<256xf32, #tpu.memory_space<vmem>>, %arg15: memref<256xf32, #tpu.memory_space<vmem>>, %arg16: memref<256x16xi32, #tpu.memory_space<vmem>>, %arg17: memref<256x16xf32, #tpu.memory_space<vmem>>, %arg18: memref<8x16xf32, #tpu.memory_space<vmem>>, %arg19: memref<256x16xf32, #tpu.memory_space<vmem>>, %arg20: memref<256xf32, #tpu.memory_space<vmem>>, %arg21: memref<256x16xf32, #tpu.memory_space<vmem>>, %arg22: memref<!tpu.dma_semaphore, #tpu.memory_space<semaphore_mem>>, %arg23: memref<!tpu.dma_semaphore, #tpu.memory_space<semaphore_mem>>, %arg24: memref<!tpu.dma_semaphore, #tpu.memory_space<semaphore_mem>>, %arg25: memref<!tpu.dma_semaphore, #tpu.memory_space<semaphore_mem>>) attributes {dimension_semantics = [#tpu.dimension_semantics<core_parallel>, #tpu.dimension_semantics<subcore_parallel>], iteration_bounds = array<i64: 2, 16>, scalar_prefetch = 0 : i64, scratch_operands = 14 : i64, tpu.core_type = #tpu.core_type<sc_vector_subcore>, window_params = [{transform_indices = #map}, {transform_indices = #map}, {transform_indices = #map}, {transform_indices = #map}, {transform_indices = #map1}, {transform_indices = #map1}, {transform_indices = #map1}, {transform_indices = #map1}, {transform_indices = #map}, {transform_indices = #map1}]} {
    %mul3A = arith.constant 2 : i32
    %mul3A_0 = arith.muli %arg1, %mul3A : i32
    %add3A = arith.addi %mul3A_0, %arg0 : i32
    %mul3A_1 = arith.constant 256 : i32
    %mul3A_2 = arith.muli %add3A, %mul3A_1 : i32
    tpu.enqueue_dma source(%arg2 : memref<8192xf32, #tpu.memory_space<hbm>>) target(%arg12 : memref<8192xf32, #tpu.memory_space<vmem>>) target_semaphore(%arg22 : memref<!tpu.dma_semaphore, #tpu.memory_space<semaphore_mem>>)
    tpu.enqueue_dma source(%arg3 : memref<8192xf32, #tpu.memory_space<hbm>>) target(%arg13 : memref<8192xf32, #tpu.memory_space<vmem>>) target_semaphore(%arg23 : memref<!tpu.dma_semaphore, #tpu.memory_space<semaphore_mem>>)
    %dma_start3A = tpu.memref_slice %arg4[%mul3A_2] : memref<8192xf32, #tpu.memory_space<hbm>> -> memref<256xf32, #tpu.memory_space<hbm>>
    %dma_start3A_3 = tpu.memref_slice %arg4[%mul3A_2] : memref<8192xf32, #tpu.memory_space<hbm>> -> memref<256xf32, #tpu.memory_space<hbm>>
    tpu.enqueue_dma source(%dma_start3A_3 : memref<256xf32, #tpu.memory_space<hbm>>) target(%arg14 : memref<256xf32, #tpu.memory_space<vmem>>) target_semaphore(%arg24 : memref<!tpu.dma_semaphore, #tpu.memory_space<semaphore_mem>>)
    %dma_start3A_4 = tpu.memref_slice %arg5[%mul3A_2] : memref<8192xf32, #tpu.memory_space<hbm>> -> memref<256xf32, #tpu.memory_space<hbm>>
    %dma_start3A_5 = tpu.memref_slice %arg5[%mul3A_2] : memref<8192xf32, #tpu.memory_space<hbm>> -> memref<256xf32, #tpu.memory_space<hbm>>
    tpu.enqueue_dma source(%dma_start3A_5 : memref<256xf32, #tpu.memory_space<hbm>>) target(%arg15 : memref<256xf32, #tpu.memory_space<vmem>>) target_semaphore(%arg25 : memref<!tpu.dma_semaphore, #tpu.memory_space<semaphore_mem>>)
    %dma_start3A_6 = arith.constant 0 : i32
    %dma_start3A_7 = tpu.memref_slice %arg6[%mul3A_2, %dma_start3A_6] : memref<8192x16xi32, #tpu.memory_space<hbm>> -> memref<256x16xi32, #tpu.memory_space<hbm>>
    %dma_start3A_8 = arith.constant 0 : i32
    %dma_start3A_9 = tpu.memref_slice %arg6[%mul3A_2, %dma_start3A_8] : memref<8192x16xi32, #tpu.memory_space<hbm>> -> memref<256x16xi32, #tpu.memory_space<hbm>>
    tpu.enqueue_dma source(%dma_start3A_9 : memref<256x16xi32, #tpu.memory_space<hbm>>) target(%arg16 : memref<256x16xi32, #tpu.memory_space<vmem>>) target_semaphore(%arg22 : memref<!tpu.dma_semaphore, #tpu.memory_space<semaphore_mem>>)
    %dma_start3A_10 = arith.constant 0 : i32
    %dma_start3A_11 = tpu.memref_slice %arg7[%mul3A_2, %dma_start3A_10] : memref<8192x16xf32, #tpu.memory_space<hbm>> -> memref<256x16xf32, #tpu.memory_space<hbm>>
    %dma_start3A_12 = arith.constant 0 : i32
    %dma_start3A_13 = tpu.memref_slice %arg7[%mul3A_2, %dma_start3A_12] : memref<8192x16xf32, #tpu.memory_space<hbm>> -> memref<256x16xf32, #tpu.memory_space<hbm>>
    tpu.enqueue_dma source(%dma_start3A_13 : memref<256x16xf32, #tpu.memory_space<hbm>>) target(%arg17 : memref<256x16xf32, #tpu.memory_space<vmem>>) target_semaphore(%arg23 : memref<!tpu.dma_semaphore, #tpu.memory_space<semaphore_mem>>)
    "tpu.region"() ({
      %run_scoped3A = tpu.sem_alloc : memref<!tpu.dma_semaphore, #tpu.memory_space<semaphore_mem>>
      tpu.enqueue_dma source(%arg8 : memref<8x16xf32, #tpu.memory_space<hbm>>) target(%arg18 : memref<8x16xf32, #tpu.memory_space<vmem>>) target_semaphore(%run_scoped3A : memref<!tpu.dma_semaphore, #tpu.memory_space<semaphore_mem>>)
      tpu.wait_dma2 semaphore(%run_scoped3A : memref<!tpu.dma_semaphore, #tpu.memory_space<semaphore_mem>>) src(%arg8 : memref<8x16xf32, #tpu.memory_space<hbm>>) dst(%arg18 : memref<8x16xf32, #tpu.memory_space<vmem>>)
      tpu.yield
    }) : () -> ()
    tpu.wait_dma2 semaphore(%arg22 : memref<!tpu.dma_semaphore, #tpu.memory_space<semaphore_mem>>) src(%arg2 : memref<8192xf32, #tpu.memory_space<hbm>>) dst(%arg12 : memref<8192xf32, #tpu.memory_space<vmem>>)
    tpu.wait_dma2 semaphore(%arg23 : memref<!tpu.dma_semaphore, #tpu.memory_space<semaphore_mem>>) src(%arg3 : memref<8192xf32, #tpu.memory_space<hbm>>) dst(%arg13 : memref<8192xf32, #tpu.memory_space<vmem>>)
    %dma_wait3A = tpu.memref_slice %arg4[%mul3A_2] : memref<8192xf32, #tpu.memory_space<hbm>> -> memref<256xf32, #tpu.memory_space<hbm>>
    %dma_wait3A_14 = tpu.memref_slice %arg4[%mul3A_2] : memref<8192xf32, #tpu.memory_space<hbm>> -> memref<256xf32, #tpu.memory_space<hbm>>
    tpu.wait_dma2 semaphore(%arg24 : memref<!tpu.dma_semaphore, #tpu.memory_space<semaphore_mem>>) src(%dma_wait3A_14 : memref<256xf32, #tpu.memory_space<hbm>>) dst(%arg14 : memref<256xf32, #tpu.memory_space<vmem>>)
    %dma_wait3A_15 = tpu.memref_slice %arg5[%mul3A_2] : memref<8192xf32, #tpu.memory_space<hbm>> -> memref<256xf32, #tpu.memory_space<hbm>>
    %dma_wait3A_16 = tpu.memref_slice %arg5[%mul3A_2] : memref<8192xf32, #tpu.memory_space<hbm>> -> memref<256xf32, #tpu.memory_space<hbm>>
    tpu.wait_dma2 semaphore(%arg25 : memref<!tpu.dma_semaphore, #tpu.memory_space<semaphore_mem>>) src(%dma_wait3A_16 : memref<256xf32, #tpu.memory_space<hbm>>) dst(%arg15 : memref<256xf32, #tpu.memory_space<vmem>>)
    %dma_wait3A_17 = arith.constant 0 : i32
    %dma_wait3A_18 = tpu.memref_slice %arg6[%mul3A_2, %dma_wait3A_17] : memref<8192x16xi32, #tpu.memory_space<hbm>> -> memref<256x16xi32, #tpu.memory_space<hbm>>
    %dma_wait3A_19 = arith.constant 0 : i32
    %dma_wait3A_20 = tpu.memref_slice %arg6[%mul3A_2, %dma_wait3A_19] : memref<8192x16xi32, #tpu.memory_space<hbm>> -> memref<256x16xi32, #tpu.memory_space<hbm>>
    tpu.wait_dma2 semaphore(%arg22 : memref<!tpu.dma_semaphore, #tpu.memory_space<semaphore_mem>>) src(%dma_wait3A_20 : memref<256x16xi32, #tpu.memory_space<hbm>>) dst(%arg16 : memref<256x16xi32, #tpu.memory_space<vmem>>)
    %dma_wait3A_21 = arith.constant 0 : i32
    %dma_wait3A_22 = tpu.memref_slice %arg7[%mul3A_2, %dma_wait3A_21] : memref<8192x16xf32, #tpu.memory_space<hbm>> -> memref<256x16xf32, #tpu.memory_space<hbm>>
    %dma_wait3A_23 = arith.constant 0 : i32
    %dma_wait3A_24 = tpu.memref_slice %arg7[%mul3A_2, %dma_wait3A_23] : memref<8192x16xf32, #tpu.memory_space<hbm>> -> memref<256x16xf32, #tpu.memory_space<hbm>>
    tpu.wait_dma2 semaphore(%arg23 : memref<!tpu.dma_semaphore, #tpu.memory_space<semaphore_mem>>) src(%dma_wait3A_24 : memref<256x16xf32, #tpu.memory_space<hbm>>) dst(%arg17 : memref<256x16xf32, #tpu.memory_space<vmem>>)
    %broadcast_in_dim3A = arith.constant 0 : i32
    %broadcast_in_dim3A_25 = vector.broadcast %broadcast_in_dim3A : i32 to vector<16xi32>
    %get3A = arith.constant 0 : i32
    %get3A_26 = arith.index_cast %get3A : i32 to index
    %get3A_27 = arith.constant 0 : index
    %get3A_28 = tpu.vector_load %arg18[%get3A_26, %get3A_27] {strides = array<i32>} : memref<8x16xf32, #tpu.memory_space<vmem>>, vector<16xf32>,
    %get3A_29 = arith.constant 1 : i32
    %get3A_30 = arith.index_cast %get3A_29 : i32 to index
    %get3A_31 = arith.constant 0 : index
    %get3A_32 = tpu.vector_load %arg18[%get3A_30, %get3A_31] {strides = array<i32>} : memref<8x16xf32, #tpu.memory_space<vmem>>, vector<16xf32>,
    %get3A_33 = arith.constant 2 : i32
    %get3A_34 = arith.index_cast %get3A_33 : i32 to index
    %get3A_35 = arith.constant 0 : index
    %get3A_36 = tpu.vector_load %arg18[%get3A_34, %get3A_35] {strides = array<i32>} : memref<8x16xf32, #tpu.memory_space<vmem>>, vector<16xf32>,
    %get3A_37 = arith.constant 3 : i32
    %get3A_38 = arith.index_cast %get3A_37 : i32 to index
    %get3A_39 = arith.constant 0 : index
    %get3A_40 = tpu.vector_load %arg18[%get3A_38, %get3A_39] {strides = array<i32>} : memref<8x16xf32, #tpu.memory_space<vmem>>, vector<16xf32>,
    %get3A_41 = arith.constant 4 : i32
    %get3A_42 = arith.index_cast %get3A_41 : i32 to index
    %get3A_43 = arith.constant 0 : index
    %get3A_44 = tpu.vector_load %arg18[%get3A_42, %get3A_43] {strides = array<i32>} : memref<8x16xf32, #tpu.memory_space<vmem>>, vector<16xf32>,
    %get3A_45 = arith.constant 5 : i32
    %get3A_46 = arith.index_cast %get3A_45 : i32 to index
    %get3A_47 = arith.constant 0 : index
    %get3A_48 = tpu.vector_load %arg18[%get3A_46, %get3A_47] {strides = array<i32>} : memref<8x16xf32, #tpu.memory_space<vmem>>, vector<16xf32>,
    %get3A_49 = arith.constant 6 : i32
    %get3A_50 = arith.index_cast %get3A_49 : i32 to index
    %get3A_51 = arith.constant 0 : index
    %get3A_52 = tpu.vector_load %arg18[%get3A_50, %get3A_51] {strides = array<i32>} : memref<8x16xf32, #tpu.memory_space<vmem>>, vector<16xf32>,
    %get3A_53 = arith.constant 7 : i32
    %get3A_54 = arith.index_cast %get3A_53 : i32 to index
    %get3A_55 = arith.constant 0 : index
    %get3A_56 = tpu.vector_load %arg18[%get3A_54, %get3A_55] {strides = array<i32>} : memref<8x16xf32, #tpu.memory_space<vmem>>, vector<16xf32>,
    %parallel_loop3A = arith.constant 0 : i32
    %parallel_loop3A_57 = arith.constant 256 : i32
    %parallel_loop3A_58 = arith.constant 1 : i32
    scf.for %parallel_loop3A_62 = %parallel_loop3A to %parallel_loop3A_57 step %parallel_loop3A_58  : i32 {
      %parallel_loop3A_63 = arith.index_cast %parallel_loop3A_62 : i32 to index
      %parallel_loop3A_64 = arith.constant 0 : index
      %parallel_loop3A_65 = tpu.vector_load %arg16[%parallel_loop3A_63, %parallel_loop3A_64] {strides = array<i32>} : memref<256x16xi32, #tpu.memory_space<vmem>>, vector<16xi32>,
      %parallel_loop3A_66 = arith.index_cast %parallel_loop3A_62 : i32 to index
      %parallel_loop3A_67 = arith.constant 0 : index
      %parallel_loop3A_68 = tpu.vector_load %arg17[%parallel_loop3A_66, %parallel_loop3A_67] {strides = array<i32>} : memref<256x16xf32, #tpu.memory_space<vmem>>, vector<16xf32>,
      %parallel_loop3A_69 = vector.broadcast %parallel_loop3A_62 : i32 to vector<16xi32>
      %parallel_loop3A_70 = arith.addi %broadcast_in_dim3A_25, %parallel_loop3A_69 : vector<16xi32>
      %parallel_loop3A_71 = tpu.vector_load_idx %arg14[%parallel_loop3A_70] : memref<256xf32, #tpu.memory_space<vmem>>[vector<16xi32>], vector<16xf32>,
      %parallel_loop3A_72 = arith.addf %parallel_loop3A_71, %get3A_28 : vector<16xf32>
      %parallel_loop3A_73 = tpu.vector_load_idx %arg12[%parallel_loop3A_65] : memref<8192xf32, #tpu.memory_space<vmem>>[vector<16xi32>], vector<16xf32>,
      %parallel_loop3A_74 = arith.mulf %parallel_loop3A_73, %parallel_loop3A_68 : vector<16xf32>
      %parallel_loop3A_75 = arith.addf %parallel_loop3A_72, %parallel_loop3A_74 : vector<16xf32>
      %parallel_loop3A_76 = arith.addf %parallel_loop3A_75, %get3A_32 : vector<16xf32>
      %parallel_loop3A_77 = arith.mulf %parallel_loop3A_76, %get3A_36 : vector<16xf32>
      %parallel_loop3A_78 = arith.addf %parallel_loop3A_77, %get3A_40 : vector<16xf32>
      %parallel_loop3A_79 = arith.index_cast %parallel_loop3A_62 : i32 to index
      %parallel_loop3A_80 = arith.constant 0 : index
      %parallel_loop3A_81 = tpu.vector_load %arg19[%parallel_loop3A_79, %parallel_loop3A_80] {strides = array<i32>} : memref<256x16xf32, #tpu.memory_space<vmem>>, vector<16xf32>,
      tpu.vector_store %arg19[%parallel_loop3A_79, %parallel_loop3A_80], %parallel_loop3A_78 {strides = array<i32>} : memref<256x16xf32, #tpu.memory_space<vmem>>, vector<16xf32>,
      %parallel_loop3A_82 = vector.broadcast %parallel_loop3A_62 : i32 to vector<16xi32>
      %parallel_loop3A_83 = arith.addi %broadcast_in_dim3A_25, %parallel_loop3A_82 : vector<16xi32>
      %parallel_loop3A_84 = tpu.vector_load_idx %arg15[%parallel_loop3A_83] : memref<256xf32, #tpu.memory_space<vmem>>[vector<16xi32>], vector<16xf32>,
      %parallel_loop3A_85 = arith.addf %parallel_loop3A_84, %get3A_44 : vector<16xf32>
      %parallel_loop3A_86 = tpu.vector_load_idx %arg13[%parallel_loop3A_65] : memref<8192xf32, #tpu.memory_space<vmem>>[vector<16xi32>], vector<16xf32>,
      %parallel_loop3A_87 = arith.mulf %parallel_loop3A_86, %parallel_loop3A_68 : vector<16xf32>
      %parallel_loop3A_88 = arith.addf %parallel_loop3A_85, %parallel_loop3A_87 : vector<16xf32>
      %parallel_loop3A_89 = arith.addf %parallel_loop3A_88, %get3A_48 : vector<16xf32>
      %parallel_loop3A_90 = arith.mulf %parallel_loop3A_89, %get3A_52 : vector<16xf32>
      %parallel_loop3A_91 = arith.addf %parallel_loop3A_90, %get3A_56 : vector<16xf32>
      %parallel_loop3A_92 = arith.index_cast %parallel_loop3A_62 : i32 to index
      %parallel_loop3A_93 = arith.constant 0 : index
      %parallel_loop3A_94 = tpu.vector_load %arg21[%parallel_loop3A_92, %parallel_loop3A_93] {strides = array<i32>} : memref<256x16xf32, #tpu.memory_space<vmem>>, vector<16xf32>,
      tpu.vector_store %arg21[%parallel_loop3A_92, %parallel_loop3A_93], %parallel_loop3A_91 {strides = array<i32>} : memref<256x16xf32, #tpu.memory_space<vmem>>, vector<16xf32>,
    } {sc.loop_unroll_factor = 4 : i64, sc.parallel_access}
    %parallel_loop3A_59 = arith.constant 0 : i32
    %parallel_loop3A_60 = arith.constant 256 : i32
    %parallel_loop3A_61 = arith.constant 16 : i32
    scf.for %parallel_loop3A_62 = %parallel_loop3A_59 to %parallel_loop3A_60 step %parallel_loop3A_61  : i32 {
      %parallel_loop3A_63 = arith.index_cast %parallel_loop3A_62 : i32 to index
      %parallel_loop3A_64 = tpu.vector_load %arg14[%parallel_loop3A_63] {strides = array<i32>} : memref<256xf32, #tpu.memory_space<vmem>>, vector<16xf32>,
      %parallel_loop3A_65 = arith.addf %parallel_loop3A_64, %get3A_28 : vector<16xf32>
      %parallel_loop3A_66 = arith.mulf %parallel_loop3A_65, %get3A_36 : vector<16xf32>
      %parallel_loop3A_67 = arith.addf %parallel_loop3A_66, %get3A_40 : vector<16xf32>
      %parallel_loop3A_68 = arith.index_cast %parallel_loop3A_62 : i32 to index
      %parallel_loop3A_69 = tpu.vector_load %arg20[%parallel_loop3A_68] {strides = array<i32>} : memref<256xf32, #tpu.memory_space<vmem>>, vector<16xf32>,
      tpu.vector_store %arg20[%parallel_loop3A_68], %parallel_loop3A_67 {strides = array<i32>} : memref<256xf32, #tpu.memory_space<vmem>>, vector<16xf32>,
    } {sc.loop_unroll_factor = 4 : i64, sc.parallel_access}
    "tpu.region"() ({
      %run_scoped3A = tpu.sem_alloc : memref<!tpu.dma_semaphore, #tpu.memory_space<semaphore_mem>>
      %dma_start3A_62 = arith.constant 0 : i32
      %dma_start3A_63 = tpu.memref_slice %arg9[%mul3A_2, %dma_start3A_62] : memref<8192x16xf32, #tpu.memory_space<hbm>> -> memref<256x16xf32, #tpu.memory_space<hbm>>
      %dma_start3A_64 = arith.constant 0 : i32
      %dma_start3A_65 = tpu.memref_slice %arg9[%mul3A_2, %dma_start3A_64] : memref<8192x16xf32, #tpu.memory_space<hbm>> -> memref<256x16xf32, #tpu.memory_space<hbm>>
      tpu.enqueue_dma source(%arg19 : memref<256x16xf32, #tpu.memory_space<vmem>>) target(%dma_start3A_65 : memref<256x16xf32, #tpu.memory_space<hbm>>) target_semaphore(%run_scoped3A : memref<!tpu.dma_semaphore, #tpu.memory_space<semaphore_mem>>)
      %dma_wait3A_66 = arith.constant 0 : i32
      %dma_wait3A_67 = tpu.memref_slice %arg9[%mul3A_2, %dma_wait3A_66] : memref<8192x16xf32, #tpu.memory_space<hbm>> -> memref<256x16xf32, #tpu.memory_space<hbm>>
      %dma_wait3A_68 = arith.constant 0 : i32
      %dma_wait3A_69 = tpu.memref_slice %arg9[%mul3A_2, %dma_wait3A_68] : memref<8192x16xf32, #tpu.memory_space<hbm>> -> memref<256x16xf32, #tpu.memory_space<hbm>>
      tpu.wait_dma2 semaphore(%run_scoped3A : memref<!tpu.dma_semaphore, #tpu.memory_space<semaphore_mem>>) src(%arg19 : memref<256x16xf32, #tpu.memory_space<vmem>>) dst(%dma_wait3A_69 : memref<256x16xf32, #tpu.memory_space<hbm>>)
      tpu.yield
    }) : () -> ()
    "tpu.region"() ({
      %run_scoped3A = tpu.sem_alloc : memref<!tpu.dma_semaphore, #tpu.memory_space<semaphore_mem>>
      %dma_start3A_62 = tpu.memref_slice %arg10[%mul3A_2] : memref<8192xf32, #tpu.memory_space<hbm>> -> memref<256xf32, #tpu.memory_space<hbm>>
      %dma_start3A_63 = tpu.memref_slice %arg10[%mul3A_2] : memref<8192xf32, #tpu.memory_space<hbm>> -> memref<256xf32, #tpu.memory_space<hbm>>
      tpu.enqueue_dma source(%arg20 : memref<256xf32, #tpu.memory_space<vmem>>) target(%dma_start3A_63 : memref<256xf32, #tpu.memory_space<hbm>>) target_semaphore(%run_scoped3A : memref<!tpu.dma_semaphore, #tpu.memory_space<semaphore_mem>>)
      %dma_wait3A_64 = tpu.memref_slice %arg10[%mul3A_2] : memref<8192xf32, #tpu.memory_space<hbm>> -> memref<256xf32, #tpu.memory_space<hbm>>
      %dma_wait3A_65 = tpu.memref_slice %arg10[%mul3A_2] : memref<8192xf32, #tpu.memory_space<hbm>> -> memref<256xf32, #tpu.memory_space<hbm>>
      tpu.wait_dma2 semaphore(%run_scoped3A : memref<!tpu.dma_semaphore, #tpu.memory_space<semaphore_mem>>) src(%arg20 : memref<256xf32, #tpu.memory_space<vmem>>) dst(%dma_wait3A_65 : memref<256xf32, #tpu.memory_space<hbm>>)
      tpu.yield
    }) : () -> ()
    "tpu.region"() ({
      %run_scoped3A = tpu.sem_alloc : memref<!tpu.dma_semaphore, #tpu.memory_space<semaphore_mem>>
      %dma_start3A_62 = arith.constant 0 : i32
      %dma_start3A_63 = tpu.memref_slice %arg11[%mul3A_2, %dma_start3A_62] : memref<8192x16xf32, #tpu.memory_space<hbm>> -> memref<256x16xf32, #tpu.memory_space<hbm>>
      %dma_start3A_64 = arith.constant 0 : i32
      %dma_start3A_65 = tpu.memref_slice %arg11[%mul3A_2, %dma_start3A_64] : memref<8192x16xf32, #tpu.memory_space<hbm>> -> memref<256x16xf32, #tpu.memory_space<hbm>>
      tpu.enqueue_dma source(%arg21 : memref<256x16xf32, #tpu.memory_space<vmem>>) target(%dma_start3A_65 : memref<256x16xf32, #tpu.memory_space<hbm>>) target_semaphore(%run_scoped3A : memref<!tpu.dma_semaphore, #tpu.memory_space<semaphore_mem>>)
      %dma_wait3A_66 = arith.constant 0 : i32
      %dma_wait3A_67 = tpu.memref_slice %arg11[%mul3A_2, %dma_wait3A_66] : memref<8192x16xf32, #tpu.memory_space<hbm>> -> memref<256x16xf32, #tpu.memory_space<hbm>>
      %dma_wait3A_68 = arith.constant 0 : i32
      %dma_wait3A_69 = tpu.memref_slice %arg11[%mul3A_2, %dma_wait3A_68] : memref<8192x16xf32, #tpu.memory_space<hbm>> -> memref<256x16xf32, #tpu.memory_space<hbm>>
      tpu.wait_dma2 semaphore(%run_scoped3A : memref<!tpu.dma_semaphore, #tpu.memory_space<semaphore_mem>>) src(%arg21 : memref<256x16xf32, #tpu.memory_space<vmem>>) dst(%dma_wait3A_69 : memref<256x16xf32, #tpu.memory_space<hbm>>)
      tpu.yield
    }) : () -> ()
    return
  }
}

module attributes {stable_mosaic.version = 14 : i64} {
  func.func @_layer0_body(%arg0: memref<8192x1xi32, #tpu.memory_space<vmem>>, %arg1: memref<8192x1xi32, #tpu.memory_space<vmem>>, %arg2: memref<8192x32xf32, #tpu.memory_space<vmem>>, %arg3: memref<96x32xf32, #tpu.memory_space<vmem>>, %arg4: memref<1x32xf32, #tpu.memory_space<vmem>>, %arg5: memref<8192x32xf32, #tpu.memory_space<vmem>>) attributes {dimension_semantics = [], scalar_prefetch = 0 : i64, scratch_operands = 0 : i64, tpu.core_type = #tpu.core_type<tc>} {
    %iota3A = tpu.iota {dimensions = array<i32: 1>} : vector<8192x32xi32>
    %get3A = arith.constant 0 : index
    %get3A_0 = arith.constant 0 : index
    %get3A_1 = vector.load %arg0[%get3A, %get3A_0] : memref<8192x1xi32, #tpu.memory_space<vmem>>, vector<8192x1xi32>
    %eq3A = vector.broadcast %get3A_1 : vector<8192x1xi32> to vector<8192x32xi32>
    %eq3A_2 = arith.cmpi eq, %iota3A, %eq3A : vector<8192x32xi32>
    %jit3A = arith.constant 1.000000e+00 : f32
    %jit3A_3 = arith.constant 0.000000e+00 : f32
    %broadcast_in_dim3A = vector.broadcast %jit3A : f32 to vector<8192x32xf32>
    %broadcast_in_dim3A_4 = vector.broadcast %jit3A_3 : f32 to vector<8192x32xf32>
    %select_n3A = arith.select %eq3A_2, %broadcast_in_dim3A, %broadcast_in_dim3A_4 : vector<8192x32xi1>, vector<8192x32xf32>
    %iota3A_5 = tpu.iota {dimensions = array<i32: 0>} : vector<8192x1xi32>
    %gt3A = arith.constant 0 : i32
    %gt3A_6 = vector.broadcast %gt3A : i32 to vector<8192x1xi32>
    %gt3A_7 = arith.cmpi sgt, %iota3A_5, %gt3A_6 : vector<8192x1xi32>
    %convert_element_type3A = arith.extui %gt3A_7 : vector<8192x1xi1> to vector<8192x1xi32>
    %convert_element_type3A_8 = arith.sitofp %convert_element_type3A : vector<8192x1xi32> to vector<8192x1xf32>
    %get3A_9 = arith.constant 0 : index
    %get3A_10 = arith.constant 0 : index
    %get3A_11 = vector.load %arg1[%get3A_9, %get3A_10] : memref<8192x1xi32, #tpu.memory_space<vmem>>, vector<8192x1xi32>
    %eq3A_12 = vector.broadcast %get3A_11 : vector<8192x1xi32> to vector<8192x32xi32>
    %eq3A_13 = arith.cmpi eq, %iota3A, %eq3A_12 : vector<8192x32xi32>
    %jit3A_14 = arith.constant 0.000000e+00 : f32
    %broadcast_in_dim3A_15 = vector.shape_cast %convert_element_type3A_8 : vector<8192x1xf32> to vector<8192x1xf32>
    %broadcast_in_dim3A_16 = vector.broadcast %broadcast_in_dim3A_15 : vector<8192x1xf32> to vector<8192x32xf32>
    %broadcast_in_dim3A_17 = vector.broadcast %jit3A_14 : f32 to vector<8192x32xf32>
    %select_n3A_18 = arith.select %eq3A_13, %broadcast_in_dim3A_16, %broadcast_in_dim3A_17 : vector<8192x32xi1>, vector<8192x32xf32>
    %get3A_19 = arith.constant 0 : index
    %get3A_20 = arith.constant 0 : index
    %get3A_21 = vector.load %arg2[%get3A_19, %get3A_20] : memref<8192x32xf32, #tpu.memory_space<vmem>>, vector<8192x32xf32>
    %concatenate3A = tpu.concatenate %select_n3A, %get3A_21, %select_n3A_18 in 1 : vector<8192x32xf32>, vector<8192x32xf32>, vector<8192x32xf32> -> vector<8192x96xf32>
    %get3A_22 = arith.constant 0 : index
    %get3A_23 = arith.constant 0 : index
    %get3A_24 = vector.load %arg3[%get3A_22, %get3A_23] : memref<96x32xf32, #tpu.memory_space<vmem>>, vector<96x32xf32>
    %dot_general3A = arith.constant dense<0.000000e+00> : vector<8192x32xf32>
    %dot_general3A_25 = tpu.matmul %concatenate3A, %get3A_24, %dot_general3A {dimension_numbers = #tpu.dot_dimension_numbers<[1], [0], [0], [1], [0, 0, 1, 1], [], []>, precision = #tpu.contract_precision<fp32>, transpose_lhs_hint = false} : vector<8192x96xf32>, vector<96x32xf32>, vector<8192x32xf32> -> vector<8192x32xf32>
    %get3A_26 = arith.constant 0 : index
    %get3A_27 = arith.constant 0 : index
    %get3A_28 = vector.load %arg4[%get3A_26, %get3A_27] : memref<1x32xf32, #tpu.memory_space<vmem>>, vector<1x32xf32>
    %add3A = vector.broadcast %get3A_28 : vector<1x32xf32> to vector<8192x32xf32>
    %add3A_29 = arith.addf %dot_general3A_25, %add3A : vector<8192x32xf32>
    %max3A = arith.constant 0.000000e+00 : f32
    %max3A_30 = vector.broadcast %max3A : f32 to vector<8192x32xf32>
    %max3A_31 = arith.maximumf %add3A_29, %max3A_30 : vector<8192x32xf32>
    %swap3A = arith.constant 0 : index
    %swap3A_32 = arith.constant 0 : index
    %swap3A_33 = vector.load %arg5[%swap3A, %swap3A_32] : memref<8192x32xf32, #tpu.memory_space<vmem>>, vector<8192x32xf32>
    tpu.vector_store %arg5[%swap3A, %swap3A_32], %max3A_31 {strides = array<i32>} : memref<8192x32xf32, #tpu.memory_space<vmem>>, vector<8192x32xf32>,
    return
  }
}

module attributes {stable_mosaic.version = 14 : i64} {
  func.func @_layer1_heads_body(%arg0: memref<8192x32xf32, #tpu.memory_space<vmem>>, %arg1: memref<2x8192x32xf32, #tpu.memory_space<vmem>>, %arg2: memref<8192x32xf32, #tpu.memory_space<vmem>>, %arg3: memref<96x32xf32, #tpu.memory_space<vmem>>, %arg4: memref<1x32xf32, #tpu.memory_space<vmem>>, %arg5: memref<32x40xf32, #tpu.memory_space<vmem>>, %arg6: memref<1x40xf32, #tpu.memory_space<vmem>>, %arg7: memref<8192x40xf32, #tpu.memory_space<vmem>>) attributes {dimension_semantics = [], scalar_prefetch = 0 : i64, scratch_operands = 0 : i64, tpu.core_type = #tpu.core_type<tc>} {
    %iota3A = tpu.iota {dimensions = array<i32: 0>} : vector<8192x1xi32>
    %gt3A = arith.constant 0 : i32
    %gt3A_0 = vector.broadcast %gt3A : i32 to vector<8192x1xi32>
    %gt3A_1 = arith.cmpi sgt, %iota3A, %gt3A_0 : vector<8192x1xi32>
    %convert_element_type3A = arith.extui %gt3A_1 : vector<8192x1xi1> to vector<8192x1xi32>
    %convert_element_type3A_2 = arith.sitofp %convert_element_type3A : vector<8192x1xi32> to vector<8192x1xf32>
    %get3A = arith.constant 0 : index
    %get3A_3 = arith.constant 0 : index
    %get3A_4 = vector.load %arg0[%get3A, %get3A_3] : memref<8192x32xf32, #tpu.memory_space<vmem>>, vector<8192x32xf32>
    %get3A_5 = arith.constant 0 : index
    %get3A_6 = arith.constant 0 : index
    %get3A_7 = arith.constant 0 : index
    %get3A_8 = vector.load %arg1[%get3A_5, %get3A_6, %get3A_7] : memref<2x8192x32xf32, #tpu.memory_space<vmem>>, vector<1x8192x32xf32>
    %get3A_9 = vector.shape_cast %get3A_8 : vector<1x8192x32xf32> to vector<8192x32xf32>
    %get3A_10 = arith.constant 1 : index
    %get3A_11 = arith.constant 0 : index
    %get3A_12 = arith.constant 0 : index
    %get3A_13 = vector.load %arg1[%get3A_10, %get3A_11, %get3A_12] : memref<2x8192x32xf32, #tpu.memory_space<vmem>>, vector<1x8192x32xf32>
    %get3A_14 = vector.shape_cast %get3A_13 : vector<1x8192x32xf32> to vector<8192x32xf32>
    %add3A = arith.addf %get3A_9, %get3A_14 : vector<8192x32xf32>
    %get3A_15 = arith.constant 0 : index
    %get3A_16 = arith.constant 0 : index
    %get3A_17 = vector.load %arg2[%get3A_15, %get3A_16] : memref<8192x32xf32, #tpu.memory_space<vmem>>, vector<8192x32xf32>
    %mul3A = vector.broadcast %convert_element_type3A_2 : vector<8192x1xf32> to vector<8192x32xf32>
    %mul3A_18 = arith.mulf %get3A_17, %mul3A : vector<8192x32xf32>
    %concatenate3A = tpu.concatenate %get3A_4, %add3A, %mul3A_18 in 1 : vector<8192x32xf32>, vector<8192x32xf32>, vector<8192x32xf32> -> vector<8192x96xf32>
    %get3A_19 = arith.constant 0 : index
    %get3A_20 = arith.constant 0 : index
    %get3A_21 = vector.load %arg3[%get3A_19, %get3A_20] : memref<96x32xf32, #tpu.memory_space<vmem>>, vector<96x32xf32>
    %dot_general3A = arith.constant dense<0.000000e+00> : vector<8192x32xf32>
    %dot_general3A_22 = tpu.matmul %concatenate3A, %get3A_21, %dot_general3A {dimension_numbers = #tpu.dot_dimension_numbers<[1], [0], [0], [1], [0, 0, 1, 1], [], []>, precision = #tpu.contract_precision<fp32>, transpose_lhs_hint = false} : vector<8192x96xf32>, vector<96x32xf32>, vector<8192x32xf32> -> vector<8192x32xf32>
    %get3A_23 = arith.constant 0 : index
    %get3A_24 = arith.constant 0 : index
    %get3A_25 = vector.load %arg4[%get3A_23, %get3A_24] : memref<1x32xf32, #tpu.memory_space<vmem>>, vector<1x32xf32>
    %add3A_26 = vector.broadcast %get3A_25 : vector<1x32xf32> to vector<8192x32xf32>
    %add3A_27 = arith.addf %dot_general3A_22, %add3A_26 : vector<8192x32xf32>
    %max3A = arith.constant 0.000000e+00 : f32
    %max3A_28 = vector.broadcast %max3A : f32 to vector<8192x32xf32>
    %max3A_29 = arith.maximumf %add3A_27, %max3A_28 : vector<8192x32xf32>
    %get3A_30 = arith.constant 0 : index
    %get3A_31 = arith.constant 0 : index
    %get3A_32 = vector.load %arg5[%get3A_30, %get3A_31] : memref<32x40xf32, #tpu.memory_space<vmem>>, vector<32x40xf32>
    %dot_general3A_33 = arith.constant dense<0.000000e+00> : vector<8192x40xf32>
    %dot_general3A_34 = tpu.matmul %max3A_29, %get3A_32, %dot_general3A_33 {dimension_numbers = #tpu.dot_dimension_numbers<[1], [0], [0], [1], [0, 0, 1, 1], [], []>, precision = #tpu.contract_precision<fp32>, transpose_lhs_hint = false} : vector<8192x32xf32>, vector<32x40xf32>, vector<8192x40xf32> -> vector<8192x40xf32>
    %get3A_35 = arith.constant 0 : index
    %get3A_36 = arith.constant 0 : index
    %get3A_37 = vector.load %arg6[%get3A_35, %get3A_36] : memref<1x40xf32, #tpu.memory_space<vmem>>, vector<1x40xf32>
    %add3A_38 = vector.broadcast %get3A_37 : vector<1x40xf32> to vector<8192x40xf32>
    %add3A_39 = arith.addf %dot_general3A_34, %add3A_38 : vector<8192x40xf32>
    %swap3A = arith.constant 0 : index
    %swap3A_40 = arith.constant 0 : index
    %swap3A_41 = vector.load %arg7[%swap3A, %swap3A_40] : memref<8192x40xf32, #tpu.memory_space<vmem>>, vector<8192x40xf32>
    tpu.vector_store %arg7[%swap3A, %swap3A_40], %add3A_39 {strides = array<i32>} : memref<8192x40xf32, #tpu.memory_space<vmem>>, vector<8192x40xf32>,
    return
  }
}

</mosaic_0001>

<sc_bundles>
// kernel: kernel.10.cloned.1.call-start
scs
__scs_entry_jumppad:
0x0: {  	(pc) =	sbr.rel $0x88, $3  }
0x1: {  	(tag) =	ssettag $0x0;
	lr =	simm.s32 $0x1  }
0x2: {  	[smem:$0x3F85] =	sst lr;
	_ =	strace $0xD0000000  }
0x3: {  	_ = 	snop  }
0x4: {  	_ = 	snop  }
0x5: {  	_ = 	snop  }
0x6: {  	_ = 	snop  }
0x7: {  	_ = 	snop  }
__scs_overlays_trampoline_lowered:
0x8: {  	[smem:$0x3F94] =	sst s0  }
0x9: {  	[smem:$0x3F95] =	sst s1  }
0xa: {  	[smem:$0x3F96] =	sst s2  }
0xb: {  	[smem:$0x3F97] =	sst s3  }
0xc: {  	[smem:$0x3F98] =	sst s4  }
0xd: {  	[smem:$0x3F99] =	sst s5  }
0xe: {  	[smem:$0x3F9A] =	sst s6  }
0xf: {  	[smem:$0x3F9B] =	sst s7  }
0x10: {  	[smem:$0x3F9C] =	sst s8  }
0x11: {  	[smem:$0x3F9D] =	sst s9;
	s0 =	simm.s32 @!p0 $0x0  }
0x12: {  	s1 =	sld [smem:$0x3F83];
	s0 =	simm.s32 @p0 $0x1  }
0x13: {  	[smem:$0x3F9E] =	sst s0;
	s0 =	simm.s32 @!p1 $0x0  }
0x14: {  	s2 =	sld [smem:$0x3F82];
	s0 =	simm.s32 @p1 $0x1  }
0x15: {  	[smem:$0x3F9F] =	sst s0;
	s0 =	simm.s32 @!p2 $0x0  }
0x16: {  	s3 =	sld [smem:$0x3FDB];
	s0 =	simm.s32 @p2 $0x1  }
0x17: {  	s4 =	simm.s32 $0x1BF5;
	[smem:$0x3FA1] =	sst s0  }
0x18: {  	s0 =	sld [smem:$0x3F84];
	_ =	swait.ge [sflag:s4], $0x0  }
0x19: {  	s7 =	sld [smem:$0x3F85]  }
0x1a: {  	s8 =	sadd.s32 $0xFFFFE003, lr  }
0x1b: {  	s9 =	sadd.s32 $0xFFFFFEF7, lr;
	s5 =	simm.s32 $0xFFFFFFFF;
	p2 =	slt.u32 s8, $0xFFFFF086  }
0x1c: {  	p1 =	slt.u32 s9, $0xF7A;
	s5 =	simm.s32 @!p2 $0x0  }
0x1d: {  	s5 =	simm.s32 @p1 $0x1;
	p0 =	seq.s32 s7, s2  }
0x1e: {  	s7 =	smul.u32 @!p0 $0xF7A, s2;
	p2 =	seq.s32 @!p0 s5, $0x0  }
0x1f: {  	s9 =	smul.u32 $0xF7A, s1;
	s8 =	simm.s32 @!p0 $0x1BF5;
	p2 =	por !p2, p0  }
0x20: {  	[sflag:s8] =	ssyncset.s32 @!p0 $0xFFFFF086;
	s6 =	sadd.s32 @!p0 s3, s7;
	s7 =	simm.s32 @!p0 $0x108  }
0x21: {  	s3 =	sadd.s32 s3, s9;
	s6 =	sadd.s32 @!p0 $0x88, s6;
	s7 =	simm.s32 @p2 $0x1082  }
0x22: {  	[simem:s7], [sflag:s8] =	dma.local @!p0 [hbm:s6], $0xF7A  }
0x23: {  	s9 =	sor.u32 $0xD0000000, s2;
	s6 =	simm.s32 $0x108;
	_ =	swait.ge @!p0 [sflag:s8], $0x0  }
0x24: {  	s3 =	sadd.s32 $0x88, s3;
	s6 =	simm.s32 @!p1 $0x1082;
	[sflag:s4] =	ssyncset.s32 $0xFFFFF086  }
0x25: {  	[simem:s6], [sflag:s4] =	dma.local [hbm:s3], $0xF7A  }
0x26: {  	[smem:$0x3F85] =	sst s1;
	(tag) =	ssettag s2;
	_ =	strace s9  }
0x27: {  	s1 =	sld [smem:$0x3F95]  }
0x28: {  	s2 =	sld [smem:$0x3F96]  }
0x29: {  	s4 =	sld [smem:$0x3F98]  }
0x2a: {  	p0 =	seq.s32 s5, $0x0;
	s5 =	sld [smem:$0x3F99]  }
0x2b: {  	s6 =	sld [smem:$0x3F9A]  }
0x2c: {  	s7 =	sld [smem:$0x3F9B]  }
0x2d: {  	s3 =	simm.s32 $0x108;
	s8 =	sld [smem:$0x3F9C]  }
0x2e: {  	s3 =	simm.s32 @!p0 $0x1082;
	s9 =	sld [smem:$0x3F9D]  }
0x2f: {  	lr =	sadd.s32 s0, s3;
	s0 =	sld [smem:$0x3F94]  }
0x30: {  	s3 =	sld [smem:$0x3F97]  }
0x31: {  	[smem:$0x3FA0] =	sst s10  }
0x32: {  	s10 =	sld [smem:$0x3F9E];
	_ =	sdelay $0x3  }
0x33: {  	p0 =	seq.s32 s10, $0x1;
	s10 =	sld [smem:$0x3FA0];
	_ =	sdelay $0x3  }
0x34: {  	[smem:$0x3FA0] =	sst s10  }
0x35: {  	s10 =	sld [smem:$0x3F9F];
	_ =	sdelay $0x3  }
0x36: {  	p1 =	seq.s32 s10, $0x1;
	s10 =	sld [smem:$0x3FA0];
	_ =	sdelay $0x3  }
0x37: {  	[smem:$0x3FA0] =	sst s10  }
0x38: {  	s10 =	sld [smem:$0x3FA1]  }
0x39: {  	_ = 	snop;
	(pc) =	sbr.ind lr, $3  }
0x3a: {  	_ = 	snop  }
0x3b: {  	_ = 	snop  }
0x3c: {  	p2 =	seq.s32 s10, $0x1;
	s10 =	sld [smem:$0x3FA0]  }
0x3d: {  	_ =	shalt  }
0x3e: {  	_ =	shalt  }
0x3f: {  	_ =	shalt  }
0x40: {  	_ =	shalt  }
0x41: {  	_ =	shalt  }
0x42: {  	_ =	shalt  }
0x43: {  	_ =	shalt  }
0x44: {  	_ =	shalt  }
0x45: {  	_ =	shalt  }
0x46: {  	_ =	shalt  }
0x47: {  	_ =	shalt  }
0x48: {  	_ =	shalt  }
0x49: {  	_ =	shalt  }
0x4a: {  	_ =	shalt  }
0x4b: {  	_ =	shalt  }
0x4c: {  	_ =	shalt  }
0x4d: {  	_ =	shalt  }
0x4e: {  	_ =	shalt  }
0x4f: {  	_ =	shalt  }
0x50: {  	_ =	shalt  }
0x51: {  	_ =	shalt  }
0x52: {  	_ =	shalt  }
0x53: {  	_ =	shalt  }
0x54: {  	_ =	shalt  }
0x55: {  	_ =	shalt  }
0x56: {  	_ =	shalt  }
0x57: {  	_ =	shalt  }
0x58: {  	_ =	shalt  }
0x59: {  	_ =	shalt  }
0x5a: {  	_ =	shalt  }
0x5b: {  	_ =	shalt  }
0x5c: {  	_ =	shalt  }
0x5d: {  	_ =	shalt  }
0x5e: {  	_ =	shalt  }
0x5f: {  	_ =	shalt  }
0x60: {  	_ =	shalt  }
0x61: {  	_ =	shalt  }
0x62: {  	_ =	shalt  }
0x63: {  	_ =	shalt  }
0x64: {  	_ =	shalt  }
0x65: {  	_ =	shalt  }
0x66: {  	_ =	shalt  }
0x67: {  	_ =	shalt  }
0x68: {  	_ =	shalt  }
0x69: {  	_ =	shalt  }
0x6a: {  	_ =	shalt  }
0x6b: {  	_ =	shalt  }
0x6c: {  	_ =	shalt  }
0x6d: {  	_ =	shalt  }
0x6e: {  	_ =	shalt  }
0x6f: {  	_ =	shalt  }
0x70: {  	_ =	shalt  }
0x71: {  	_ =	shalt  }
0x72: {  	_ =	shalt  }
0x73: {  	_ =	shalt  }
0x74: {  	_ =	shalt  }
0x75: {  	_ =	shalt  }
0x76: {  	_ =	shalt  }
0x77: {  	_ =	shalt  }
0x78: {  	_ =	shalt  }
0x79: {  	_ =	shalt  }
0x7a: {  	_ =	shalt  }
0x7b: {  	_ =	shalt  }
0x7c: {  	_ =	shalt  }
0x7d: {  	_ =	shalt  }
0x7e: {  	_ =	shalt  }
0x7f: {  	_ =	shalt  }
0x80: {  	_ =	shalt  }
0x81: {  	_ =	shalt  }
0x82: {  	_ =	shalt  }
0x83: {  	_ =	shalt  }
0x84: {  	_ =	shalt  }
0x85: {  	_ =	shalt  }
0x86: {  	_ =	shalt  }
0x87: {  	_ =	shalt  }
.Lfunc_end0:
.L_simem_size_0:
called_computation.1_lowered:
.L_overlay_start_0:
0x88: {  	s2 =	sld [smem:$0x3FD9]  }
0x89: {  	s3 =	sld [smem:$0x3FFE];
	_ =	sdelay $0x1  }
0x8a: {  	s1 =	srdreg.scid  }
0x8b: {  	s0 =	sand.u32 $0x1, s1  }
0x8c: {  	s14 =	sshll.u32 s0, $0xA;
	s2 =	sadd.s32 s3, s2  }
0x8d: {  	s2 =	sadd.s32 s2, s14  }
0x8e: {  	[smem:$0x3FAC] =	sst s2  }
0x8f: {  	_ = 	snop  }
0x90: {  	s2 =	sld [smem:$0x3FD0];
	_ =	sdelay $0x2  }
0x91: {  	s15 =	simm.s32 $0xA;
	s4 =	simm.s32 $0x10  }
0x92: {  	[smem:s4], [sflag:s15] =	dma.local [hbm:s2], $0x1  }
0x93: {  	_ =	swait.eq [sflag:s15], $0x1  }
0x94: {  	[sflag:s15] =	ssyncset.done $0x0  }
0x95: {  	s16 =	sld [smem:$0x10];
	[sflag:s15] =	ssyncadd.s32 $0xFFFFFFFF  }
0x96: {  	s17 =	sld [smem:$0x11];
	(tm) =	ssettm $0x1  }
0x97: {  	s18 =	sld [smem:$0x3FFB];
	_ =	sdelay $0x3  }
0x98: {  	_ =	strace s18  }
0x99: {  	s4 =	sld [smem:$0x3FFC];
	_ =	sdelay $0x3  }
0x9a: {  	_ =	strace s4  }
0x9b: {  	s4 =	sld [smem:$0x3FFD];
	_ =	sdelay $0x3  }
0x9c: {  	_ =	strace s4  }
0x9d: {  	_ =	strace $0x8FFFFFFF  }
0x9e: {  	s19 =	sld [smem:$0x3FDB];
	_ =	sdelay $0x1  }
0x9f: {  	s5 =	simm.s32 $_scs_section_size  }
0xa0: {  	s6 =	simm.s32 $_size__tile_overlayer_lowered;
	s7 =	simm.s32 $_tile_overlayer_lowered  }
0xa1: {  	s22 =	simm.s32 $0x1BFF;
	s21 =	sshll.u32 s7, $0x1;
	s4 =	sadd.s32 s5, s19  }
0xa2: {  	s8 =	simm.s32 $0x0;
	s20 =	sshll.u32 s6, $0x1;
	s6 =	sadd.s32 s21, s4  }
0xa3: {  	[timem:s8], [sflag:s22] =	dma.local [hbm:s6], s20  }
0xa4: {  	_ =	swait.ge [sflag:s22], s20  }
0xa5: {  	s5 =	ssub.s32 $0x0, s20;
	[sflag:s22] =	ssyncset.done $0x0  }
0xa6: {  	[sflag:s22] =	ssyncadd.s32 s5;
	_ =	sdelay $0x1  }
0xa7: {  	s23 =	simm.s32 $0x1B8B  }
0xa8: {  	_ =	swait.ge [sflag:s23], $0x1  }
0xa9: {  	[sflag:s23] =	ssyncset.done $0x0  }
0xaa: {  	s25 =	simm.s32 $0x1B8E;
	s24 =	sld [smem:$0x3FFE];
	[sflag:s23] =	ssyncadd.s32 $0xFFFFFFFF  }
0xab: {  	s26 =	simm.s32 $execute0_lowered;
	[smem:$0x3FD2] =	sst s25  }
0xac: {  	s6 =	sshll.u32 s26, $0x1;
	_ =	strace $0x80000049;
	[dreg:$0x1] =	wrdreg $0xFFFFFFFF  }
0xad: {  	s28 =	simm.s32 $_size_execute0_lowered;
	s4 =	sadd.s32 s4, s6;
	[dreg:$0x0] =	wrdreg $0x0  }
0xae: {  	s6 =	sshll.u32 s28, $0x1;
	[dreg:$0x2] =	wrdreg s4  }
0xaf: {  	[dreg:$0x3] =	wrdreg s6  }
0xb0: {  	[dreg:$0x4] =	wrdreg $0xC0  }
0xb1: {  	_ =	task [dreg:s8], $0x5FFFF  }
0xb2: {  	[dreg:$0x1] =	wrdreg $0xFFFFFFFF  }
0xb3: {  	[dreg:$0x0] =	wrdreg $0x60  }
0xb4: {  	[dreg:$0x2] =	wrdreg s17  }
0xb5: {  	[dreg:$0x3] =	wrdreg s24  }
0xb6: {  	[dreg:$0x4] =	wrdreg s16  }
0xb7: {  	[dreg:$0x5] =	wrdreg $0x42000  }
0xb8: {  	[dreg:$0x6] =	wrdreg $0x9  }
0xb9: {  	_ =	task.clear_ibuf [dreg:s8], $0x7FFFF;
	_ =	strace $0x90000049  }
0xba: {  	s29 =	simm.s32 $0x9;
	_ =	strace $0x8000004B  }
0xbb: {  	_ =	swait.ge [sflag:s29], $0x1  }
0xbc: {  	[sflag:s29] =	ssyncadd.s32 $0xFFFFFFFF  }
0xbd: {  	_ =	strace $0x9000004B  }
0xbe: {  	_ =	sfence  }
0xbf: {  	s30 =	sld [smem:$0x0];
	_ =	sdelay $0x2  }
0xc0: {  	s31 =	sshll.u32 s1, $0xD;
	s1 =	sshrl.u32 s1, $0x2  }
0xc1: {  	s3 =	sand.u32 $0x4000, s31;
	s1 =	sadd.s32 s1, s30  }
0xc2: {  	s0 =	sor.u32 s3, s0;
	s1 =	sshll.u32 s1, $0x11  }
0xc3: {  	s0 =	sor.u32 s1, s0  }
0xc4: {  	s0 =	sadd.s32 $0x8F2B, s0  }
0xc5: {  	[sflag:s0] =	ssyncadd.remote.s32 $0x1  }
0xc6: {  	_ =	sfence.sel $0xFFFF  }
0xc7: {  	[dreg:$0x0] =	wrdreg $0xFFFFFFFF;
	(pc) =	sbr.abs _section_cstart, $3  }
0xc8: {  	[dreg:$0x1] =	wrdreg $0xFFFFFFFF  }
0xc9: {  	_ =	task.clear_ibuf [dreg:s8], $0x2FFFF;
	_ =	strace $0x9FFFFFFF  }
0xca: {  	(tm) =	ssettm $0x7FFFFFFF  }
0xcb: {  	_ =	shalt  }
tec
execute0_lowered:
.L_overlay_start_1:
0x0: {  	(tag) =	ssettag $0x1  }
0x1: {  	s1 =	rddreg [dreg:$0x0]  }
0x2: {  	s20 =	rddreg [dreg:$0x1]  }
0x3: {  	s9 =	rddreg [dreg:$0x2]  }
0x4: {  	s3 =	rddreg [dreg:$0x3]  }
0x5: {  	s4 =	srdreg.scid;
	s0 =	rddreg [dreg:$0x4]  }
0x6: {  	s2 =	stileid.u32;
	s21 =	sand.u32 $0x1, s4;
	s4 =	simm.s32 $0x0  }
0x7: {  	s5 =	sshll.u32 s2, $0x9;
	s29 =	sshll.u32 s2, $0xB;
	s22 =	sshll.u32 s2, $0xE  }
0x8: {  	s23 =	sshll.u32 s2, $0x6;
	s6 =	sshll.u32 s21, $0x8;
	[smem:$0x7FF] =	sst s4  }
0x9: {  	s8 =	sadd.s32 s22, s3;
	s10 =	sor.u32 s6, s5;
	_ =	strace $0x8000004A  }
0xa: {  	s5 =	sadd.s32 s29, s20;
	s6 =	sor.u32 $0x1C01, s23;
	s11 =	sshrl.u32 s10, $0x3  }
0xb: {  	s8 =	sshrl.u32 s8, $0x3;
	s5 =	sadd.s32 $0x3000, s5;
	s7 =	sadd.s32 s11, s20  }
0xc: {  	[spmem:s8], [sflag:s6] =	dma.local [hbm:s5], $0x800  }
0xd: {  	s7 =	sadd.s32 $0x2C00, s7  }
0xe: {  	[tilespmem:s4], [sflag:$0x2] =	stream.linear.gather [hbm4b:s7+s4], $0x100, $0x38;
	[tilespmem:$0x8220] =	vst v63  }
0xf: {  	s16 =	sshll.u32 s10, $0x2;
	s10 =	simm.s32 $0x100;
	s9 =	sadd.s32 s9, s11  }
0x10: {  	[tilespmem:s10], [sflag:$0x3] =	stream.linear.gather [hbm4b:s9+s4], $0x100, $0x38;
	[tilespmem:$0x8220] =	vst v63  }
0x11: {  	s13 =	simm.s32 $0x200;
	s12 =	simm.s32 $0x2;
	s11 =	sadd.s32 s1, s16  }
0x12: {  	[tilespmem:s13], [sflag:$0x4] =	stream.linear.gather [hbm4b:s11+s4], $0x2000, $0x38;
	[tilespmem:$0x8220] =	vst v63  }
0x13: {  	_ =	swait.ge [sflag:s12], $0x100  }
0x14: {  	[sflag:s12] =	ssyncset.done $0x0  }
0x15: {  	s14 =	simm.s32 $0x2200;
	s15 =	simm.s32 $0x5;
	[sflag:s12] =	ssyncadd.s32 $0xFFFFFF00  }
0x16: {  	[tilespmem:s14], [sflag:$0x5] =	stream.indirect.gather [hbm4b:s1+s10], $0x20, s4, s10, $0xb8;
	[tilespmem:$0x8220] =	vst v63  }
0x17: {  	_ =	swait.ge [sflag:s15], $0x2000  }
0x18: {  	s16 =	sadd.s32 s16, s20;
	[sflag:s15] =	ssyncset.done $0x0  }
0x19: {  	s17 =	simm.s32 $0x1;
	s16 =	sadd.s32 $0x1B000, s16;
	[sflag:s15] =	ssyncadd.s32 $0xFFFFE000  }
0x1a: {  	[hbm4b:s16+s4] =	stream.linear.scatter [tilespmem:s14], [sflag:$0x2], $0x2000, $0x38;
	[tilespmem:$0x8220] =	vst v63  }
0x1b: {  	_ =	swait.ge [sflag:s17], $0x800  }
0x1c: {  	[sflag:s17] =	ssyncset.done $0x0  }
0x1d: {  	s18 =	simm.s32 $0x3;
	[sflag:s17] =	ssyncadd.s32 $0xFFFFF800  }
0x1e: {  	_ =	swait.ge [sflag:s18], $0x100  }
0x1f: {  	[sflag:s18] =	ssyncset.done $0x0  }
0x20: {  	s19 =	simm.s32 $0x4;
	[sflag:s18] =	ssyncadd.s32 $0xFFFFFF00  }
0x21: {  	_ =	swait.ge [sflag:s19], $0x2000  }
0x22: {  	[sflag:s19] =	ssyncset.done $0x0  }
0x23: {  	s24 =	sshll.u32 s21, $0x12;
	[sflag:s19] =	ssyncadd.s32 $0xFFFFE000  }
0x24: {  	s30 =	ssub.s32 $0x2, s21;
	s22 =	sor.u32 s22, s24;
	[bflag:$0x0] =	sbarrier.arrive $0xFFFF  }
0x25: {  	[spmem:s3] =	stream.indirect.scatter.add.f32 [tilespmem:s13], [sflag:$0x5], $0x20, s10, s10, $0xb8;
	[tilespmem:$0x8220] =	vst v63  }
0x26: {  	s31 =	sshrl.u32 s30, $0x1;
	s22 =	sshrl.u32 s22, $0x3;
	_ =	swait.ge [sflag:s15], $0x2000  }
0x27: {  	s20 =	sadd.s32 s22, s20;
	s22 =	ssub.s32 s30, s31;
	[sflag:s15] =	ssyncset.done $0x0  }
0x28: {  	s21 =	sor.u32 $0x1C05, s23;
	s22 =	smax.u32 s22, $0x1;
	[sflag:s15] =	ssyncadd.s32 $0xFFFFE000  }
0x29: {  	s20 =	sadd.s32 $0xB000, s20;
	p0 =	sne.s32 s22, $0x1;
	[bflag:$0x0] =	sbarrier.arrive $0xFFFF  }
0x2a: {  	[hbm:s20], [sflag:s21] =	dma.local [spmem:s8], $0x800  }
.Ltmp0:
0x2b: {  	_ =	swait.ge [sflag:s15], $0x800;
	(pc) =	sbr.rel @!p0 .LBB2_2-.Ltmp0, $4  }
0x2c: {  	[sflag:s15] =	ssyncset.done $0x0  }
0x2d: {  	[sflag:s15] =	ssyncadd.s32 $0xFFFFF800  }
0x2e: {  	_ =	swait.ge [sflag:s12], $0x2000  }
0x2f: {  	s22 =	sadd.s32 $0xFFFFFFFF, s22;
	[sflag:s12] =	ssyncset.done $0x0  }
.LBB2_1:
0x30: {  	p0 =	sne.s32 s22, $0x1;
	s22 =	sadd.s32 $0xFFFFFFFF, s22;
	[sflag:s12] =	ssyncadd.s32 $0xFFFFE000  }
0x31: {  	[spmem:s8], [sflag:s6] =	dma.local [hbm:s5], $0x800  }
0x32: {  	[tilespmem:s4], [sflag:$0x2] =	stream.linear.gather [hbm4b:s7+s4], $0x100, $0x38;
	[tilespmem:$0x8220] =	vst v63  }
0x33: {  	_ = 	snop  }
0x34: {  	[tilespmem:s10], [sflag:$0x3] =	stream.linear.gather [hbm4b:s9+s4], $0x100, $0x38;
	[tilespmem:$0x8220] =	vst v63  }
0x35: {  	_ = 	snop  }
0x36: {  	[tilespmem:s13], [sflag:$0x4] =	stream.linear.gather [hbm4b:s11+s4], $0x2000, $0x38;
	[tilespmem:$0x8220] =	vst v63  }
0x37: {  	_ =	swait.ge [sflag:s12], $0x100  }
0x38: {  	[sflag:s12] =	ssyncset.done $0x0  }
0x39: {  	[sflag:s12] =	ssyncadd.s32 $0xFFFFFF00  }
0x3a: {  	[tilespmem:s14], [sflag:$0x5] =	stream.indirect.gather [hbm4b:s1+s10], $0x20, s4, s10, $0xb8;
	[tilespmem:$0x8220] =	vst v63  }
0x3b: {  	_ =	swait.ge [sflag:s15], $0x2000  }
0x3c: {  	[sflag:s15] =	ssyncset.done $0x0  }
0x3d: {  	[sflag:s15] =	ssyncadd.s32 $0xFFFFE000  }
0x3e: {  	[hbm4b:s16+s4] =	stream.linear.scatter [tilespmem:s14], [sflag:$0x2], $0x2000, $0x38;
	[tilespmem:$0x8220] =	vst v63  }
0x3f: {  	_ =	swait.ge [sflag:s17], $0x800  }
0x40: {  	[sflag:s17] =	ssyncset.done $0x0  }
0x41: {  	[sflag:s17] =	ssyncadd.s32 $0xFFFFF800  }
0x42: {  	_ =	swait.ge [sflag:s18], $0x100  }
0x43: {  	[sflag:s18] =	ssyncset.done $0x0  }
0x44: {  	[sflag:s18] =	ssyncadd.s32 $0xFFFFFF00  }
0x45: {  	_ =	swait.ge [sflag:s19], $0x2000  }
0x46: {  	[sflag:s19] =	ssyncset.done $0x0  }
0x47: {  	[sflag:s19] =	ssyncadd.s32 $0xFFFFE000  }
0x48: {  	[bflag:$0x0] =	sbarrier.arrive $0xFFFF  }
0x49: {  	[spmem:s3] =	stream.indirect.scatter.add.f32 [tilespmem:s13], [sflag:$0x5], $0x20, s10, s10, $0xb8;
	[tilespmem:$0x8220] =	vst v63  }
0x4a: {  	_ =	swait.ge [sflag:s15], $0x2000  }
0x4b: {  	[sflag:s15] =	ssyncset.done $0x0  }
0x4c: {  	[sflag:s15] =	ssyncadd.s32 $0xFFFFE000  }
0x4d: {  	[bflag:$0x0] =	sbarrier.arrive $0xFFFF  }
0x4e: {  	[hbm:s20], [sflag:s21] =	dma.local [spmem:s8], $0x800  }
.Ltmp1:
0x4f: {  	_ =	swait.ge [sflag:s15], $0x800;
	(pc) =	sbr.rel @p0 .LBB2_1-.Ltmp1, $4  }
0x50: {  	[sflag:s15] =	ssyncset.done $0x0  }
0x51: {  	[sflag:s15] =	ssyncadd.s32 $0xFFFFF800  }
0x52: {  	_ =	swait.ge [sflag:s12], $0x2000  }
0x53: {  	[sflag:s12] =	ssyncset.done $0x0  }
.LBB2_2:
0x54: {  	[sflag:s12] =	ssyncadd.s32 $0xFFFFE000  }
0x55: {  	_ =	sfence.sel $0x180000  }
0x56: {  	[bflag:$0x0] =	sbarrier.arrive $0xFFFF  }
0x57: {  	p0 =	sne.s32 s2, $0x0;
	_ =	strace $0x9000004A  }
0x58: {  	s0 =	sadd.s32 @!p0 $0x100000, s0;
	[bflag:$0x2] =	sbarrier.arrive $0xFFFF  }
0x59: {  	[sflag:s0] =	ssyncadd.tile.s32 @!p0 $0x1;
	_ =	shalt  }
.Lfunc_end2:
_tile_overlayer_lowered:
.L_overlay_start_2:
0x5a: {  	(tag) =	ssettag $0x2  }
0x5b: {  	s0 =	rddreg [dreg:$0x0];
	s2 =	stileid.u32  }
0x5c: {  	s1 =	rddreg [dreg:$0x1];
	p0 =	sne.s32 s2, $0x0  }
0x5d: {  	s3 =	rddreg [dreg:$0x2];
	[bflag:$0x3] =	sbarrier.arrive $0xFFFF;
	s2 =	simm.s32 @!p0 $0x1C05  }
0x5e: {  	[timem:s3], [sflag:s2] =	dma.local @!p0 [hbm:s0], s1  }
0x5f: {  	s0 =	simm.s32 @!p0 $0x5  }
0x60: {  	_ =	swait.ge @!p0 [sflag:s0], s1  }
0x61: {  	s1 =	ssub.s32 @!p0 $0x0, s1;
	[sflag:s0] =	ssyncset.done @!p0 $0x0  }
0x62: {  	[sflag:s0] =	ssyncadd.s32 @!p0 s1  }
0x63: {  	[bflag:$0x3] =	sbarrier.arrive $0xFFFF  }
0x64: {  	_ =	shalt  }

// kernel: kernel.13.cloned.1.call-start
scs
__scs_entry_jumppad:
0x0: {  	(pc) =	sbr.rel $0x88, $3  }
0x1: {  	(tag) =	ssettag $0x0;
	lr =	simm.s32 $0x1  }
0x2: {  	[smem:$0x3F85] =	sst lr;
	_ =	strace $0xD0000000  }
0x3: {  	_ = 	snop  }
0x4: {  	_ = 	snop  }
0x5: {  	_ = 	snop  }
0x6: {  	_ = 	snop  }
0x7: {  	_ = 	snop  }
__scs_overlays_trampoline_lowered:
0x8: {  	[smem:$0x3F94] =	sst s0  }
0x9: {  	[smem:$0x3F95] =	sst s1  }
0xa: {  	[smem:$0x3F96] =	sst s2  }
0xb: {  	[smem:$0x3F97] =	sst s3  }
0xc: {  	[smem:$0x3F98] =	sst s4  }
0xd: {  	[smem:$0x3F99] =	sst s5  }
0xe: {  	[smem:$0x3F9A] =	sst s6  }
0xf: {  	[smem:$0x3F9B] =	sst s7  }
0x10: {  	[smem:$0x3F9C] =	sst s8  }
0x11: {  	[smem:$0x3F9D] =	sst s9;
	s0 =	simm.s32 @!p0 $0x0  }
0x12: {  	s1 =	sld [smem:$0x3F83];
	s0 =	simm.s32 @p0 $0x1  }
0x13: {  	[smem:$0x3F9E] =	sst s0;
	s0 =	simm.s32 @!p1 $0x0  }
0x14: {  	s2 =	sld [smem:$0x3F82];
	s0 =	simm.s32 @p1 $0x1  }
0x15: {  	[smem:$0x3F9F] =	sst s0;
	s0 =	simm.s32 @!p2 $0x0  }
0x16: {  	s3 =	sld [smem:$0x3FDB];
	s0 =	simm.s32 @p2 $0x1  }
0x17: {  	s4 =	simm.s32 $0x1BF5;
	[smem:$0x3FA1] =	sst s0  }
0x18: {  	s0 =	sld [smem:$0x3F84];
	_ =	swait.ge [sflag:s4], $0x0  }
0x19: {  	s7 =	sld [smem:$0x3F85]  }
0x1a: {  	s8 =	sadd.s32 $0xFFFFE003, lr  }
0x1b: {  	s9 =	sadd.s32 $0xFFFFFEF7, lr;
	s5 =	simm.s32 $0xFFFFFFFF;
	p2 =	slt.u32 s8, $0xFFFFF086  }
0x1c: {  	p1 =	slt.u32 s9, $0xF7A;
	s5 =	simm.s32 @!p2 $0x0  }
0x1d: {  	s5 =	simm.s32 @p1 $0x1;
	p0 =	seq.s32 s7, s2  }
0x1e: {  	s7 =	smul.u32 @!p0 $0xF7A, s2;
	p2 =	seq.s32 @!p0 s5, $0x0  }
0x1f: {  	s9 =	smul.u32 $0xF7A, s1;
	s8 =	simm.s32 @!p0 $0x1BF5;
	p2 =	por !p2, p0  }
0x20: {  	[sflag:s8] =	ssyncset.s32 @!p0 $0xFFFFF086;
	s6 =	sadd.s32 @!p0 s3, s7;
	s7 =	simm.s32 @!p0 $0x108  }
0x21: {  	s3 =	sadd.s32 s3, s9;
	s6 =	sadd.s32 @!p0 $0x88, s6;
	s7 =	simm.s32 @p2 $0x1082  }
0x22: {  	[simem:s7], [sflag:s8] =	dma.local @!p0 [hbm:s6], $0xF7A  }
0x23: {  	s9 =	sor.u32 $0xD0000000, s2;
	s6 =	simm.s32 $0x108;
	_ =	swait.ge @!p0 [sflag:s8], $0x0  }
0x24: {  	s3 =	sadd.s32 $0x88, s3;
	s6 =	simm.s32 @!p1 $0x1082;
	[sflag:s4] =	ssyncset.s32 $0xFFFFF086  }
0x25: {  	[simem:s6], [sflag:s4] =	dma.local [hbm:s3], $0xF7A  }
0x26: {  	[smem:$0x3F85] =	sst s1;
	(tag) =	ssettag s2;
	_ =	strace s9  }
0x27: {  	s1 =	sld [smem:$0x3F95]  }
0x28: {  	s2 =	sld [smem:$0x3F96]  }
0x29: {  	s4 =	sld [smem:$0x3F98]  }
0x2a: {  	p0 =	seq.s32 s5, $0x0;
	s5 =	sld [smem:$0x3F99]  }
0x2b: {  	s6 =	sld [smem:$0x3F9A]  }
0x2c: {  	s7 =	sld [smem:$0x3F9B]  }
0x2d: {  	s3 =	simm.s32 $0x108;
	s8 =	sld [smem:$0x3F9C]  }
0x2e: {  	s3 =	simm.s32 @!p0 $0x1082;
	s9 =	sld [smem:$0x3F9D]  }
0x2f: {  	lr =	sadd.s32 s0, s3;
	s0 =	sld [smem:$0x3F94]  }
0x30: {  	s3 =	sld [smem:$0x3F97]  }
0x31: {  	[smem:$0x3FA0] =	sst s10  }
0x32: {  	s10 =	sld [smem:$0x3F9E];
	_ =	sdelay $0x3  }
0x33: {  	p0 =	seq.s32 s10, $0x1;
	s10 =	sld [smem:$0x3FA0];
	_ =	sdelay $0x3  }
0x34: {  	[smem:$0x3FA0] =	sst s10  }
0x35: {  	s10 =	sld [smem:$0x3F9F];
	_ =	sdelay $0x3  }
0x36: {  	p1 =	seq.s32 s10, $0x1;
	s10 =	sld [smem:$0x3FA0];
	_ =	sdelay $0x3  }
0x37: {  	[smem:$0x3FA0] =	sst s10  }
0x38: {  	s10 =	sld [smem:$0x3FA1]  }
0x39: {  	_ = 	snop;
	(pc) =	sbr.ind lr, $3  }
0x3a: {  	_ = 	snop  }
0x3b: {  	_ = 	snop  }
0x3c: {  	p2 =	seq.s32 s10, $0x1;
	s10 =	sld [smem:$0x3FA0]  }
0x3d: {  	_ =	shalt  }
0x3e: {  	_ =	shalt  }
0x3f: {  	_ =	shalt  }
0x40: {  	_ =	shalt  }
0x41: {  	_ =	shalt  }
0x42: {  	_ =	shalt  }
0x43: {  	_ =	shalt  }
0x44: {  	_ =	shalt  }
0x45: {  	_ =	shalt  }
0x46: {  	_ =	shalt  }
0x47: {  	_ =	shalt  }
0x48: {  	_ =	shalt  }
0x49: {  	_ =	shalt  }
0x4a: {  	_ =	shalt  }
0x4b: {  	_ =	shalt  }
0x4c: {  	_ =	shalt  }
0x4d: {  	_ =	shalt  }
0x4e: {  	_ =	shalt  }
0x4f: {  	_ =	shalt  }
0x50: {  	_ =	shalt  }
0x51: {  	_ =	shalt  }
0x52: {  	_ =	shalt  }
0x53: {  	_ =	shalt  }
0x54: {  	_ =	shalt  }
0x55: {  	_ =	shalt  }
0x56: {  	_ =	shalt  }
0x57: {  	_ =	shalt  }
0x58: {  	_ =	shalt  }
0x59: {  	_ =	shalt  }
0x5a: {  	_ =	shalt  }
0x5b: {  	_ =	shalt  }
0x5c: {  	_ =	shalt  }
0x5d: {  	_ =	shalt  }
0x5e: {  	_ =	shalt  }
0x5f: {  	_ =	shalt  }
0x60: {  	_ =	shalt  }
0x61: {  	_ =	shalt  }
0x62: {  	_ =	shalt  }
0x63: {  	_ =	shalt  }
0x64: {  	_ =	shalt  }
0x65: {  	_ =	shalt  }
0x66: {  	_ =	shalt  }
0x67: {  	_ =	shalt  }
0x68: {  	_ =	shalt  }
0x69: {  	_ =	shalt  }
0x6a: {  	_ =	shalt  }
0x6b: {  	_ =	shalt  }
0x6c: {  	_ =	shalt  }
0x6d: {  	_ =	shalt  }
0x6e: {  	_ =	shalt  }
0x6f: {  	_ =	shalt  }
0x70: {  	_ =	shalt  }
0x71: {  	_ =	shalt  }
0x72: {  	_ =	shalt  }
0x73: {  	_ =	shalt  }
0x74: {  	_ =	shalt  }
0x75: {  	_ =	shalt  }
0x76: {  	_ =	shalt  }
0x77: {  	_ =	shalt  }
0x78: {  	_ =	shalt  }
0x79: {  	_ =	shalt  }
0x7a: {  	_ =	shalt  }
0x7b: {  	_ =	shalt  }
0x7c: {  	_ =	shalt  }
0x7d: {  	_ =	shalt  }
0x7e: {  	_ =	shalt  }
0x7f: {  	_ =	shalt  }
0x80: {  	_ =	shalt  }
0x81: {  	_ =	shalt  }
0x82: {  	_ =	shalt  }
0x83: {  	_ =	shalt  }
0x84: {  	_ =	shalt  }
0x85: {  	_ =	shalt  }
0x86: {  	_ =	shalt  }
0x87: {  	_ =	shalt  }
.Lfunc_end0:
.L_simem_size_0:
called_computation.2_lowered:
.L_overlay_start_0:
0x88: {  	s2 =	sld [smem:$0x3FD9]  }
0x89: {  	s3 =	sld [smem:$0x3FFE];
	_ =	sdelay $0x1  }
0x8a: {  	s1 =	srdreg.scid  }
0x8b: {  	s0 =	sand.u32 $0x1, s1  }
0x8c: {  	s14 =	sshll.u32 s0, $0xA;
	s2 =	sadd.s32 s3, s2  }
0x8d: {  	s2 =	sadd.s32 s2, s14  }
0x8e: {  	[smem:$0x3FAC] =	sst s2  }
0x8f: {  	_ = 	snop  }
0x90: {  	s2 =	sld [smem:$0x3FD0];
	_ =	sdelay $0x2  }
0x91: {  	s15 =	simm.s32 $0xA;
	s4 =	simm.s32 $0x10  }
0x92: {  	[smem:s4], [sflag:s15] =	dma.local [hbm:s2], $0x1  }
0x93: {  	_ =	swait.eq [sflag:s15], $0x1  }
0x94: {  	[sflag:s15] =	ssyncset.done $0x0  }
0x95: {  	s16 =	sld [smem:$0x12];
	[sflag:s15] =	ssyncadd.s32 $0xFFFFFFFF  }
0x96: {  	s17 =	sld [smem:$0x13];
	(tm) =	ssettm $0x1  }
0x97: {  	s18 =	sld [smem:$0x3FFB];
	_ =	sdelay $0x3  }
0x98: {  	_ =	strace s18  }
0x99: {  	s4 =	sld [smem:$0x3FFC];
	_ =	sdelay $0x3  }
0x9a: {  	_ =	strace s4  }
0x9b: {  	s4 =	sld [smem:$0x3FFD];
	_ =	sdelay $0x3  }
0x9c: {  	_ =	strace s4  }
0x9d: {  	_ =	strace $0x8FFFFFFF  }
0x9e: {  	s19 =	sld [smem:$0x3FDB];
	_ =	sdelay $0x1  }
0x9f: {  	s5 =	simm.s32 $_scs_section_size  }
0xa0: {  	s6 =	simm.s32 $_size__tile_overlayer_lowered;
	s7 =	simm.s32 $_tile_overlayer_lowered  }
0xa1: {  	s22 =	simm.s32 $0x1BFF;
	s21 =	sshll.u32 s7, $0x1;
	s4 =	sadd.s32 s5, s19  }
0xa2: {  	s8 =	simm.s32 $0x0;
	s20 =	sshll.u32 s6, $0x1;
	s6 =	sadd.s32 s21, s4  }
0xa3: {  	[timem:s8], [sflag:s22] =	dma.local [hbm:s6], s20  }
0xa4: {  	_ =	swait.ge [sflag:s22], s20  }
0xa5: {  	s5 =	ssub.s32 $0x0, s20;
	[sflag:s22] =	ssyncset.done $0x0  }
0xa6: {  	[sflag:s22] =	ssyncadd.s32 s5;
	_ =	sdelay $0x1  }
0xa7: {  	s23 =	simm.s32 $0x1B8B  }
0xa8: {  	_ =	swait.ge [sflag:s23], $0x1  }
0xa9: {  	[sflag:s23] =	ssyncset.done $0x0  }
0xaa: {  	s25 =	simm.s32 $0x1B8E;
	s24 =	sld [smem:$0x3FFE];
	[sflag:s23] =	ssyncadd.s32 $0xFFFFFFFF  }
0xab: {  	s26 =	simm.s32 $execute0_lowered;
	[smem:$0x3FD2] =	sst s25  }
0xac: {  	s6 =	sshll.u32 s26, $0x1;
	_ =	strace $0x8000004C;
	[dreg:$0x1] =	wrdreg $0xFFFFFFFF  }
0xad: {  	s28 =	simm.s32 $_size_execute0_lowered;
	s4 =	sadd.s32 s4, s6;
	[dreg:$0x0] =	wrdreg $0x0  }
0xae: {  	s6 =	sshll.u32 s28, $0x1;
	[dreg:$0x2] =	wrdreg s4  }
0xaf: {  	[dreg:$0x3] =	wrdreg s6  }
0xb0: {  	[dreg:$0x4] =	wrdreg $0xC0  }
0xb1: {  	_ =	task [dreg:s8], $0x5FFFF  }
0xb2: {  	[dreg:$0x1] =	wrdreg $0xFFFFFFFF  }
0xb3: {  	[dreg:$0x0] =	wrdreg $0x60  }
0xb4: {  	[dreg:$0x2] =	wrdreg s24  }
0xb5: {  	[dreg:$0x3] =	wrdreg s17  }
0xb6: {  	[dreg:$0x4] =	wrdreg s16  }
0xb7: {  	[dreg:$0x5] =	wrdreg $0x9  }
0xb8: {  	_ =	task.clear_ibuf [dreg:s8], $0x6FFFF;
	_ =	strace $0x9000004C  }
0xb9: {  	s29 =	simm.s32 $0x9;
	_ =	strace $0x8000004E  }
0xba: {  	_ =	swait.ge [sflag:s29], $0x1  }
0xbb: {  	[sflag:s29] =	ssyncadd.s32 $0xFFFFFFFF  }
0xbc: {  	_ =	strace $0x9000004E  }
0xbd: {  	_ =	sfence  }
0xbe: {  	s30 =	sld [smem:$0x0];
	_ =	sdelay $0x2  }
0xbf: {  	s31 =	sshll.u32 s1, $0xD;
	s1 =	sshrl.u32 s1, $0x2  }
0xc0: {  	s3 =	sand.u32 $0x4000, s31;
	s1 =	sadd.s32 s1, s30  }
0xc1: {  	s0 =	sor.u32 s3, s0;
	s1 =	sshll.u32 s1, $0x11  }
0xc2: {  	s0 =	sor.u32 s1, s0  }
0xc3: {  	s0 =	sadd.s32 $0x8F2B, s0  }
0xc4: {  	[sflag:s0] =	ssyncadd.remote.s32 $0x1  }
0xc5: {  	_ =	sfence.sel $0xFFFF  }
0xc6: {  	[dreg:$0x0] =	wrdreg $0xFFFFFFFF;
	(pc) =	sbr.abs _section_cstart, $3  }
0xc7: {  	[dreg:$0x1] =	wrdreg $0xFFFFFFFF  }
0xc8: {  	_ =	task.clear_ibuf [dreg:s8], $0x2FFFF;
	_ =	strace $0x9FFFFFFF  }
0xc9: {  	(tm) =	ssettm $0x7FFFFFFF  }
tec
execute0_lowered:
.L_overlay_start_1:
0x0: {  	(tag) =	ssettag $0x1  }
0x1: {  	s0 =	rddreg [dreg:$0x0]  }
0x2: {  	s1 =	rddreg [dreg:$0x1]  }
0x3: {  	s9 =	rddreg [dreg:$0x2]  }
0x4: {  	s2 =	simm.s32 $0x0;
	s3 =	srdreg.scid;
	s4 =	stileid.u32  }
0x5: {  	s14 =	simm.s32 $0x2000;
	s15 =	simm.s32 $0x4000;
	s16 =	simm.s32 $0x4100  }
0x6: {  	s20 =	simm.s32 $0x5;
	s21 =	simm.s32 $0x1;
	s22 =	simm.s32 $0x2  }
0x7: {  	s23 =	simm.s32 $0x3;
	s24 =	simm.s32 $0x4;
	s25 =	simm.s32 $0x6280  }
0x8: {  	s26 =	simm.s32 $0x7280;
	s28 =	simm.s32 $0x7380;
	s29 =	simm.s32 $0x0  }
0x9: {  	[smem:$0x7FF] =	sst s2;
	s6 =	sand.u32 $0x1, s3;
	s3 =	sadd.s32 $0x3800, s0  }
0xa: {  	s7 =	sshll.u32 s4, $0x9;
	s4 =	sadd.s32 $0x3400, s0;
	s8 =	sshll.u32 s6, $0x8  }
0xb: {  	s5 =	sadd.s32 $0x23000, s0;
	s6 =	ssub.s32 $0x2, s6;
	s7 =	sor.u32 s8, s7  }
0xc: {  	_ =	strace $0x8000004D;
	s31 =	sshrl.u32 s6, $0x1;
	s8 =	sshrl.u32 s7, $0x3  }
0xd: {  	s10 =	sshll.u32 s7, $0x1;
	s13 =	ssub.s32 s6, s31;
	s11 =	sadd.s32 s8, s0  }
0xe: {  	s0 =	sadd.s32 s10, s0;
	s8 =	sadd.s32 s1, s10;
	s9 =	sadd.s32 s9, s10  }
0xf: {  	s13 =	smax.u32 s13, $0x1;
	s6 =	sadd.s32 $0x3000, s11;
	s7 =	sadd.s32 $0x2C00, s11  }
0x10: {  	s10 =	sadd.s32 $0x3C00, s0;
	s11 =	sadd.s32 $0xBC00, s11;
	s12 =	sadd.s32 $0x7C00, s0  }
.LBB2_1:
0x11: {  	[tilespmem:s2], [sflag:$0x1] =	stream.linear.gather [hbm4b:s3+s2], $0x2000, $0x38;
	[tilespmem:$0x8380] =	vst v63  }
0x12: {  	_ = 	snop  }
0x13: {  	[tilespmem:s14], [sflag:$0x2] =	stream.linear.gather [hbm4b:s4+s2], $0x2000, $0x38;
	[tilespmem:$0x8380] =	vst v63  }
0x14: {  	_ = 	snop  }
0x15: {  	[tilespmem:s15], [sflag:$0x3] =	stream.linear.gather [hbm4b:s6+s2], $0x100, $0x38;
	[tilespmem:$0x8380] =	vst v63  }
0x16: {  	_ = 	snop  }
0x17: {  	[tilespmem:s16], [sflag:$0x4] =	stream.linear.gather [hbm4b:s7+s2], $0x100, $0x38;
	[tilespmem:$0x8380] =	vst v63  }
0x18: {  	s0 =	simm.s32 $0x4200  }
0x19: {  	[tilespmem:s0], [sflag:$0x1] =	stream.linear.gather [hbm4b:s8+s2], $0x1000, $0x38;
	[tilespmem:$0x8380] =	vst v63  }
0x1a: {  	s1 =	simm.s32 $0x5200  }
0x1b: {  	[tilespmem:s1], [sflag:$0x2] =	stream.linear.gather [hbm4b:s9+s2], $0x1000, $0x38;
	[tilespmem:$0x8380] =	vst v63  }
0x1c: {  	s17 =	simm.s32 $0x6200  }
0x1d: {  	[tilespmem:s17], [sflag:$0x5] =	stream.linear.gather [hbm4b:s5+s2], $0x80, $0x38;
	[tilespmem:$0x8380] =	vst v63  }
0x1e: {  	_ =	swait.ge [sflag:s20], $0x80  }
0x1f: {  	[sflag:s20] =	ssyncset.done $0x0  }
0x20: {  	[sflag:s20] =	ssyncadd.s32 $0xFFFFFF80  }
0x21: {  	_ =	swait.ge [sflag:s21], $0x2000  }
0x22: {  	[sflag:s21] =	ssyncset.done $0x0  }
0x23: {  	[sflag:s21] =	ssyncadd.s32 $0xFFFFE000  }
0x24: {  	_ =	swait.ge [sflag:s22], $0x2000  }
0x25: {  	[sflag:s22] =	ssyncset.done $0x0  }
0x26: {  	[sflag:s22] =	ssyncadd.s32 $0xFFFFE000  }
0x27: {  	_ =	swait.ge [sflag:s23], $0x100  }
0x28: {  	[sflag:s23] =	ssyncset.done $0x0  }
0x29: {  	[sflag:s23] =	ssyncadd.s32 $0xFFFFFF00  }
0x2a: {  	_ =	swait.ge [sflag:s24], $0x100  }
0x2b: {  	[sflag:s24] =	ssyncset.done $0x0  }
0x2c: {  	[sflag:s24] =	ssyncadd.s32 $0xFFFFFF00  }
0x2d: {  	_ =	swait.ge [sflag:s21], $0x1000  }
0x2e: {  	[sflag:s21] =	ssyncset.done $0x0  }
0x2f: {  	[sflag:s21] =	ssyncadd.s32 $0xFFFFF000  }
0x30: {  	_ =	swait.ge [sflag:s22], $0x1000  }
0x31: {  	[sflag:s22] =	ssyncset.done $0x0  }
0x32: {  	s18 =	simm.s32 $0x2;
	[sflag:s22] =	ssyncadd.s32 $0xFFFFF000  }
0x33: {  	v0 =	vmov s18;
	v2 =	vld [tilespmem:$0x6200]  }
0x34: {  	v3 =	vand.u32 $0xFFFFFFFE, v0;
	v7 =	vld [tilespmem:$0x6210]  }
0x35: {  	s19 =	simm.s32 $0x1;
	v12 =	vbroadcast v3, $0x0;
	s1 =	simm.s32 $0x4220;
	v1 =	vld [tilespmem:$0x6220]  }
0x36: {  	v4 =	vmov s19;
	v11 =	vld [tilespmem:s1+$0x0]  }
0x37: {  	v8 =	vand.u32 $0xFFFFFFFD, v4;
	v0 =	vld [tilespmem:$0x6230]  }
0x38: {  	v15 =	vbroadcast v8, $0x0;
	v6 =	vld [tilespmem:$0x6240]  }
0x39: {  	v24 =	vld [tilespmem:s1+$0xFFFFFFF0]  }
0x3a: {  	v5 =	vld [tilespmem:$0x6250]  }
0x3b: {  	s0 =	simm.s32 $0x5220;
	v8 =	vld.idx.msk [tilespmem:v12+s15+$0x0], $0xffff  }
0x3c: {  	v16 =	vld [tilespmem:s0+$0x0]  }
0x3d: {  	v30 =	vld [tilespmem:s1+$0xFFFFFFE0]  }
0x3e: {  	v9 =	vmov s2;
	v13 =	vld.idx.msk [tilespmem:v15+s15+$0x0], $0xffff  }
0x3f: {  	v9 =	vand.u32 $0xFFFFFFFC, v9;
	s17 =	simm.s32 $0x3;
	v33 =	vld [tilespmem:s0+$0xFFFFFFF0]  }
0x40: {  	v26 =	vbroadcast v9, $0x0;
	v27 =	vmov s17;
	v10 =	vld.idx.msk [tilespmem:v11+s2+$0x0], $0xffff  }
0x41: {  	s17 =	simm.s32 $0x4;
	v14 =	vld.idx.msk [tilespmem:v24+s2+$0x0], $0xffff  }
0x42: {  	v9 =	vmov s17;
	v3 =	vld [tilespmem:$0x6260]  }
0x43: {  	s19 =	simm.s32 $0x7;
	v9 =	vand.u32 $0xFFFFFFFC, v9;
	v4 =	vld [tilespmem:$0x6270]  }
0x44: {  	v29 =	vld [tilespmem:s1+$0x10];
	v17 =	vadd.f32 v8, v2;
	v8 =	vbroadcast v9, $0x0;
	v9 =	vmov s19  }
0x45: {  	s18 =	simm.s32 $0x5;
	v18 =	vld.idx.msk [tilespmem:v27+s15+$0x0], $0xffff;
	v10 =	vmul.f32 v10, v16  }
0x46: {  	v19 =	vmov s18;
	s18 =	simm.s32 $0x4260;
	v23 =	vld.idx.msk [tilespmem:v26+s15+$0x0], $0xffff;
	v13 =	vadd.f32 v13, v2;
	v14 =	vmul.f32 v14, v33  }
0x47: {  	v22 =	vld [tilespmem:s18+$0x0];
	v20 =	vadd.f32 v10, v17  }
0x48: {  	v25 =	vld.idx.msk [tilespmem:v30+s2+$0x0], $0xffff;
	v13 =	vadd.f32 v14, v13  }
0x49: {  	v32 =	vld.idx.msk [tilespmem:v9+s15+$0x0], $0xffff;
	v21 =	vadd.f32 v20, v7  }
0x4a: {  	v31 =	vld.idx.msk [tilespmem:v8+s15+$0x0], $0xffff;
	v13 =	vadd.f32 v13, v7  }
0x4b: {  	v19 =	vand.u32 $0xFFFFFFFD, v19;
	v17 =	vld [tilespmem:s0+$0xFFFFFFE0];
	v21 =	vmul.f32 v21, v1  }
0x4c: {  	v10 =	vbroadcast v19, $0x0;
	v19 =	vld.idx.msk [tilespmem:v29+s2+$0x0], $0xffff;
	v13 =	vmul.f32 v13, v1  }
0x4d: {  	v20 =	vld [tilespmem:s0+$0x10];
	v14 =	vadd.f32 v21, v0  }
0x4e: {  	s17 =	simm.s32 $0x6;
	s0 =	simm.s32 $0x62A0;
	v35 =	vadd.f32 v13, v0;
	v13 =	vld [tilespmem:s18+$0xFFFFFFE0]  }
0x4f: {  	v21 =	vmov s17;
	[tilespmem:s0+$0x0] =	vst v14;
	v14 =	vld [tilespmem:s18+$0xFFFFFFF0]  }
0x50: {  	v23 =	vadd.f32 v23, v2;
	v25 =	vmul.f32 v25, v17;
	v21 =	vand.u32 $0xFFFFFFFE, v21;
	v12 =	vld.idx.msk [tilespmem:v12+s16+$0x0], $0xffff  }
0x51: {  	v21 =	vbroadcast v21, $0x0;
	v28 =	vld.idx.msk [tilespmem:v11+s14+$0x0], $0xffff  }
0x52: {  	v18 =	vadd.f32 v18, v2;
	v19 =	vmul.f32 v19, v20;
	v23 =	vadd.f32 v25, v23;
	[tilespmem:s0+$0xFFFFFFF0] =	vst v35;
	v11 =	vld [tilespmem:s18+$0x10]  }
0x53: {  	v25 =	vld.idx.msk [tilespmem:v15+s16+$0x0], $0xffff  }
0x54: {  	s31 =	simm.s32 $0x5260;
	v15 =	vadd.f32 v19, v18;
	v18 =	vadd.f32 v23, v7;
	v23 =	vld.idx.msk [tilespmem:v22+s2+$0x0], $0xffff  }
0x55: {  	v19 =	vld [tilespmem:s31+$0x0]  }
0x56: {  	v34 =	vld.idx.msk [tilespmem:v10+s15+$0x0], $0xffff;
	v15 =	vadd.f32 v15, v7  }
0x57: {  	v56 =	vld.idx.msk [tilespmem:v21+s15+$0x0], $0xffff;
	v12 =	vadd.f32 v12, v6;
	v16 =	vmul.f32 v28, v16  }
0x58: {  	v15 =	vmul.f32 v15, v1;
	v28 =	vmul.f32 v18, v1;
	v18 =	vld [tilespmem:s31+$0xFFFFFFE0]  }
0x59: {  	v39 =	vld.idx.msk [tilespmem:v13+s2+$0x0], $0xffff;
	v12 =	vadd.f32 v16, v12  }
0x5a: {  	s19 =	simm.s32 $0x8;
	v40 =	vmul.f32 v23, v19;
	v23 =	vld [tilespmem:s31+$0x10];
	v38 =	vadd.f32 v15, v0  }
0x5b: {  	v15 =	vmov s19;
	v36 =	vld.idx.msk [tilespmem:v14+s2+$0x0], $0xffff;
	v16 =	vadd.f32 v28, v0;
	v12 =	vadd.f32 v12, v5  }
0x5c: {  	s18 =	simm.s32 $0xB;
	v28 =	vand.u32 $0xFFFFFFFC, v15;
	v15 =	vld [tilespmem:s31+$0xFFFFFFF0];
	v35 =	vadd.f32 v56, v2  }
0x5d: {  	v60 =	vadd.f32 v32, v2;
	s17 =	simm.s32 $0x9;
	v37 =	vld.idx.msk [tilespmem:v11+s2+$0x0], $0xffff;
	[tilespmem:s0+$0xFFFFFFE0] =	vst v16;
	v16 =	vmov s18;
	v41 =	vmul.f32 v12, v3  }
0x5e: {  	v42 =	vld.idx.msk [tilespmem:v24+s14+$0x0], $0xffff;
	v12 =	vbroadcast v28, $0x0;
	v28 =	vmov s17;
	v35 =	vadd.f32 v40, v35  }
0x5f: {  	[tilespmem:s0+$0x10] =	vst v38;
	v58 =	vld.idx.msk [tilespmem:v26+s16+$0x0], $0xffff;
	v26 =	vadd.f32 v31, v2;
	v59 =	vmul.f32 v39, v18;
	v57 =	vand.u32 $0xFFFFFFFD, v28  }
0x60: {  	v32 =	vld.idx.msk [tilespmem:v29+s14+$0x0], $0xffff;
	v28 =	vadd.f32 v25, v6;
	v25 =	vbroadcast v57, $0x0;
	v24 =	vadd.f32 v35, v7  }
0x61: {  	v34 =	vadd.f32 v34, v2;
	v30 =	vld.idx.msk [tilespmem:v30+s14+$0x0], $0xffff;
	v36 =	vmul.f32 v36, v15;
	v29 =	vadd.f32 v59, v26  }
0x62: {  	s1 =	simm.s32 $0x42A0;
	v31 =	vld.idx.msk [tilespmem:v27+s16+$0x0], $0xffff;
	v41 =	vadd.f32 v41, v4;
	v37 =	vmul.f32 v37, v23;
	v27 =	vmul.f32 v24, v1  }
0x63: {  	v61 =	vadd.f32 v36, v34;
	v34 =	vadd.f32 v29, v7;
	v29 =	vld [tilespmem:s1+$0x0]  }
0x64: {  	s30 =	simm.s32 $0x73A0;
	s19 =	simm.s32 $0xA;
	v37 =	vadd.f32 v37, v60;
	v24 =	vld.idx.msk [tilespmem:v16+s15+$0x0], $0xffff;
	v62 =	vadd.f32 v27, v0  }
0x65: {  	v33 =	vmul.f32 v42, v33;
	v63 =	vmov s19;
	s0 =	simm.s32 $0x62E0;
	[tilespmem:s30+$0x0] =	vst v41;
	v36 =	vadd.f32 v61, v7;
	v26 =	vld.idx.msk [tilespmem:v12+s15+$0x0], $0xffff  }
0x66: {  	v38 =	vand.u32 $0xFFFFFFFE, v63;
	s17 =	simm.s32 $0xC;
	v35 =	vadd.f32 v58, v6;
	v37 =	vadd.f32 v37, v7;
	v27 =	vld.idx.msk [tilespmem:v25+s15+$0x0], $0xffff;
	[tilespmem:s0+$0x0] =	vst v62  }
.LBB2_2:
0x67: {  	p0 =	slt.u32 s17, $0xFC;
	v36 =	vmul.f32 v36, v1;
	v39 =	vld.idx.msk [tilespmem:v21+s16+$0x0], $0xffff;
	v21 =	vbroadcast v38, $0x0;
	v31 =	vadd.f32 v31, v6  }
0x68: {  	v34 =	vmul.f32 v34, v1;
	v28 =	vadd.f32 v33, v28;
	v38 =	vld.idx.msk [tilespmem:v22+s14+$0x0], $0xffff;
	v41 =	vmul.f32 v37, v1  }
0x69: {  	v30 =	vmul.f32 v30, v17;
	v32 =	vmul.f32 v32, v20;
	v17 =	vmovc v18;
	v33 =	vld [tilespmem:s1+$0xFFFFFFF0];
	v36 =	vadd.f32 v36, v0  }
0x6a: {  	v20 =	vmov v23;
	v18 =	vadd.f32 v34, v0;
	v37 =	vld [tilespmem:s1+$0x10];
	v34 =	vadd.f32 v41, v0  }
0x6b: {  	v23 =	vadd.f32 v30, v35;
	v30 =	vadd.f32 v32, v31;
	v40 =	vld [tilespmem:s1+$0xFFFFFFE0];
	[tilespmem:s0+$0xFFFFFFF0] =	vst v36;
	v22 =	vmov v29  }
0x6c: {  	[tilespmem:s0+$0xFFFFFFE0] =	vst v18;
	v31 =	vld.idx.msk [tilespmem:v10+s16+$0x0], $0xffff;
	v18 =	vadd.f32 v28, v5;
	v10 =	vmov v25  }
0x6d: {  	v23 =	vadd.f32 v23, v5;
	v28 =	vadd.f32 v30, v5;
	v25 =	vld.idx.msk [tilespmem:v21+s15+$0x0], $0xffff;
	[tilespmem:s0+$0x10] =	vst v34  }
0x6e: {  	s31 =	sadd.s32 $0x40, s31;
	v30 =	vadd.f32 v39, v6;
	v32 =	vmul.f32 v38, v19;
	v29 =	vld.idx.msk [tilespmem:v29+s2+$0x0], $0xffff;
	v34 =	vmul.f32 v18, v3  }
0x6f: {  	v23 =	vmul.f32 v23, v3;
	v28 =	vmul.f32 v28, v3;
	v19 =	vld [tilespmem:s31+$0x0]  }
0x70: {  	v30 =	vadd.f32 v32, v30;
	v18 =	vld [tilespmem:s31+$0xFFFFFFE0];
	v32 =	vadd.f32 v34, v4  }
0x71: {  	v23 =	vadd.f32 v23, v4;
	v35 =	vadd.f32 v28, v4;
	v34 =	vld.idx.msk [tilespmem:v33+s2+$0x0], $0xffff  }
0x72: {  	v36 =	vmov s17;
	v28 =	vadd.f32 v31, v6;
	v30 =	vadd.f32 v30, v5;
	v38 =	vld.idx.msk [tilespmem:v37+s2+$0x0], $0xffff;
	[tilespmem:s30+$0xFFFFFFF0] =	vst v32  }
0x73: {  	v31 =	vand.u32 $0xFFFFFFFC, v36;
	v32 =	vld.idx.msk [tilespmem:v40+s2+$0x0], $0xffff;
	[tilespmem:s30+$0xFFFFFFE0] =	vst v23  }
0x74: {  	s18 =	sadd.s32 $0x1, s17;
	s19 =	sadd.s32 $0x3, s17;
	v25 =	vadd.f32 v25, v2;
	v30 =	vmul.f32 v30, v3;
	v39 =	vld [tilespmem:s31+$0xFFFFFFF0];
	v29 =	vmul.f32 v29, v19;
	[tilespmem:s30+$0x10] =	vst v35  }
0x75: {  	v41 =	vmov s19;
	v31 =	vbroadcast v31, $0x0;
	v35 =	vmov s18;
	v23 =	vld [tilespmem:s31+$0x10]  }
0x76: {  	v35 =	vand.u32 $0xFFFFFFFD, v35;
	v42 =	vadd.f32 v30, v4;
	v29 =	vadd.f32 v29, v25;
	v36 =	vld.idx.msk [tilespmem:v14+s14+$0x0], $0xffff;
	v14 =	vmovc v33  }
0x77: {  	s30 =	sadd.s32 $0x40, s30;
	v25 =	vbroadcast v35, $0x0;
	v35 =	vld.idx.msk [tilespmem:v8+s16+$0x0], $0xffff;
	v8 =	vmov v12;
	v12 =	vmov v31  }
0x78: {  	v26 =	vadd.f32 v26, v2;
	v29 =	vadd.f32 v29, v7;
	v30 =	vld.idx.msk [tilespmem:v13+s14+$0x0], $0xffff;
	[tilespmem:s30+$0x0] =	vst v42;
	v13 =	vmov v40  }
0x79: {  	v27 =	vadd.f32 v27, v2;
	v33 =	vmul.f32 v32, v18;
	v34 =	vmul.f32 v34, v39;
	v31 =	vld.idx.msk [tilespmem:v9+s16+$0x0], $0xffff  }
.Ltmp0:
0x7a: {  	v40 =	vadd.f32 v24, v2;
	v29 =	vmul.f32 v29, v1;
	v38 =	vmul.f32 v38, v23;
	v32 =	vld.idx.msk [tilespmem:v11+s14+$0x0], $0xffff;
	(pc) =	sbr.rel @p0 .LBB2_2-.Ltmp0, $4  }
0x7b: {  	v9 =	vmovc v16;
	v42 =	vadd.f32 v33, v26;
	v11 =	vmov v37;
	v24 =	vld.idx.msk [tilespmem:v41+s15+$0x0], $0xffff;
	v43 =	vadd.f32 v34, v27  }
0x7c: {  	s18 =	sadd.s32 $0x2, s17;
	v33 =	vmul.f32 v36, v15;
	v26 =	vld.idx.msk [tilespmem:v12+s15+$0x0], $0xffff;
	v37 =	vadd.f32 v29, v0;
	v40 =	vadd.f32 v38, v40  }
0x7d: {  	s1 =	sadd.s32 $0x40, s1;
	s0 =	sadd.s32 $0x40, s0;
	v16 =	vmovc v41;
	v15 =	vmovc v39;
	v38 =	vmov s18;
	v34 =	vadd.f32 v42, v7;
	v27 =	vld.idx.msk [tilespmem:v25+s15+$0x0], $0xffff;
	v36 =	vadd.f32 v43, v7  }
0x7e: {  	s17 =	sadd.s32 $0x4, s17;
	v35 =	vadd.f32 v35, v6;
	v38 =	vand.u32 $0xFFFFFFFE, v38;
	v29 =	vld [tilespmem:s1+$0x0];
	[tilespmem:s0+$0x0] =	vst v37;
	v37 =	vadd.f32 v40, v7  }
0x7f: {  	_ =	sdelay $0x2  }
0x80: {  	v38 =	vbroadcast v38, $0x0;
	v39 =	vld [tilespmem:s1+$0xFFFFFFF0]  }
0x81: {  	v40 =	vld [tilespmem:s1+$0xFFFFFFE0]  }
0x82: {  	v41 =	vld [tilespmem:s1+$0x10];
	s18 =	sadd.s32 $0x40, s31  }
0x83: {  	v44 =	vld [tilespmem:s18+$0x0]  }
0x84: {  	v45 =	vld [tilespmem:s18+$0xFFFFFFE0]  }
0x85: {  	v43 =	vld.idx.msk [tilespmem:v29+s2+$0x0], $0xffff  }
0x86: {  	v42 =	vld.idx.msk [tilespmem:v38+s15+$0x0], $0xffff  }
0x87: {  	v20 =	vmul.f32 v32, v20;
	v32 =	vld [tilespmem:s18+$0xFFFFFFF0]  }
0x88: {  	v17 =	vmul.f32 v30, v17;
	v28 =	vadd.f32 v33, v28;
	v56 =	vmul.f32 v36, v1;
	v46 =	vld.idx.msk [tilespmem:v39+s2+$0x0], $0xffff  }
0x89: {  	v31 =	vadd.f32 v31, v6;
	v34 =	vmul.f32 v34, v1;
	v61 =	vld [tilespmem:s18+$0x10];
	v24 =	vadd.f32 v24, v2  }
0x8a: {  	v17 =	vadd.f32 v17, v35;
	v33 =	vadd.f32 v56, v0;
	v55 =	vld.idx.msk [tilespmem:v40+s2+$0x0], $0xffff  }
0x8b: {  	v34 =	vadd.f32 v34, v0;
	v59 =	vld.idx.msk [tilespmem:v41+s2+$0x0], $0xffff;
	v58 =	vmul.f32 v43, v44;
	v57 =	vadd.f32 v42, v2  }
0x8c: {  	v21 =	vld.idx.msk [tilespmem:v21+s16+$0x0], $0xffff;
	v37 =	vmul.f32 v37, v1;
	v20 =	vadd.f32 v20, v31;
	v26 =	vadd.f32 v26, v2  }
0x8d: {  	v27 =	vadd.f32 v27, v2;
	[tilespmem:s0+$0xFFFFFFF0] =	vst v33;
	v60 =	vadd.f32 v58, v57;
	v63 =	vmul.f32 v46, v32  }
0x8e: {  	v22 =	vld.idx.msk [tilespmem:v22+s14+$0x0], $0xffff;
	v28 =	vadd.f32 v28, v5;
	v62 =	vadd.f32 v37, v0;
	[tilespmem:s0+$0xFFFFFFE0] =	vst v34  }
0x8f: {  	v10 =	vld.idx.msk [tilespmem:v10+s16+$0x0], $0xffff;
	v30 =	vmul.f32 v55, v45;
	v42 =	vadd.f32 v60, v7;
	v27 =	vadd.f32 v63, v27  }
0x90: {  	v17 =	vadd.f32 v17, v5;
	v20 =	vadd.f32 v20, v5;
	v14 =	vld.idx.msk [tilespmem:v14+s14+$0x0], $0xffff;
	v31 =	vmul.f32 v59, v61  }
0x91: {  	v8 =	vld.idx.msk [tilespmem:v8+s16+$0x0], $0xffff;
	v26 =	vadd.f32 v30, v26;
	v30 =	vmul.f32 v42, v1;
	v27 =	vadd.f32 v27, v7  }
0x92: {  	v28 =	vmul.f32 v28, v3;
	[tilespmem:s0+$0x10] =	vst v62;
	v13 =	vld.idx.msk [tilespmem:v13+s14+$0x0], $0xffff;
	v24 =	vadd.f32 v31, v24  }
0x93: {  	v9 =	vld.idx.msk [tilespmem:v9+s16+$0x0], $0xffff;
	v26 =	vadd.f32 v26, v7;
	v43 =	vadd.f32 v30, v0;
	v27 =	vmul.f32 v27, v1  }
0x94: {  	s19 =	sadd.s32 $0x40, s0;
	v19 =	vmul.f32 v22, v19;
	v21 =	vadd.f32 v21, v6;
	v17 =	vmul.f32 v17, v3;
	v11 =	vld.idx.msk [tilespmem:v11+s14+$0x0], $0xffff  }
0x95: {  	v7 =	vadd.f32 v24, v7;
	v46 =	vmul.f32 v26, v1;
	[tilespmem:s19+$0x0] =	vst v43;
	v47 =	vadd.f32 v27, v0  }
0x96: {  	v48 =	vadd.f32 v28, v4;
	v20 =	vmul.f32 v20, v3;
	v19 =	vadd.f32 v19, v21;
	v49 =	vld.idx.msk [tilespmem:v38+s16+$0x0], $0xffff  }
0x97: {  	v7 =	vmul.f32 v7, v1;
	v21 =	vadd.f32 v46, v0;
	v50 =	vld.idx.msk [tilespmem:v29+s14+$0x0], $0xffff;
	[tilespmem:s19+$0xFFFFFFF0] =	vst v47  }
0x98: {  	v17 =	vadd.f32 v17, v4;
	v10 =	vadd.f32 v10, v6;
	v14 =	vmul.f32 v14, v15;
	v22 =	vld.idx.msk [tilespmem:v25+s16+$0x0], $0xffff  }
0x99: {  	v19 =	vadd.f32 v19, v5;
	v7 =	vadd.f32 v7, v0;
	[tilespmem:s19+$0xFFFFFFE0] =	vst v21;
	v51 =	vld.idx.msk [tilespmem:v39+s14+$0x0], $0xffff  }
0x9a: {  	v8 =	vadd.f32 v8, v6;
	v13 =	vmul.f32 v13, v18;
	v10 =	vadd.f32 v14, v10;
	v12 =	vld.idx.msk [tilespmem:v12+s16+$0x0], $0xffff  }
0x9b: {  	v9 =	vadd.f32 v9, v6;
	v11 =	vmul.f32 v11, v23;
	[tilespmem:s19+$0x10] =	vst v7;
	v7 =	vld.idx.msk [tilespmem:v40+s14+$0x0], $0xffff  }
0x9c: {  	v53 =	vmul.f32 v19, v3;
	v8 =	vadd.f32 v13, v8;
	v10 =	vadd.f32 v10, v5;
	v54 =	vld.idx.msk [tilespmem:v16+s16+$0x0], $0xffff  }
0x9d: {  	v52 =	vadd.f32 v20, v4;
	v9 =	vadd.f32 v11, v9;
	v55 =	vld.idx.msk [tilespmem:v41+s14+$0x0], $0xffff  }
0x9e: {  	v56 =	vadd.f32 v53, v4;
	v8 =	vadd.f32 v8, v5;
	v10 =	vmul.f32 v10, v3  }
0x9f: {  	v9 =	vadd.f32 v9, v5;
	v57 =	vadd.f32 v49, v6;
	v58 =	vmul.f32 v50, v44  }
0xa0: {  	v10 =	vadd.f32 v10, v4;
	v59 =	vadd.f32 v22, v6;
	v15 =	vmul.f32 v51, v32  }
0xa1: {  	v18 =	vadd.f32 v58, v57;
	v12 =	vadd.f32 v12, v6;
	v7 =	vmul.f32 v7, v45  }
0xa2: {  	[tilespmem:s30+$0xFFFFFFF0] =	vst v48;
	v6 =	vadd.f32 v54, v6;
	v11 =	vmul.f32 v55, v61;
	v60 =	vadd.f32 v15, v59  }
0xa3: {  	[tilespmem:s30+$0xFFFFFFE0] =	vst v17;
	v8 =	vmul.f32 v8, v3;
	v61 =	vadd.f32 v18, v5;
	v7 =	vadd.f32 v7, v12  }
0xa4: {  	[tilespmem:s30+$0x10] =	vst v52;
	s30 =	sadd.s32 $0x40, s30;
	v9 =	vmul.f32 v9, v3;
	v6 =	vadd.f32 v11, v6;
	v62 =	vadd.f32 v60, v5  }
0xa5: {  	[tilespmem:s30+$0x0] =	vst v56;
	v8 =	vadd.f32 v8, v4;
	v63 =	vmul.f32 v61, v3;
	v7 =	vadd.f32 v7, v5  }
0xa6: {  	v9 =	vadd.f32 v9, v4;
	[tilespmem:s30+$0xFFFFFFF0] =	vst v10;
	v5 =	vadd.f32 v6, v5;
	v6 =	vmul.f32 v62, v3  }
0xa7: {  	[tilespmem:s30+$0xFFFFFFE0] =	vst v8;
	v8 =	vadd.f32 v63, v4;
	v7 =	vmul.f32 v7, v3  }
0xa8: {  	s0 =	sadd.s32 $0x40, s30;
	[tilespmem:s30+$0x10] =	vst v9;
	v3 =	vmul.f32 v5, v3;
	v5 =	vadd.f32 v6, v4  }
0xa9: {  	[tilespmem:s0+$0x0] =	vst v8;
	v6 =	vadd.f32 v7, v4  }
0xaa: {  	v3 =	vadd.f32 v3, v4;
	[tilespmem:s0+$0xFFFFFFF0] =	vst v5  }
0xab: {  	[tilespmem:s0+$0xFFFFFFE0] =	vst v6  }
0xac: {  	s31 =	simm.s32 $0x4020;
	[tilespmem:s0+$0x10] =	vst v3  }
0xad: {  	p1 =	por $0x1, $0x1;
	v6 =	vld [tilespmem:s31+$0x0]  }
.Ltmp1:
0xae: {  	_ = 	snop;
	(pc) =	sbr.rel @!p1 .LBB2_4-.Ltmp1, $4  }
0xaf: {  	_ = 	snop  }
0xb0: {  	v4 =	vld [tilespmem:s31+$0xFFFFFFE0]  }
0xb1: {  	v3 =	vld [tilespmem:s31+$0xFFFFFFF0]  }
0xb2: {  	s1 =	simm.s32 $0x4060;
	p0 =	por $0x0, $0x0;
	s0 =	simm.s32 $0x72A0;
	v5 =	vld [tilespmem:s31+$0x10];
	v6 =	vadd.f32 v6, v2  }
0xb3: {  	_ =	sdelay $0x1  }
0xb4: {  	v7 =	vld [tilespmem:s1+$0x0];
	p1 =	por $0x1, $0x1;
	v4 =	vadd.f32 v4, v2  }
.Ltmp2:
0xb5: {  	v3 =	vadd.f32 v3, v2;
	(pc) =	sbr.rel @!p1 .LBB2_6-.Ltmp2, $4  }
0xb6: {  	v6 =	vmul.f32 v6, v1;
	v8 =	vmul.f32 v4, v1;
	v4 =	vld [tilespmem:s1+$0xFFFFFFE0]  }
0xb7: {  	v10 =	vadd.f32 v5, v2;
	v11 =	vmul.f32 v3, v1;
	v3 =	vld [tilespmem:s1+$0xFFFFFFF0]  }
0xb8: {  	s30 =	simm.s32 $0x40;
	s31 =	simm.s32 $0x40A0;
	v5 =	vld [tilespmem:s1+$0x10];
	v9 =	vadd.f32 v8, v0;
	v8 =	vadd.f32 v6, v0  }
0xb9: {  	p0 =	por $0x1, $0x1;
	s17 =	simm.s32 $0x72A0;
	s1 =	simm.s32 $0x72A0;
	v10 =	vmul.f32 v10, v1;
	v6 =	vadd.f32 v7, v2;
	v7 =	vadd.f32 v11, v0  }
.LBB2_7:
0xba: {  	s30 =	sadd.s32 $0x40, s30  }
0xbb: {  	v11 =	vld [tilespmem:s31+$0x0];
	v12 =	vadd.f32 v4, v2;
	[tilespmem:s1+$0xFFFFFFE0] =	vst v9;
	v9 =	vadd.f32 v10, v0;
	s17 =	sadd.s32 $0x40, s17;
	p1 =	slt.u32 s30, $0xC0  }
.Ltmp3:
0xbc: {  	v4 =	vld [tilespmem:s31+$0xFFFFFFE0];
	v10 =	vadd.f32 v3, v2;
	[tilespmem:s1+$0x0] =	vst v8;
	(pc) =	sbr.rel @p1 .LBB2_7-.Ltmp3, $4  }
0xbd: {  	v6 =	vmul.f32 v6, v1;
	v3 =	vld [tilespmem:s31+$0xFFFFFFF0];
	v8 =	vmul.f32 v12, v1;
	v12 =	vadd.f32 v5, v2;
	[tilespmem:s1+$0x10] =	vst v9  }
0xbe: {  	v5 =	vld [tilespmem:s31+$0x10];
	v13 =	vmul.f32 v10, v1;
	[tilespmem:s1+$0xFFFFFFF0] =	vst v7;
	s1 =	smov.u32 s17  }
0xbf: {  	v9 =	vadd.f32 v8, v0;
	v8 =	vadd.f32 v6, v0;
	v10 =	vmul.f32 v12, v1  }
0xc0: {  	s31 =	sadd.s32 $0x40, s31;
	v6 =	vadd.f32 v11, v2;
	v7 =	vadd.f32 v13, v0  }
.LBB2_8:
0xc1: {  	v4 =	vadd.f32 v4, v2  }
0xc2: {  	[tilespmem:s1+$0xFFFFFFE0] =	vst @p0 v9;
	v58 =	vadd.f32 v3, v2;
	v59 =	vmul.f32 v6, v1  }
0xc3: {  	v9 =	vadd.f32 @p0 v10, v0;
	[tilespmem:s1+$0x0] =	vst @p0 v8;
	v4 =	vmul.f32 v4, v1;
	v5 =	vadd.f32 v5, v2  }
0xc4: {  	s17 =	sadd.s32 @p0 $0x40, s17;
	[tilespmem:s1+$0xFFFFFFF0] =	vst @p0 v7;
	v60 =	vmul.f32 v58, v1;
	v61 =	vadd.f32 v59, v0  }
0xc5: {  	s0 =	smov.u32 @p0 s17;
	[tilespmem:s1+$0x10] =	vst @p0 v9;
	v4 =	vadd.f32 v4, v0;
	v5 =	vmul.f32 v5, v1  }
0xc6: {  	v63 =	vadd.f32 v60, v0;
	[tilespmem:s0+$0x0] =	vst v61  }
0xc7: {  	[tilespmem:s0+$0xFFFFFFE0] =	vst v4;
	v62 =	vadd.f32 v5, v0  }
0xc8: {  	[tilespmem:s0+$0xFFFFFFF0] =	vst v63  }
0xc9: {  	[tilespmem:s0+$0x10] =	vst v62  }
0xca: {  	[hbm4b:s10+s2] =	stream.linear.scatter [tilespmem:s25], [sflag:$0x5], $0x1000, $0x38;
	[tilespmem:$0x8380] =	vst v63  }
0xcb: {  	_ =	swait.ge [sflag:s20], $0x1000  }
0xcc: {  	[sflag:s20] =	ssyncset.done $0x0  }
0xcd: {  	[sflag:s20] =	ssyncadd.s32 $0xFFFFF000  }
0xce: {  	[hbm4b:s11+s2] =	stream.linear.scatter [tilespmem:s26], [sflag:$0x5], $0x100, $0x38;
	[tilespmem:$0x8380] =	vst v63  }
0xcf: {  	_ =	swait.ge [sflag:s20], $0x100  }
0xd0: {  	s29 =	sadd.s32 $0x1, s29;
	[sflag:s20] =	ssyncset.done $0x0  }
0xd1: {  	p0 =	sne.s32 s29, s13;
	[sflag:s20] =	ssyncadd.s32 $0xFFFFFF00  }
0xd2: {  	[hbm4b:s12+s2] =	stream.linear.scatter [tilespmem:s28], [sflag:$0x5], $0x1000, $0x38;
	[tilespmem:$0x8380] =	vst v63  }
.Ltmp4:
0xd3: {  	_ = 	snop;
	(pc) =	sbr.rel @p0 .LBB2_1-.Ltmp4, $4  }
.Ltmp5:
0xd4: {  	_ = 	snop;
	(pc) =	sbr.rel @!p0 .LBB2_9-.Ltmp5, $4  }
0xd5: {  	_ =	swait.ge [sflag:s20], $0x1000  }
0xd6: {  	[sflag:s20] =	ssyncset.done $0x0  }
0xd7: {  	[sflag:s20] =	ssyncadd.s32 $0xFFFFF000  }
0xd8: {  	_ = 	snop  }
.LBB2_4:
.Ltmp6:
0xd9: {  	(pc) =	sbr.rel .LBB2_8-.Ltmp6, $2  }
0xda: {  	_ =	sdelay $0x2  }
0xdb: {  	s17 =	simm.s32 $0x72A0  }
.LBB2_6:
.Ltmp7:
0xdc: {  	(pc) =	sbr.rel .LBB2_8-.Ltmp7, $2  }
0xdd: {  	_ =	sdelay $0x2  }
0xde: {  	s1 =	simm.s32 $0x72A0;
	s17 =	simm.s32 $0x72A0  }
.LBB2_9:
0xdf: {  	_ =	sfence.sel $0x180000  }
0xe0: {  	[bflag:$0x0] =	sbarrier.arrive $0xFFFF  }
0xe1: {  	_ =	strace $0x9000004D  }
0xe2: {  	s0 =	stileid.u32;
	[bflag:$0x2] =	sbarrier.arrive $0xFFFF  }
0xe3: {  	p0 =	sne.s32 s0, $0x0;
	s0 =	rddreg [dreg:$0x3]  }
0xe4: {  	s0 =	sadd.s32 @!p0 $0x100000, s0  }
0xe5: {  	[sflag:s0] =	ssyncadd.tile.s32 @!p0 $0x1;
	_ =	shalt  }
.Lfunc_end2:
_tile_overlayer_lowered:
.L_overlay_start_2:
0xe6: {  	(tag) =	ssettag $0x2  }
0xe7: {  	s0 =	rddreg [dreg:$0x0];
	s2 =	stileid.u32  }
0xe8: {  	s1 =	rddreg [dreg:$0x1];
	p0 =	sne.s32 s2, $0x0  }
0xe9: {  	s3 =	rddreg [dreg:$0x2];
	[bflag:$0x3] =	sbarrier.arrive $0xFFFF;
	s2 =	simm.s32 @!p0 $0x1C05  }
0xea: {  	[timem:s3], [sflag:s2] =	dma.local @!p0 [hbm:s0], s1  }
0xeb: {  	s0 =	simm.s32 @!p0 $0x5  }
0xec: {  	_ =	swait.ge @!p0 [sflag:s0], s1  }
0xed: {  	s1 =	ssub.s32 @!p0 $0x0, s1;
	[sflag:s0] =	ssyncset.done @!p0 $0x0  }
0xee: {  	[sflag:s0] =	ssyncadd.s32 @!p0 s1  }
0xef: {  	[bflag:$0x3] =	sbarrier.arrive $0xFFFF  }
0xf0: {  	_ =	shalt  }

// kernel: kernel.7.cloned.1.call-start
scs
__scs_entry_jumppad:
0x0: {  	(pc) =	sbr.rel $0x88, $3  }
0x1: {  	(tag) =	ssettag $0x0;
	lr =	simm.s32 $0x1  }
0x2: {  	[smem:$0x3F85] =	sst lr;
	_ =	strace $0xD0000000  }
0x3: {  	_ = 	snop  }
0x4: {  	_ = 	snop  }
0x5: {  	_ = 	snop  }
0x6: {  	_ = 	snop  }
0x7: {  	_ = 	snop  }
__scs_overlays_trampoline_lowered:
0x8: {  	[smem:$0x3F94] =	sst s0  }
0x9: {  	[smem:$0x3F95] =	sst s1  }
0xa: {  	[smem:$0x3F96] =	sst s2  }
0xb: {  	[smem:$0x3F97] =	sst s3  }
0xc: {  	[smem:$0x3F98] =	sst s4  }
0xd: {  	[smem:$0x3F99] =	sst s5  }
0xe: {  	[smem:$0x3F9A] =	sst s6  }
0xf: {  	[smem:$0x3F9B] =	sst s7  }
0x10: {  	[smem:$0x3F9C] =	sst s8  }
0x11: {  	[smem:$0x3F9D] =	sst s9;
	s0 =	simm.s32 @!p0 $0x0  }
0x12: {  	s1 =	sld [smem:$0x3F83];
	s0 =	simm.s32 @p0 $0x1  }
0x13: {  	[smem:$0x3F9E] =	sst s0;
	s0 =	simm.s32 @!p1 $0x0  }
0x14: {  	s2 =	sld [smem:$0x3F82];
	s0 =	simm.s32 @p1 $0x1  }
0x15: {  	[smem:$0x3F9F] =	sst s0;
	s0 =	simm.s32 @!p2 $0x0  }
0x16: {  	s3 =	sld [smem:$0x3FDB];
	s0 =	simm.s32 @p2 $0x1  }
0x17: {  	s4 =	simm.s32 $0x1BF5;
	[smem:$0x3FA1] =	sst s0  }
0x18: {  	s0 =	sld [smem:$0x3F84];
	_ =	swait.ge [sflag:s4], $0x0  }
0x19: {  	s7 =	sld [smem:$0x3F85]  }
0x1a: {  	s8 =	sadd.s32 $0xFFFFE003, lr  }
0x1b: {  	s9 =	sadd.s32 $0xFFFFFEF7, lr;
	s5 =	simm.s32 $0xFFFFFFFF;
	p2 =	slt.u32 s8, $0xFFFFF086  }
0x1c: {  	p1 =	slt.u32 s9, $0xF7A;
	s5 =	simm.s32 @!p2 $0x0  }
0x1d: {  	s5 =	simm.s32 @p1 $0x1;
	p0 =	seq.s32 s7, s2  }
0x1e: {  	s7 =	smul.u32 @!p0 $0xF7A, s2;
	p2 =	seq.s32 @!p0 s5, $0x0  }
0x1f: {  	s9 =	smul.u32 $0xF7A, s1;
	s8 =	simm.s32 @!p0 $0x1BF5;
	p2 =	por !p2, p0  }
0x20: {  	[sflag:s8] =	ssyncset.s32 @!p0 $0xFFFFF086;
	s6 =	sadd.s32 @!p0 s3, s7;
	s7 =	simm.s32 @!p0 $0x108  }
0x21: {  	s3 =	sadd.s32 s3, s9;
	s6 =	sadd.s32 @!p0 $0x88, s6;
	s7 =	simm.s32 @p2 $0x1082  }
0x22: {  	[simem:s7], [sflag:s8] =	dma.local @!p0 [hbm:s6], $0xF7A  }
0x23: {  	s9 =	sor.u32 $0xD0000000, s2;
	s6 =	simm.s32 $0x108;
	_ =	swait.ge @!p0 [sflag:s8], $0x0  }
0x24: {  	s3 =	sadd.s32 $0x88, s3;
	s6 =	simm.s32 @!p1 $0x1082;
	[sflag:s4] =	ssyncset.s32 $0xFFFFF086  }
0x25: {  	[simem:s6], [sflag:s4] =	dma.local [hbm:s3], $0xF7A  }
0x26: {  	[smem:$0x3F85] =	sst s1;
	(tag) =	ssettag s2;
	_ =	strace s9  }
0x27: {  	s1 =	sld [smem:$0x3F95]  }
0x28: {  	s2 =	sld [smem:$0x3F96]  }
0x29: {  	s4 =	sld [smem:$0x3F98]  }
0x2a: {  	p0 =	seq.s32 s5, $0x0;
	s5 =	sld [smem:$0x3F99]  }
0x2b: {  	s6 =	sld [smem:$0x3F9A]  }
0x2c: {  	s7 =	sld [smem:$0x3F9B]  }
0x2d: {  	s3 =	simm.s32 $0x108;
	s8 =	sld [smem:$0x3F9C]  }
0x2e: {  	s3 =	simm.s32 @!p0 $0x1082;
	s9 =	sld [smem:$0x3F9D]  }
0x2f: {  	lr =	sadd.s32 s0, s3;
	s0 =	sld [smem:$0x3F94]  }
0x30: {  	s3 =	sld [smem:$0x3F97]  }
0x31: {  	[smem:$0x3FA0] =	sst s10  }
0x32: {  	s10 =	sld [smem:$0x3F9E];
	_ =	sdelay $0x3  }
0x33: {  	p0 =	seq.s32 s10, $0x1;
	s10 =	sld [smem:$0x3FA0];
	_ =	sdelay $0x3  }
0x34: {  	[smem:$0x3FA0] =	sst s10  }
0x35: {  	s10 =	sld [smem:$0x3F9F];
	_ =	sdelay $0x3  }
0x36: {  	p1 =	seq.s32 s10, $0x1;
	s10 =	sld [smem:$0x3FA0];
	_ =	sdelay $0x3  }
0x37: {  	[smem:$0x3FA0] =	sst s10  }
0x38: {  	s10 =	sld [smem:$0x3FA1]  }
0x39: {  	_ = 	snop;
	(pc) =	sbr.ind lr, $3  }
0x3a: {  	_ = 	snop  }
0x3b: {  	_ = 	snop  }
0x3c: {  	p2 =	seq.s32 s10, $0x1;
	s10 =	sld [smem:$0x3FA0]  }
0x3d: {  	_ =	shalt  }
0x3e: {  	_ =	shalt  }
0x3f: {  	_ =	shalt  }
0x40: {  	_ =	shalt  }
0x41: {  	_ =	shalt  }
0x42: {  	_ =	shalt  }
0x43: {  	_ =	shalt  }
0x44: {  	_ =	shalt  }
0x45: {  	_ =	shalt  }
0x46: {  	_ =	shalt  }
0x47: {  	_ =	shalt  }
0x48: {  	_ =	shalt  }
0x49: {  	_ =	shalt  }
0x4a: {  	_ =	shalt  }
0x4b: {  	_ =	shalt  }
0x4c: {  	_ =	shalt  }
0x4d: {  	_ =	shalt  }
0x4e: {  	_ =	shalt  }
0x4f: {  	_ =	shalt  }
0x50: {  	_ =	shalt  }
0x51: {  	_ =	shalt  }
0x52: {  	_ =	shalt  }
0x53: {  	_ =	shalt  }
0x54: {  	_ =	shalt  }
0x55: {  	_ =	shalt  }
0x56: {  	_ =	shalt  }
0x57: {  	_ =	shalt  }
0x58: {  	_ =	shalt  }
0x59: {  	_ =	shalt  }
0x5a: {  	_ =	shalt  }
0x5b: {  	_ =	shalt  }
0x5c: {  	_ =	shalt  }
0x5d: {  	_ =	shalt  }
0x5e: {  	_ =	shalt  }
0x5f: {  	_ =	shalt  }
0x60: {  	_ =	shalt  }
0x61: {  	_ =	shalt  }
0x62: {  	_ =	shalt  }
0x63: {  	_ =	shalt  }
0x64: {  	_ =	shalt  }
0x65: {  	_ =	shalt  }
0x66: {  	_ =	shalt  }
0x67: {  	_ =	shalt  }
0x68: {  	_ =	shalt  }
0x69: {  	_ =	shalt  }
0x6a: {  	_ =	shalt  }
0x6b: {  	_ =	shalt  }
0x6c: {  	_ =	shalt  }
0x6d: {  	_ =	shalt  }
0x6e: {  	_ =	shalt  }
0x6f: {  	_ =	shalt  }
0x70: {  	_ =	shalt  }
0x71: {  	_ =	shalt  }
0x72: {  	_ =	shalt  }
0x73: {  	_ =	shalt  }
0x74: {  	_ =	shalt  }
0x75: {  	_ =	shalt  }
0x76: {  	_ =	shalt  }
0x77: {  	_ =	shalt  }
0x78: {  	_ =	shalt  }
0x79: {  	_ =	shalt  }
0x7a: {  	_ =	shalt  }
0x7b: {  	_ =	shalt  }
0x7c: {  	_ =	shalt  }
0x7d: {  	_ =	shalt  }
0x7e: {  	_ =	shalt  }
0x7f: {  	_ =	shalt  }
0x80: {  	_ =	shalt  }
0x81: {  	_ =	shalt  }
0x82: {  	_ =	shalt  }
0x83: {  	_ =	shalt  }
0x84: {  	_ =	shalt  }
0x85: {  	_ =	shalt  }
0x86: {  	_ =	shalt  }
0x87: {  	_ =	shalt  }
.Lfunc_end0:
.L_simem_size_0:
called_computation_lowered:
.L_overlay_start_0:
0x88: {  	s2 =	sld [smem:$0x3FD9]  }
0x89: {  	s3 =	sld [smem:$0x3FFE];
	_ =	sdelay $0x1  }
0x8a: {  	s1 =	srdreg.scid  }
0x8b: {  	s0 =	sand.u32 $0x1, s1  }
0x8c: {  	s14 =	sshll.u32 s0, $0xA;
	s2 =	sadd.s32 s3, s2  }
0x8d: {  	s2 =	sadd.s32 s2, s14  }
0x8e: {  	[smem:$0x3FAC] =	sst s2  }
0x8f: {  	_ = 	snop  }
0x90: {  	s2 =	sld [smem:$0x3FD0];
	_ =	sdelay $0x2  }
0x91: {  	s4 =	simm.s32 $0xA;
	s5 =	simm.s32 $0x10;
	s15 =	sld [smem:$0x3FC9]  }
0x92: {  	[smem:s5], [sflag:s4] =	dma.local [hbm:s2], $0x1  }
0x93: {  	_ =	swait.eq [sflag:s4], $0x1  }
0x94: {  	s16 =	sld [smem:$0x11];
	[sflag:s4] =	ssyncset.done $0x0  }
0x95: {  	s17 =	sld [smem:$0x12];
	[sflag:s4] =	ssyncadd.s32 $0xFFFFFFFF  }
0x96: {  	s18 =	sld [smem:$0x13];
	(tm) =	ssettm $0x1  }
0x97: {  	s6 =	sld [smem:$0x3FFB];
	_ =	sdelay $0x3  }
0x98: {  	_ =	strace s6  }
0x99: {  	s6 =	sld [smem:$0x3FFC];
	_ =	sdelay $0x3  }
0x9a: {  	_ =	strace s6  }
0x9b: {  	s6 =	sld [smem:$0x3FFD];
	_ =	sdelay $0x3  }
0x9c: {  	_ =	strace s6  }
0x9d: {  	_ =	strace $0x8FFFFFFF  }
0x9e: {  	s19 =	sld [smem:$0x3FDB];
	_ =	sdelay $0x1  }
0x9f: {  	s7 =	simm.s32 $_scs_section_size  }
0xa0: {  	s8 =	simm.s32 $_size__tile_overlayer_lowered;
	s9 =	simm.s32 $_tile_overlayer_lowered  }
0xa1: {  	s22 =	simm.s32 $0x1BFF;
	s21 =	sshll.u32 s9, $0x1;
	s6 =	sadd.s32 s7, s19  }
0xa2: {  	s10 =	simm.s32 $0x0;
	s20 =	sshll.u32 s8, $0x1;
	s8 =	sadd.s32 s21, s6  }
0xa3: {  	[timem:s10], [sflag:s22] =	dma.local [hbm:s8], s20  }
0xa4: {  	_ =	swait.ge [sflag:s22], s20  }
0xa5: {  	s7 =	ssub.s32 $0x0, s20;
	[sflag:s22] =	ssyncset.done $0x0  }
0xa6: {  	[sflag:s22] =	ssyncadd.s32 s7;
	_ =	sdelay $0x1  }
0xa7: {  	s23 =	simm.s32 $0x1B8B  }
0xa8: {  	_ =	swait.ge [sflag:s23], $0x1  }
0xa9: {  	[sflag:s23] =	ssyncset.done $0x0  }
0xaa: {  	s25 =	simm.s32 $0x1B8E;
	s24 =	sld [smem:$0x3FFE];
	[sflag:s23] =	ssyncadd.s32 $0xFFFFFFFF  }
0xab: {  	s26 =	simm.s32 $execute0_lowered;
	[smem:$0x3FD2] =	sst s25  }
0xac: {  	s8 =	sshll.u32 s26, $0x1;
	_ =	strace $0x80000046;
	[dreg:$0x1] =	wrdreg $0xFFFFFFFF  }
0xad: {  	s28 =	simm.s32 $_size_execute0_lowered;
	s6 =	sadd.s32 s6, s8;
	[dreg:$0x0] =	wrdreg $0x0  }
0xae: {  	s8 =	sshll.u32 s28, $0x1;
	[dreg:$0x2] =	wrdreg s6  }
0xaf: {  	[dreg:$0x3] =	wrdreg s8  }
0xb0: {  	[dreg:$0x4] =	wrdreg $0xC0  }
0xb1: {  	_ =	task [dreg:s10], $0x5FFFF  }
0xb2: {  	[dreg:$0x1] =	wrdreg $0xFFFFFFFF  }
0xb3: {  	[dreg:$0x0] =	wrdreg $0x60  }
0xb4: {  	[dreg:$0x2] =	wrdreg s15  }
0xb5: {  	[dreg:$0x3] =	wrdreg s18  }
0xb6: {  	[dreg:$0x4] =	wrdreg s17  }
0xb7: {  	[dreg:$0x5] =	wrdreg s24  }
0xb8: {  	[dreg:$0x6] =	wrdreg s16  }
0xb9: {  	[dreg:$0x7] =	wrdreg $0x9  }
0xba: {  	_ =	task.clear_ibuf [dreg:s10], $0x8FFFF;
	_ =	strace $0x90000046  }
0xbb: {  	s29 =	simm.s32 $0x9;
	_ =	strace $0x80000048  }
0xbc: {  	_ =	swait.ge [sflag:s29], $0x1  }
0xbd: {  	[sflag:s29] =	ssyncadd.s32 $0xFFFFFFFF  }
0xbe: {  	_ =	strace $0x90000048  }
0xbf: {  	_ =	sfence  }
0xc0: {  	s30 =	sld [smem:$0x0];
	_ =	sdelay $0x2  }
0xc1: {  	s31 =	sshll.u32 s1, $0xD;
	s1 =	sshrl.u32 s1, $0x2  }
0xc2: {  	s3 =	sand.u32 $0x4000, s31;
	s1 =	sadd.s32 s1, s30  }
0xc3: {  	s0 =	sor.u32 s3, s0;
	s1 =	sshll.u32 s1, $0x11  }
0xc4: {  	s0 =	sor.u32 s1, s0  }
0xc5: {  	s0 =	sadd.s32 $0x8F2B, s0  }
0xc6: {  	[sflag:s0] =	ssyncadd.remote.s32 $0x1  }
0xc7: {  	_ =	sfence.sel $0xFFFF  }
0xc8: {  	[dreg:$0x0] =	wrdreg $0xFFFFFFFF;
	(pc) =	sbr.abs _section_cstart, $3  }
0xc9: {  	[dreg:$0x1] =	wrdreg $0xFFFFFFFF  }
0xca: {  	_ =	task.clear_ibuf [dreg:s10], $0x2FFFF;
	_ =	strace $0x9FFFFFFF  }
0xcb: {  	(tm) =	ssettm $0x7FFFFFFF  }
tec
execute0_lowered:
.L_overlay_start_1:
0x0: {  	(tag) =	ssettag $0x1  }
0x1: {  	s0 =	rddreg [dreg:$0x1]  }
0x2: {  	s1 =	rddreg [dreg:$0x2]  }
0x3: {  	s2 =	rddreg [dreg:$0x3]  }
0x4: {  	s7 =	rddreg [dreg:$0x4]  }
0x5: {  	s3 =	srdreg.scid;
	s5 =	stileid.u32  }
0x6: {  	s14 =	simm.s32 $0x1;
	s15 =	simm.s32 $0x2;
	s16 =	simm.s32 $0x3  }
0x7: {  	s17 =	simm.s32 $0x4;
	s18 =	simm.s32 $0x4100;
	s19 =	simm.s32 $0x5  }
0x8: {  	s21 =	simm.s32 $0x0;
	s13 =	simm.s32 $0x4020;
	s4 =	sand.u32 $0x1, s3  }
0x9: {  	s3 =	simm.s32 $0x0;
	s5 =	sshll.u32 s5, $0x9;
	s6 =	sshll.u32 s4, $0x8  }
0xa: {  	[smem:$0x7FF] =	sst s3;
	s4 =	ssub.s32 $0x2, s4;
	s8 =	sor.u32 s6, s5  }
0xb: {  	_ =	strace $0x80000047;
	s30 =	sshrl.u32 s4, $0x1;
	s5 =	sshrl.u32 s8, $0x3  }
0xc: {  	s9 =	ssub.s32 s4, s30;
	s31 =	sshll.u32 s8, $0x2;
	s2 =	sadd.s32 s5, s2  }
0xd: {  	v1 =	vlaneseq.u32;
	s4 =	sadd.s32 s0, s5;
	s5 =	sadd.s32 s1, s5;
	s7 =	sadd.s32 s7, s31  }
0xe: {  	v0 =	vimm.f32 $0.0e+00;
	v1 =	vmul.u32 $0x20, v1;
	s9 =	smax.u32 s9, $0x1;
	s6 =	sadd.s32 $0x2C00, s2;
	s8 =	sadd.s32 $0x3000, s2  }
.LBB2_1:
0xf: {  	s0 =	rddreg [dreg:$0x0]  }
0x10: {  	[tilespmem:s3], [sflag:$0x1] =	stream.linear.gather [hbm4b:s0+s3], $0x2000, $0x38;
	[tilespmem:$0x6200] =	vst v63  }
0x11: {  	s30 =	simm.s32 $0x100;
	s1 =	simm.s32 $0x2000  }
0x12: {  	[tilespmem:s1], [sflag:$0x2] =	stream.strided.gather [hbm4b:s4+s30], $0x1000, s1, s30, $0x38;
	[tilespmem:$0x6200] =	vst v63  }
0x13: {  	s2 =	simm.s32 $0x3000  }
0x14: {  	[tilespmem:s2], [sflag:$0x3] =	stream.strided.gather [hbm4b:s5+s30], $0x1000, s1, s30, $0x38;
	[tilespmem:$0x6200] =	vst v63  }
0x15: {  	s31 =	simm.s32 $0x4000;
	s0 =	simm.s32 $0x4140  }
0x16: {  	[tilespmem:s31], [sflag:$0x4] =	stream.linear.gather [hbm4b:s6+s3], $0x100, $0x38;
	[tilespmem:$0x6200] =	vst v63  }
0x17: {  	[tilespmem:s0+$0xFFFFFFC0] =	vst v0  }
0x18: {  	[tilespmem:s0+$0x30] =	vst v0  }
0x19: {  	[tilespmem:s0+$0x20] =	vst v0  }
0x1a: {  	[tilespmem:s0+$0x10] =	vst v0  }
0x1b: {  	[tilespmem:s0+$0x0] =	vst v0  }
0x1c: {  	[tilespmem:s0+$0xFFFFFFF0] =	vst v0  }
0x1d: {  	s1 =	simm.s32 $0x0;
	[tilespmem:s0+$0xFFFFFFE0] =	vst v0  }
.LBB2_2:
0x1e: {  	s1 =	sadd.s32 $0x4, s1;
	[tilespmem:s0+$0xFFFFFFD0] =	vst v0;
	s0 =	sadd.s32 $0x80, s0  }
0x1f: {  	[tilespmem:s0+$0xFFFFFFC0] =	vst v0;
	p0 =	slt.u32 s1, $0xFC  }
0x20: {  	[tilespmem:s0+$0x30] =	vst v0  }
.Ltmp0:
0x21: {  	[tilespmem:s0+$0x20] =	vst v0;
	(pc) =	sbr.rel @p0 .LBB2_2-.Ltmp0, $4  }
0x22: {  	[tilespmem:s0+$0x10] =	vst v0  }
0x23: {  	[tilespmem:s0+$0x0] =	vst v0  }
0x24: {  	[tilespmem:s0+$0xFFFFFFF0] =	vst v0  }
0x25: {  	[tilespmem:s0+$0xFFFFFFE0] =	vst v0  }
0x26: {  	[tilespmem:s0+$0xFFFFFFD0] =	vst v0  }
0x27: {  	_ =	swait.ge [sflag:s14], $0x2000  }
0x28: {  	[sflag:s14] =	ssyncset.done $0x0  }
0x29: {  	[sflag:s14] =	ssyncadd.s32 $0xFFFFE000  }
0x2a: {  	_ =	swait.ge [sflag:s15], $0x1000  }
0x2b: {  	[sflag:s15] =	ssyncset.done $0x0  }
0x2c: {  	[sflag:s15] =	ssyncadd.s32 $0xFFFFF000  }
0x2d: {  	_ =	swait.ge [sflag:s16], $0x1000  }
0x2e: {  	[sflag:s16] =	ssyncset.done $0x0  }
0x2f: {  	[sflag:s16] =	ssyncadd.s32 $0xFFFFF000  }
0x30: {  	_ =	swait.ge [sflag:s17], $0x100  }
0x31: {  	[sflag:s17] =	ssyncset.done $0x0  }
0x32: {  	s25 =	simm.s32 $0x2800;
	[sflag:s17] =	ssyncadd.s32 $0xFFFFFF00  }
0x33: {  	v2 =	vld [tilespmem:s25+$0xFFFFF800];
	_ =	sdelay $0x7  }
0x34: {  	v3 =	vld.idx.msk [tilespmem:v2+s3+$0x0], $0xffff;
	_ =	sdelay $0x1  }
0x35: {  	s10 =	simm.s32 $0x0  }
0x36: {  	v2 =	vmov s10  }
0x37: {  	v2 =	vshll.u32 v2, $0x5  }
0x38: {  	v2 =	vor.u32 v1, v2;
	v4 =	vand.u32 $0xFFFFFFF8, v3  }
0x39: {  	s22 =	simm.s32 $0x3800;
	v3 =	vand.u32 $0x7, v3;
	v4 =	vadd.s32 v2, v4  }
0x3a: {  	v5 =	vld [tilespmem:s22+$0xFFFFF800];
	v3 =	vor.u32 v3, v4;
	_ =	sdelay $0x4  }
0x3b: {  	[tilespmem:v3+s18+$0x0] =	vst.idx.add.f32.msk $0xffff, v5  }
0x3c: {  	v3 =	vld [tilespmem:s25+$0xFFFFF900];
	_ =	sdelay $0x7  }
0x3d: {  	v3 =	vld.idx.msk [tilespmem:v3+s3+$0x0], $0xffff;
	_ =	sdelay $0x4  }
0x3e: {  	v4 =	vand.u32 $0xFFFFFFF8, v3  }
0x3f: {  	v3 =	vand.u32 $0x7, v3;
	v4 =	vadd.s32 v2, v4  }
0x40: {  	v5 =	vld [tilespmem:s22+$0xFFFFF900];
	v3 =	vor.u32 v3, v4;
	_ =	sdelay $0x4  }
0x41: {  	[tilespmem:v3+s18+$0x0] =	vst.idx.add.f32.msk $0xffff, v5  }
0x42: {  	v3 =	vld [tilespmem:s25+$0xFFFFFA00];
	_ =	sdelay $0x7  }
0x43: {  	v3 =	vld.idx.msk [tilespmem:v3+s3+$0x0], $0xffff;
	_ =	sdelay $0x4  }
0x44: {  	v4 =	vand.u32 $0xFFFFFFF8, v3  }
0x45: {  	v3 =	vand.u32 $0x7, v3;
	v4 =	vadd.s32 v2, v4  }
0x46: {  	v5 =	vld [tilespmem:s22+$0xFFFFFA00];
	v3 =	vor.u32 v3, v4;
	_ =	sdelay $0x1  }
0x47: {  	s24 =	simm.s32 $0x2810  }
0x48: {  	v4 =	vld [tilespmem:s24+$0xFFFFF800];
	_ =	sdelay $0x1  }
0x49: {  	[tilespmem:v3+s18+$0x0] =	vst.idx.add.f32.msk $0xffff, v5  }
0x4a: {  	v3 =	vld [tilespmem:s25+$0xFFFFFB00];
	_ =	sdelay $0x4  }
0x4b: {  	v4 =	vld.idx.msk [tilespmem:v4+s3+$0x0], $0xffff;
	_ =	sdelay $0x1  }
0x4c: {  	s11 =	simm.s32 $0x10  }
0x4d: {  	v5 =	vmov s11;
	v6 =	vld.idx.msk [tilespmem:v3+s3+$0x0], $0xffff  }
0x4e: {  	v3 =	vshll.u32 v5, $0x5  }
0x4f: {  	v5 =	vand.u32 $0xFFFFFFF8, v4;
	v3 =	vor.u32 v1, v3  }
0x50: {  	s23 =	simm.s32 $0x3810;
	v4 =	vand.u32 $0x7, v4;
	v5 =	vadd.s32 v3, v5  }
0x51: {  	v7 =	vld [tilespmem:s23+$0xFFFFF800];
	v4 =	vor.u32 v4, v5  }
0x52: {  	v5 =	vand.u32 $0xFFFFFFF8, v6  }
0x53: {  	v6 =	vand.u32 $0x7, v6;
	v5 =	vadd.s32 v2, v5  }
0x54: {  	v8 =	vld [tilespmem:s22+$0xFFFFFB00];
	v5 =	vor.u32 v6, v5;
	_ =	sdelay $0x1  }
0x55: {  	[tilespmem:v4+s18+$0x0] =	vst.idx.add.f32.msk $0xffff, v7  }
0x56: {  	v4 =	vld [tilespmem:s24+$0xFFFFF900];
	_ =	sdelay $0x1  }
0x57: {  	[tilespmem:v5+s18+$0x0] =	vst.idx.add.f32.msk $0xffff, v8  }
0x58: {  	v5 =	vld [tilespmem:s25+$0xFFFFFC00];
	_ =	sdelay $0x4  }
0x59: {  	v4 =	vld.idx.msk [tilespmem:v4+s3+$0x0], $0xffff;
	_ =	sdelay $0x2  }
0x5a: {  	v5 =	vld.idx.msk [tilespmem:v5+s3+$0x0], $0xffff;
	_ =	sdelay $0x1  }
0x5b: {  	v6 =	vand.u32 $0xFFFFFFF8, v4  }
0x5c: {  	v4 =	vand.u32 $0x7, v4;
	v6 =	vadd.s32 v3, v6  }
0x5d: {  	v7 =	vld [tilespmem:s23+$0xFFFFF900];
	v4 =	vor.u32 v4, v6  }
0x5e: {  	v6 =	vand.u32 $0xFFFFFFF8, v5  }
0x5f: {  	v5 =	vand.u32 $0x7, v5;
	v6 =	vadd.s32 v2, v6  }
0x60: {  	v8 =	vld [tilespmem:s22+$0xFFFFFC00];
	v5 =	vor.u32 v5, v6;
	_ =	sdelay $0x1  }
0x61: {  	[tilespmem:v4+s18+$0x0] =	vst.idx.add.f32.msk $0xffff, v7  }
0x62: {  	v4 =	vld [tilespmem:s24+$0xFFFFFA00];
	_ =	sdelay $0x1  }
0x63: {  	[tilespmem:v5+s18+$0x0] =	vst.idx.add.f32.msk $0xffff, v8  }
0x64: {  	v5 =	vld [tilespmem:s25+$0xFFFFFD00];
	_ =	sdelay $0x4  }
0x65: {  	v4 =	vld.idx.msk [tilespmem:v4+s3+$0x0], $0xffff;
	_ =	sdelay $0x2  }
0x66: {  	v5 =	vld.idx.msk [tilespmem:v5+s3+$0x0], $0xffff;
	_ =	sdelay $0x1  }
0x67: {  	s28 =	simm.s32 $0x2820;
	v6 =	vand.u32 $0xFFFFFFF8, v4  }
0x68: {  	v8 =	vld [tilespmem:s28+$0xFFFFF800];
	v4 =	vand.u32 $0x7, v4;
	v6 =	vadd.s32 v3, v6  }
0x69: {  	v7 =	vld [tilespmem:s23+$0xFFFFFA00];
	v4 =	vor.u32 v4, v6  }
0x6a: {  	v6 =	vand.u32 $0xFFFFFFF8, v5  }
0x6b: {  	v5 =	vand.u32 $0x7, v5;
	v6 =	vadd.s32 v2, v6  }
0x6c: {  	v9 =	vld [tilespmem:s22+$0xFFFFFD00];
	v5 =	vor.u32 v5, v6;
	_ =	sdelay $0x1  }
0x6d: {  	[tilespmem:v4+s18+$0x0] =	vst.idx.add.f32.msk $0xffff, v7  }
0x6e: {  	v4 =	vld [tilespmem:s24+$0xFFFFFB00]  }
0x6f: {  	v6 =	vld.idx.msk [tilespmem:v8+s3+$0x0], $0xffff  }
0x70: {  	[tilespmem:v5+s18+$0x0] =	vst.idx.add.f32.msk $0xffff, v9  }
0x71: {  	v5 =	vld [tilespmem:s25+$0xFFFFFE00];
	_ =	sdelay $0x1  }
0x72: {  	s12 =	simm.s32 $0x20  }
0x73: {  	v7 =	vmov s12  }
0x74: {  	v7 =	vshll.u32 v7, $0x5  }
0x75: {  	v9 =	vand.u32 $0xFFFFFFF8, v6;
	v8 =	vld.idx.msk [tilespmem:v4+s3+$0x0], $0xffff;
	v4 =	vor.u32 v1, v7  }
0x76: {  	s26 =	simm.s32 $0x3820;
	v6 =	vand.u32 $0x7, v6;
	v9 =	vadd.s32 v4, v9  }
0x77: {  	v7 =	vld [tilespmem:s26+$0xFFFFF800];
	v6 =	vor.u32 v6, v9  }
0x78: {  	v5 =	vld.idx.msk [tilespmem:v5+s3+$0x0], $0xffff;
	_ =	sdelay $0x2  }
0x79: {  	v10 =	vld [tilespmem:s23+$0xFFFFFB00];
	v9 =	vand.u32 $0xFFFFFFF8, v8  }
0x7a: {  	v8 =	vand.u32 $0x7, v8;
	v9 =	vadd.s32 v3, v9;
	[tilespmem:v6+s18+$0x0] =	vst.idx.add.f32.msk $0xffff, v7  }
0x7b: {  	v8 =	vor.u32 v8, v9;
	v7 =	vld [tilespmem:s28+$0xFFFFF900];
	v6 =	vand.u32 $0xFFFFFFF8, v5  }
0x7c: {  	v5 =	vand.u32 $0x7, v5;
	v6 =	vadd.s32 v2, v6  }
0x7d: {  	v9 =	vld [tilespmem:s22+$0xFFFFFE00];
	v5 =	vor.u32 v5, v6;
	_ =	sdelay $0x2  }
0x7e: {  	[tilespmem:v8+s18+$0x0] =	vst.idx.add.f32.msk $0xffff, v10  }
0x7f: {  	v6 =	vld [tilespmem:s24+$0xFFFFFC00]  }
0x80: {  	[tilespmem:v5+s18+$0x0] =	vst.idx.add.f32.msk $0xffff, v9  }
0x81: {  	v7 =	vld.idx.msk [tilespmem:v7+s3+$0x0], $0xffff  }
0x82: {  	v5 =	vld [tilespmem:s25+$0xFFFFFF00];
	_ =	sdelay $0x4  }
0x83: {  	v8 =	vand.u32 $0xFFFFFFF8, v7  }
0x84: {  	v6 =	vld.idx.msk [tilespmem:v6+s3+$0x0], $0xffff;
	v7 =	vand.u32 $0x7, v7;
	v8 =	vadd.s32 v4, v8  }
0x85: {  	v9 =	vld [tilespmem:s26+$0xFFFFF900];
	v7 =	vor.u32 v7, v8  }
0x86: {  	v5 =	vld.idx.msk [tilespmem:v5+s3+$0x0], $0xffff;
	_ =	sdelay $0x2  }
0x87: {  	v10 =	vld [tilespmem:s23+$0xFFFFFC00];
	v8 =	vand.u32 $0xFFFFFFF8, v6  }
0x88: {  	v6 =	vand.u32 $0x7, v6;
	v8 =	vadd.s32 v3, v8;
	[tilespmem:v7+s18+$0x0] =	vst.idx.add.f32.msk $0xffff, v9  }
0x89: {  	v6 =	vor.u32 v6, v8;
	v8 =	vld [tilespmem:s28+$0xFFFFFA00];
	v7 =	vand.u32 $0xFFFFFFF8, v5  }
0x8a: {  	v5 =	vand.u32 $0x7, v5;
	v7 =	vadd.s32 v2, v7  }
0x8b: {  	v9 =	vld [tilespmem:s22+$0xFFFFFF00];
	v5 =	vor.u32 v5, v7;
	_ =	sdelay $0x2  }
0x8c: {  	[tilespmem:v6+s18+$0x0] =	vst.idx.add.f32.msk $0xffff, v10  }
0x8d: {  	v6 =	vld [tilespmem:s24+$0xFFFFFD00]  }
0x8e: {  	[tilespmem:v5+s18+$0x0] =	vst.idx.add.f32.msk $0xffff, v9  }
0x8f: {  	v7 =	vld.idx.msk [tilespmem:v8+s3+$0x0], $0xffff  }
0x90: {  	v5 =	vld [tilespmem:s25+$0x0];
	_ =	sdelay $0x1  }
0x91: {  	s30 =	simm.s32 $0x2830  }
0x92: {  	v8 =	vld [tilespmem:s30+$0xFFFFF800];
	_ =	sdelay $0x1  }
0x93: {  	v9 =	vand.u32 $0xFFFFFFF8, v7  }
0x94: {  	v6 =	vld.idx.msk [tilespmem:v6+s3+$0x0], $0xffff;
	v7 =	vand.u32 $0x7, v7;
	v9 =	vadd.s32 v4, v9  }
0x95: {  	v10 =	vld [tilespmem:s26+$0xFFFFFA00];
	v7 =	vor.u32 v7, v9  }
0x96: {  	v5 =	vld.idx.msk [tilespmem:v5+s3+$0x0], $0xffff;
	_ =	sdelay $0x1  }
0x97: {  	v11 =	vld [tilespmem:s23+$0xFFFFFD00]  }
0x98: {  	v8 =	vld.idx.msk [tilespmem:v8+s3+$0x0], $0xffff;
	v9 =	vand.u32 $0xFFFFFFF8, v6  }
0x99: {  	v6 =	vand.u32 $0x7, v6;
	v9 =	vadd.s32 v3, v9;
	[tilespmem:v7+s18+$0x0] =	vst.idx.add.f32.msk $0xffff, v10  }
0x9a: {  	v6 =	vor.u32 v6, v9;
	v10 =	vld [tilespmem:s28+$0xFFFFFB00];
	v7 =	vand.u32 $0xFFFFFFF8, v5  }
0x9b: {  	s20 =	simm.s32 $0x30;
	v5 =	vand.u32 $0x7, v5;
	v7 =	vadd.s32 v2, v7  }
0x9c: {  	v12 =	vld [tilespmem:s22+$0x0];
	v9 =	vmov s20;
	v7 =	vor.u32 v5, v7  }
0x9d: {  	s29 =	simm.s32 $0x3830;
	v9 =	vshll.u32 v9, $0x5  }
0x9e: {  	v13 =	vld [tilespmem:s29+$0xFFFFF800];
	v14 =	vand.u32 $0xFFFFFFF8, v8;
	v5 =	vor.u32 v1, v9  }
0x9f: {  	v8 =	vand.u32 $0x7, v8;
	v9 =	vadd.s32 v5, v14;
	[tilespmem:v6+s18+$0x0] =	vst.idx.add.f32.msk $0xffff, v11  }
0xa0: {  	v6 =	vor.u32 v8, v9;
	v8 =	vld [tilespmem:s24+$0xFFFFFE00]  }
0xa1: {  	[tilespmem:v7+s18+$0x0] =	vst.idx.add.f32.msk $0xffff, v12  }
0xa2: {  	v9 =	vld.idx.msk [tilespmem:v10+s3+$0x0], $0xffff  }
0xa3: {  	v7 =	vld [tilespmem:s25+$0x100];
	_ =	sdelay $0x1  }
0xa4: {  	[tilespmem:v6+s18+$0x0] =	vst.idx.add.f32.msk $0xffff, v13  }
0xa5: {  	v6 =	vld [tilespmem:s30+$0xFFFFF900];
	_ =	sdelay $0x1  }
0xa6: {  	v10 =	vand.u32 $0xFFFFFFF8, v9  }
0xa7: {  	v8 =	vld.idx.msk [tilespmem:v8+s3+$0x0], $0xffff;
	v9 =	vand.u32 $0x7, v9;
	v10 =	vadd.s32 v4, v10  }
0xa8: {  	v11 =	vld [tilespmem:s26+$0xFFFFFB00];
	v9 =	vor.u32 v9, v10  }
0xa9: {  	v7 =	vld.idx.msk [tilespmem:v7+s3+$0x0], $0xffff;
	_ =	sdelay $0x1  }
0xaa: {  	v12 =	vld [tilespmem:s23+$0xFFFFFE00]  }
0xab: {  	v10 =	vand.u32 $0xFFFFFFF8, v8;
	v6 =	vld.idx.msk [tilespmem:v6+s3+$0x0], $0xffff  }
0xac: {  	v8 =	vand.u32 $0x7, v8;
	v10 =	vadd.s32 v3, v10;
	[tilespmem:v9+s18+$0x0] =	vst.idx.add.f32.msk $0xffff, v11  }
0xad: {  	v8 =	vor.u32 v8, v10;
	v10 =	vld [tilespmem:s28+$0xFFFFFC00];
	v9 =	vand.u32 $0xFFFFFFF8, v7  }
0xae: {  	v7 =	vand.u32 $0x7, v7;
	v9 =	vadd.s32 v2, v9  }
0xaf: {  	v11 =	vld [tilespmem:s22+$0x100];
	v7 =	vor.u32 v7, v9;
	_ =	sdelay $0x1  }
0xb0: {  	v13 =	vld [tilespmem:s29+$0xFFFFF900];
	v9 =	vand.u32 $0xFFFFFFF8, v6  }
0xb1: {  	v6 =	vand.u32 $0x7, v6;
	v9 =	vadd.s32 v5, v9;
	[tilespmem:v8+s18+$0x0] =	vst.idx.add.f32.msk $0xffff, v12  }
0xb2: {  	v6 =	vor.u32 v6, v9;
	v8 =	vld [tilespmem:s24+$0xFFFFFF00]  }
0xb3: {  	[tilespmem:v7+s18+$0x0] =	vst.idx.add.f32.msk $0xffff, v11  }
0xb4: {  	v9 =	vld.idx.msk [tilespmem:v10+s3+$0x0], $0xffff  }
0xb5: {  	v7 =	vld [tilespmem:s25+$0x200];
	_ =	sdelay $0x1  }
0xb6: {  	[tilespmem:v6+s18+$0x0] =	vst.idx.add.f32.msk $0xffff, v13  }
0xb7: {  	v6 =	vld [tilespmem:s30+$0xFFFFFA00];
	_ =	sdelay $0x1  }
0xb8: {  	v11 =	vld [tilespmem:s26+$0xFFFFFC00];
	v10 =	vand.u32 $0xFFFFFFF8, v9  }
0xb9: {  	s0 =	simm.s32 $0x2840;
	v8 =	vld.idx.msk [tilespmem:v8+s3+$0x0], $0xffff;
	v9 =	vand.u32 $0x7, v9;
	v10 =	vadd.s32 v4, v10  }
0xba: {  	v9 =	vor.u32 v9, v10;
	v10 =	vld [tilespmem:s0+$0xFFFFF800]  }
0xbb: {  	v7 =	vld.idx.msk [tilespmem:v7+s3+$0x0], $0xffff;
	_ =	sdelay $0x1  }
0xbc: {  	v13 =	vld [tilespmem:s23+$0xFFFFFF00]  }
0xbd: {  	v12 =	vand.u32 $0xFFFFFFF8, v8;
	v6 =	vld.idx.msk [tilespmem:v6+s3+$0x0], $0xffff  }
0xbe: {  	v8 =	vand.u32 $0x7, v8;
	v12 =	vadd.s32 v3, v12;
	[tilespmem:v9+s18+$0x0] =	vst.idx.add.f32.msk $0xffff, v11  }
0xbf: {  	v8 =	vor.u32 v8, v12;
	v11 =	vld [tilespmem:s28+$0xFFFFFD00];
	v9 =	vand.u32 $0xFFFFFFF8, v7  }
0xc0: {  	v7 =	vand.u32 $0x7, v7;
	v9 =	vadd.s32 v2, v9  }
0xc1: {  	v12 =	vld [tilespmem:s22+$0x200];
	v7 =	vor.u32 v7, v9  }
0xc2: {  	v10 =	vld.idx.msk [tilespmem:v10+s3+$0x0], $0xffff;
	v14 =	vand.u32 $0xFFFFFFF8, v6  }
0xc3: {  	v9 =	vld [tilespmem:s29+$0xFFFFFA00];
	v6 =	vand.u32 $0x7, v6;
	v14 =	vadd.s32 v5, v14  }
0xc4: {  	[tilespmem:v8+s18+$0x0] =	vst.idx.add.f32.msk $0xffff, v13;
	v6 =	vor.u32 v6, v14  }
0xc5: {  	v8 =	vld [tilespmem:s24+$0x0]  }
0xc6: {  	[tilespmem:v7+s18+$0x0] =	vst.idx.add.f32.msk $0xffff, v12  }
0xc7: {  	s1 =	simm.s32 $0x40;
	v11 =	vld.idx.msk [tilespmem:v11+s3+$0x0], $0xffff  }
0xc8: {  	v12 =	vmov s1;
	v7 =	vld [tilespmem:s25+$0x300]  }
0xc9: {  	v12 =	vshll.u32 v12, $0x5;
	[tilespmem:v6+s18+$0x0] =	vst.idx.add.f32.msk $0xffff, v9  }
0xca: {  	v9 =	vand.u32 $0xFFFFFFF8, v10;
	v6 =	vor.u32 v1, v12;
	v12 =	vld [tilespmem:s30+$0xFFFFFB00]  }
0xcb: {  	s31 =	simm.s32 $0x3840;
	v10 =	vand.u32 $0x7, v10;
	v9 =	vadd.s32 v6, v9  }
0xcc: {  	v13 =	vld [tilespmem:s31+$0xFFFFF800];
	v9 =	vor.u32 v10, v9  }
0xcd: {  	v8 =	vld.idx.msk [tilespmem:v8+s3+$0x0], $0xffff;
	v10 =	vand.u32 $0xFFFFFFF8, v11  }
0xce: {  	v11 =	vand.u32 $0x7, v11;
	v10 =	vadd.s32 v4, v10  }
0xcf: {  	v14 =	vld [tilespmem:s26+$0xFFFFFD00];
	v10 =	vor.u32 v11, v10  }
0xd0: {  	v7 =	vld.idx.msk [tilespmem:v7+s3+$0x0], $0xffff  }
0xd1: {  	[tilespmem:v9+s18+$0x0] =	vst.idx.add.f32.msk $0xffff, v13  }
0xd2: {  	v9 =	vand.u32 $0xFFFFFFF8, v8;
	v11 =	vld.idx.msk [tilespmem:v12+s3+$0x0], $0xffff  }
0xd3: {  	v8 =	vand.u32 $0x7, v8;
	v9 =	vadd.s32 v3, v9;
	v12 =	vld [tilespmem:s23+$0x0]  }
0xd4: {  	v8 =	vor.u32 v8, v9;
	[tilespmem:v10+s18+$0x0] =	vst.idx.add.f32.msk $0xffff, v14  }
0xd5: {  	v10 =	vld [tilespmem:s28+$0xFFFFFE00];
	v9 =	vand.u32 $0xFFFFFFF8, v7  }
0xd6: {  	v7 =	vand.u32 $0x7, v7;
	v9 =	vadd.s32 v2, v9  }
0xd7: {  	v13 =	vld [tilespmem:s22+$0x300];
	v7 =	vor.u32 v7, v9  }
0xd8: {  	v9 =	vld [tilespmem:s29+$0xFFFFFB00]  }
0xd9: {  	v14 =	vand.u32 $0xFFFFFFF8, v11;
	[tilespmem:v8+s18+$0x0] =	vst.idx.add.f32.msk $0xffff, v12  }
0xda: {  	v11 =	vand.u32 $0x7, v11;
	v14 =	vadd.s32 v5, v14;
	v12 =	vld [tilespmem:s0+$0xFFFFF900]  }
0xdb: {  	v8 =	vor.u32 v11, v14;
	v11 =	vld [tilespmem:s24+$0x100]  }
0xdc: {  	[tilespmem:v7+s18+$0x0] =	vst.idx.add.f32.msk $0xffff, v13  }
0xdd: {  	v10 =	vld.idx.msk [tilespmem:v10+s3+$0x0], $0xffff  }
0xde: {  	s20 =	simm.s32 $0x2850;
	v7 =	vld [tilespmem:s25+$0x400]  }
0xdf: {  	v13 =	vld [tilespmem:s20+$0xFFFFF800]  }
0xe0: {  	[tilespmem:v8+s18+$0x0] =	vst.idx.add.f32.msk $0xffff, v9  }
0xe1: {  	v8 =	vld [tilespmem:s30+$0xFFFFFC00]  }
0xe2: {  	v12 =	vld.idx.msk [tilespmem:v12+s3+$0x0], $0xffff  }
0xe3: {  	v11 =	vld.idx.msk [tilespmem:v11+s3+$0x0], $0xffff  }
0xe4: {  	v14 =	vand.u32 $0xFFFFFFF8, v10  }
0xe5: {  	v15 =	vld [tilespmem:s26+$0xFFFFFE00];
	v10 =	vand.u32 $0x7, v10;
	v14 =	vadd.s32 v4, v14  }
0xe6: {  	v10 =	vor.u32 v10, v14;
	v7 =	vld.idx.msk [tilespmem:v7+s3+$0x0], $0xffff  }
0xe7: {  	v14 =	vld [tilespmem:s31+$0xFFFFF900];
	v62 =	vand.u32 $0xFFFFFFF8, v12  }
0xe8: {  	v18 =	vld.idx.msk [tilespmem:v13+s3+$0x0], $0xffff;
	v12 =	vand.u32 $0x7, v12;
	v16 =	vand.u32 $0xFFFFFFF8, v11;
	v13 =	vadd.s32 v6, v62  }
0xe9: {  	v11 =	vand.u32 $0x7, v11;
	v8 =	vld.idx.msk [tilespmem:v8+s3+$0x0], $0xffff;
	v16 =	vadd.s32 v3, v16;
	v12 =	vor.u32 v12, v13  }
0xea: {  	v17 =	vld [tilespmem:s23+$0x100];
	v11 =	vor.u32 v11, v16  }
0xeb: {  	[tilespmem:v10+s18+$0x0] =	vst.idx.add.f32.msk $0xffff, v15;
	v10 =	vand.u32 $0xFFFFFFF8, v7  }
0xec: {  	v13 =	vld [tilespmem:s22+$0x400];
	v7 =	vand.u32 $0x7, v7;
	v10 =	vadd.s32 v2, v10  }
0xed: {  	v7 =	vor.u32 v7, v10;
	v10 =	vld [tilespmem:s28+$0xFFFFFF00]  }
0xee: {  	v15 =	vand.u32 $0xFFFFFFF8, v8;
	[tilespmem:v12+s18+$0x0] =	vst.idx.add.f32.msk $0xffff, v14  }
0xef: {  	v8 =	vand.u32 $0x7, v8;
	[tilespmem:v11+s18+$0x0] =	vst.idx.add.f32.msk $0xffff, v17;
	v15 =	vadd.s32 v5, v15  }
0xf0: {  	v11 =	vld [tilespmem:s29+$0xFFFFFC00];
	v15 =	vor.u32 v8, v15  }
0xf1: {  	v63 =	vld [tilespmem:s24+$0x200]  }
0xf2: {  	s10 =	simm.s32 $0x50;
	[tilespmem:v7+s18+$0x0] =	vst.idx.add.f32.msk $0xffff, v13  }
0xf3: {  	v7 =	vmov s10;
	v8 =	vld [tilespmem:s25+$0x500]  }
0xf4: {  	v13 =	vld [tilespmem:s0+$0xFFFFFA00];
	v7 =	vshll.u32 v7, $0x5  }
0xf5: {  	v12 =	vand.u32 $0xFFFFFFF8, v18;
	[tilespmem:v15+s18+$0x0] =	vst.idx.add.f32.msk $0xffff, v11;
	v7 =	vor.u32 v1, v7  }
0xf6: {  	s2 =	simm.s32 $0x3850;
	v11 =	vld.idx.msk [tilespmem:v10+s3+$0x0], $0xffff;
	v10 =	vand.u32 $0x7, v18;
	v14 =	vadd.s32 v7, v12  }
0xf7: {  	v9 =	vld [tilespmem:s2+$0xFFFFF800];
	v14 =	vor.u32 v10, v14  }
0xf8: {  	v12 =	vld [tilespmem:s30+$0xFFFFFD00]  }
0xf9: {  	s11 =	simm.s32 $0x3860;
	s1 =	simm.s32 $0x2850;
	v10 =	vld.idx.msk [tilespmem:v63+s3+$0x0], $0xffff  }
.LBB2_4:
0xfa: {  	v15 =	vld [tilespmem:s11+$0xFFFFF800]  }
0xfb: {  	v8 =	vld.idx.msk [tilespmem:v8+s3+$0x0], $0xffff  }
0xfc: {  	[tilespmem:v14+s18+$0x0] =	vst.idx.add.f32.msk $0xffff, v9  }
0xfd: {  	v19 =	vand.u32 $0xFFFFFFF8, v11;
	v13 =	vld.idx.msk [tilespmem:v13+s3+$0x0], $0xffff  }
0xfe: {  	v11 =	vand.u32 $0x7, v11;
	v18 =	vadd.s32 v4, v19;
	v14 =	vld [tilespmem:s31+$0xFFFFFA00]  }
0xff: {  	v11 =	vor.u32 v11, v18;
	v17 =	vand.u32 $0xFFFFFFF8, v10;
	v16 =	vld [tilespmem:s26+$0xFFFFFF00];
	v9 =	vmov v15  }
0x100: {  	v10 =	vand.u32 $0x7, v10;
	v15 =	vadd.s32 v3, v17;
	v12 =	vld.idx.msk [tilespmem:v12+s3+$0x0], $0xffff  }
0x101: {  	v10 =	vor.u32 v10, v15;
	v15 =	vand.u32 $0xFFFFFFF8, v8;
	v17 =	vld [tilespmem:s23+$0x200]  }
0x102: {  	v8 =	vand.u32 $0x7, v8;
	v15 =	vadd.s32 v2, v15;
	v18 =	vld [tilespmem:s29+$0xFFFFFD00]  }
0x103: {  	v19 =	vand.u32 $0xFFFFFFF8, v13;
	v8 =	vor.u32 v8, v15;
	v20 =	vld [tilespmem:s22+$0x500]  }
0x104: {  	v13 =	vand.u32 $0x7, v13;
	v15 =	vadd.s32 v6, v19;
	[tilespmem:v11+s18+$0x0] =	vst.idx.add.f32.msk $0xffff, v16  }
0x105: {  	v11 =	vor.u32 v13, v15;
	v13 =	vld [tilespmem:s28+$0x0]  }
0x106: {  	[tilespmem:v10+s18+$0x0] =	vst.idx.add.f32.msk $0xffff, v17  }
0x107: {  	v10 =	vand.u32 $0xFFFFFFF8, v12;
	v15 =	vld [tilespmem:s24+$0x300]  }
0x108: {  	v12 =	vand.u32 $0x7, v12;
	v10 =	vadd.s32 v5, v10;
	[tilespmem:v8+s18+$0x0] =	vst.idx.add.f32.msk $0xffff, v20  }
0x109: {  	v8 =	vor.u32 v12, v10;
	v10 =	vld [tilespmem:s25+$0x600]  }
0x10a: {  	[tilespmem:v11+s18+$0x0] =	vst.idx.add.f32.msk $0xffff, v14  }
0x10b: {  	v11 =	vld [tilespmem:s0+$0xFFFFFB00]  }
0x10c: {  	v12 =	vld [tilespmem:s20+$0xFFFFF900]  }
0x10d: {  	v13 =	vld.idx.msk [tilespmem:v13+s3+$0x0], $0xffff  }
0x10e: {  	[tilespmem:v8+s18+$0x0] =	vst.idx.add.f32.msk $0xffff, v18  }
0x10f: {  	v8 =	vld.idx.msk [tilespmem:v15+s3+$0x0], $0xffff  }
0x110: {  	v14 =	vld [tilespmem:s30+$0xFFFFFE00]  }
0x111: {  	s20 =	sadd.s32 $0x10, s20;
	v10 =	vld.idx.msk [tilespmem:v10+s3+$0x0], $0xffff  }
0x112: {  	v15 =	vld [tilespmem:s20+$0xFFFFF800]  }
0x113: {  	v16 =	vand.u32 $0xFFFFFFF8, v13;
	v11 =	vld.idx.msk [tilespmem:v11+s3+$0x0], $0xffff  }
0x114: {  	v13 =	vand.u32 $0x7, v13;
	v16 =	vadd.s32 v4, v16;
	v12 =	vld.idx.msk [tilespmem:v12+s3+$0x0], $0xffff  }
0x115: {  	v13 =	vor.u32 v13, v16;
	v16 =	vand.u32 $0xFFFFFFF8, v8;
	v17 =	vld [tilespmem:s26+$0x0]  }
0x116: {  	v8 =	vand.u32 $0x7, v8;
	v16 =	vadd.s32 v3, v16;
	v18 =	vld [tilespmem:s31+$0xFFFFFB00]  }
0x117: {  	v8 =	vor.u32 v8, v16;
	v16 =	vand.u32 $0xFFFFFFF8, v10;
	v19 =	vld [tilespmem:s23+$0x300]  }
0x118: {  	v10 =	vand.u32 $0x7, v10;
	v16 =	vadd.s32 v2, v16;
	v14 =	vld.idx.msk [tilespmem:v14+s3+$0x0], $0xffff  }
0x119: {  	v20 =	vand.u32 $0xFFFFFFF8, v11;
	v10 =	vor.u32 v10, v16;
	v21 =	vld [tilespmem:s22+$0x600]  }
0x11a: {  	v11 =	vand.u32 $0x7, v11;
	v16 =	vadd.s32 v6, v20;
	[tilespmem:v13+s18+$0x0] =	vst.idx.add.f32.msk $0xffff, v17  }
0x11b: {  	v11 =	vor.u32 v11, v16;
	v13 =	vld [tilespmem:s28+$0x100]  }
0x11c: {  	[tilespmem:v8+s18+$0x0] =	vst.idx.add.f32.msk $0xffff, v19  }
0x11d: {  	v8 =	vld [tilespmem:s24+$0x400]  }
0x11e: {  	[tilespmem:v10+s18+$0x0] =	vst.idx.add.f32.msk $0xffff, v21  }
0x11f: {  	v10 =	vld [tilespmem:s25+$0x700];
	s25 =	smov.u32 s24;
	s24 =	smov.u32 s28;
	s28 =	smov.u32 s30  }
0x120: {  	s30 =	smov.u32 s0;
	s0 =	smov.u32 s1;
	s1 =	smov.u32 s20;
	[tilespmem:v11+s18+$0x0] =	vst.idx.add.f32.msk $0xffff, v18  }
0x121: {  	v11 =	vand.u32 $0xFFFFFFF8, v12;
	v16 =	vld [tilespmem:s30+$0xFFFFFC00]  }
0x122: {  	v12 =	vand.u32 $0x7, v12;
	v11 =	vadd.s32 v7, v11;
	v17 =	vld [tilespmem:s2+$0xFFFFF900]  }
0x123: {  	v11 =	vor.u32 v12, v11;
	v12 =	vld.idx.msk [tilespmem:v13+s3+$0x0], $0xffff  }
0x124: {  	v15 =	vld.idx.msk [tilespmem:v15+s3+$0x0], $0xffff  }
0x125: {  	v13 =	vand.u32 $0xFFFFFFF8, v14;
	v8 =	vld.idx.msk [tilespmem:v8+s3+$0x0], $0xffff  }
0x126: {  	v14 =	vand.u32 $0x7, v14;
	v13 =	vadd.s32 v5, v13;
	v18 =	vld [tilespmem:s29+$0xFFFFFE00]  }
0x127: {  	v13 =	vor.u32 v14, v13;
	v10 =	vld.idx.msk [tilespmem:v10+s3+$0x0], $0xffff  }
0x128: {  	[tilespmem:v11+s18+$0x0] =	vst.idx.add.f32.msk $0xffff, v17  }
0x129: {  	v14 =	vand.u32 $0xFFFFFFF8, v12;
	v11 =	vld.idx.msk [tilespmem:v16+s3+$0x0], $0xffff  }
0x12a: {  	v12 =	vand.u32 $0x7, v12;
	v14 =	vadd.s32 v4, v14;
	v16 =	vld [tilespmem:s31+$0xFFFFFC00]  }
0x12b: {  	v12 =	vor.u32 v12, v14;
	v14 =	vand.u32 $0xFFFFFFF8, v8;
	v17 =	vld [tilespmem:s26+$0x100]  }
0x12c: {  	v8 =	vand.u32 $0x7, v8;
	[tilespmem:v13+s18+$0x0] =	vst.idx.add.f32.msk $0xffff, v18;
	v13 =	vadd.s32 v3, v14  }
0x12d: {  	v14 =	vld [tilespmem:s23+$0x400];
	v8 =	vor.u32 v8, v13;
	v13 =	vand.u32 $0xFFFFFFF8, v10  }
0x12e: {  	v10 =	vand.u32 $0x7, v10;
	v18 =	vld [tilespmem:s28+$0xFFFFFF00];
	v13 =	vadd.s32 v2, v13;
	v2 =	vmovc v3;
	v3 =	vmovc v4;
	v4 =	vmov v5  }
0x12f: {  	v19 =	vand.u32 $0xFFFFFFF8, v11;
	v5 =	vmovc v6;
	v6 =	vmov v7;
	v20 =	vld [tilespmem:s22+$0x700];
	v10 =	vor.u32 v10, v13;
	s22 =	smov.u32 s23;
	s23 =	smov.u32 s26;
	s26 =	smov.u32 s29  }
0x130: {  	v7 =	vand.u32 $0x7, v11;
	v11 =	vadd.s32 v5, v19;
	s29 =	smov.u32 s31;
	s31 =	smov.u32 s2;
	s2 =	smov.u32 s11;
	[tilespmem:v12+s18+$0x0] =	vst.idx.add.f32.msk $0xffff, v17  }
0x131: {  	v11 =	vor.u32 v7, v11;
	v17 =	vld [tilespmem:s24+$0x200]  }
0x132: {  	s10 =	sadd.s32 $0x10, s10;
	[tilespmem:v8+s18+$0x0] =	vst.idx.add.f32.msk $0xffff, v14  }
0x133: {  	p0 =	slt.u32 s10, $0xF0;
	v7 =	vmov s10;
	v8 =	vld [tilespmem:s25+$0x500]  }
0x134: {  	s12 =	simm.s32 $0x6120;
	v7 =	vshll.u32 v7, $0x5;
	[tilespmem:v10+s18+$0x0] =	vst.idx.add.f32.msk $0xffff, v20  }
.Ltmp1:
0x135: {  	v7 =	vor.u32 v1, v7;
	v10 =	vand.u32 $0xFFFFFFF8, v15;
	v13 =	vld [tilespmem:s0+$0xFFFFFA00];
	(pc) =	sbr.rel @p0 .LBB2_4-.Ltmp1, $4  }
0x136: {  	v12 =	vand.u32 $0x7, v15;
	v10 =	vadd.s32 v7, v10;
	[tilespmem:v11+s18+$0x0] =	vst.idx.add.f32.msk $0xffff, v16  }
0x137: {  	v14 =	vor.u32 v12, v10;
	v11 =	vld.idx.msk [tilespmem:v18+s3+$0x0], $0xffff  }
0x138: {  	v12 =	vld [tilespmem:s30+$0xFFFFFD00]  }
0x139: {  	s11 =	sadd.s32 $0x10, s11;
	v10 =	vld.idx.msk [tilespmem:v17+s3+$0x0], $0xffff  }
0x13a: {  	_ =	sdelay $0x3  }
0x13b: {  	[tilespmem:v14+s18+$0x0] =	vst.idx.add.f32.msk $0xffff, v9  }
0x13c: {  	v9 =	vld [tilespmem:s20+$0xFFFFF900];
	_ =	sdelay $0x7  }
0x13d: {  	v9 =	vld.idx.msk [tilespmem:v9+s3+$0x0], $0xffff;
	_ =	sdelay $0x4  }
0x13e: {  	v51 =	vand.u32 $0xFFFFFFF8, v9  }
0x13f: {  	v9 =	vand.u32 $0x7, v9;
	v14 =	vadd.s32 v7, v51  }
0x140: {  	v15 =	vld [tilespmem:s2+$0xFFFFF900];
	v9 =	vor.u32 v9, v14;
	_ =	sdelay $0x4  }
0x141: {  	[tilespmem:v9+s18+$0x0] =	vst.idx.add.f32.msk $0xffff, v15  }
0x142: {  	v9 =	vld [tilespmem:s1+$0xFFFFFA00];
	_ =	sdelay $0x3  }
0x143: {  	v13 =	vld.idx.msk [tilespmem:v13+s3+$0x0], $0xffff;
	_ =	sdelay $0x3  }
0x144: {  	v9 =	vld.idx.msk [tilespmem:v9+s3+$0x0], $0xffff  }
0x145: {  	v52 =	vand.u32 $0xFFFFFFF8, v13  }
0x146: {  	v13 =	vand.u32 $0x7, v13;
	v14 =	vadd.s32 v6, v52  }
0x147: {  	v53 =	vld [tilespmem:s31+$0xFFFFFA00];
	v13 =	vor.u32 v13, v14;
	_ =	sdelay $0x1  }
0x148: {  	v54 =	vand.u32 $0xFFFFFFF8, v9  }
0x149: {  	v9 =	vand.u32 $0x7, v9;
	v14 =	vadd.s32 v7, v54  }
0x14a: {  	v16 =	vld [tilespmem:s2+$0xFFFFFA00];
	v9 =	vor.u32 v9, v14  }
0x14b: {  	[tilespmem:v13+s18+$0x0] =	vst.idx.add.f32.msk $0xffff, v53  }
0x14c: {  	v13 =	vld [tilespmem:s0+$0xFFFFFB00];
	_ =	sdelay $0x2  }
0x14d: {  	[tilespmem:v9+s18+$0x0] =	vst.idx.add.f32.msk $0xffff, v16  }
0x14e: {  	v9 =	vld [tilespmem:s1+$0xFFFFFB00];
	_ =	sdelay $0x3  }
0x14f: {  	v13 =	vld.idx.msk [tilespmem:v13+s3+$0x0], $0xffff;
	_ =	sdelay $0x3  }
0x150: {  	v9 =	vld.idx.msk [tilespmem:v9+s3+$0x0], $0xffff  }
0x151: {  	v55 =	vand.u32 $0xFFFFFFF8, v13  }
0x152: {  	v13 =	vand.u32 $0x7, v13;
	v14 =	vadd.s32 v6, v55  }
0x153: {  	v15 =	vld [tilespmem:s31+$0xFFFFFB00];
	v13 =	vor.u32 v13, v14;
	_ =	sdelay $0x1  }
0x154: {  	v56 =	vand.u32 $0xFFFFFFF8, v9  }
0x155: {  	v9 =	vand.u32 $0x7, v9;
	v14 =	vadd.s32 v7, v56  }
0x156: {  	v16 =	vld [tilespmem:s2+$0xFFFFFB00];
	v9 =	vor.u32 v9, v14  }
0x157: {  	[tilespmem:v13+s18+$0x0] =	vst.idx.add.f32.msk $0xffff, v15  }
0x158: {  	v13 =	vld [tilespmem:s0+$0xFFFFFC00];
	_ =	sdelay $0x2  }
0x159: {  	[tilespmem:v9+s18+$0x0] =	vst.idx.add.f32.msk $0xffff, v16  }
0x15a: {  	v9 =	vld [tilespmem:s1+$0xFFFFFC00];
	_ =	sdelay $0x3  }
0x15b: {  	v13 =	vld.idx.msk [tilespmem:v13+s3+$0x0], $0xffff;
	_ =	sdelay $0x3  }
0x15c: {  	v9 =	vld.idx.msk [tilespmem:v9+s3+$0x0], $0xffff  }
0x15d: {  	v57 =	vand.u32 $0xFFFFFFF8, v13  }
0x15e: {  	v13 =	vand.u32 $0x7, v13;
	v14 =	vadd.s32 v6, v57  }
0x15f: {  	v15 =	vld [tilespmem:s31+$0xFFFFFC00];
	v13 =	vor.u32 v13, v14;
	_ =	sdelay $0x1  }
0x160: {  	v58 =	vand.u32 $0xFFFFFFF8, v9  }
0x161: {  	v12 =	vld.idx.msk [tilespmem:v12+s3+$0x0], $0xffff;
	v9 =	vand.u32 $0x7, v9;
	v14 =	vadd.s32 v7, v58  }
0x162: {  	v16 =	vld [tilespmem:s2+$0xFFFFFC00];
	v9 =	vor.u32 v9, v14  }
0x163: {  	[tilespmem:v13+s18+$0x0] =	vst.idx.add.f32.msk $0xffff, v15  }
0x164: {  	v13 =	vld [tilespmem:s0+$0xFFFFFD00];
	_ =	sdelay $0x1  }
0x165: {  	v59 =	vld [tilespmem:s29+$0xFFFFFD00];
	v17 =	vand.u32 $0xFFFFFFF8, v12  }
0x166: {  	v12 =	vand.u32 $0x7, v12;
	v17 =	vadd.s32 v5, v17;
	[tilespmem:v9+s18+$0x0] =	vst.idx.add.f32.msk $0xffff, v16  }
0x167: {  	v12 =	vor.u32 v12, v17;
	v9 =	vld [tilespmem:s1+$0xFFFFFD00];
	_ =	sdelay $0x3  }
0x168: {  	v13 =	vld.idx.msk [tilespmem:v13+s3+$0x0], $0xffff  }
0x169: {  	[tilespmem:v12+s18+$0x0] =	vst.idx.add.f32.msk $0xffff, v59  }
0x16a: {  	v12 =	vld [tilespmem:s30+$0xFFFFFE00];
	_ =	sdelay $0x1  }
0x16b: {  	v9 =	vld.idx.msk [tilespmem:v9+s3+$0x0], $0xffff  }
0x16c: {  	v60 =	vand.u32 $0xFFFFFFF8, v13  }
0x16d: {  	v13 =	vand.u32 $0x7, v13;
	v14 =	vadd.s32 v6, v60  }
0x16e: {  	v15 =	vld [tilespmem:s31+$0xFFFFFD00];
	v13 =	vor.u32 v13, v14;
	_ =	sdelay $0x1  }
0x16f: {  	v61 =	vand.u32 $0xFFFFFFF8, v9  }
0x170: {  	v12 =	vld.idx.msk [tilespmem:v12+s3+$0x0], $0xffff;
	v9 =	vand.u32 $0x7, v9;
	v14 =	vadd.s32 v7, v61  }
0x171: {  	v16 =	vld [tilespmem:s2+$0xFFFFFD00];
	v9 =	vor.u32 v9, v14  }
0x172: {  	[tilespmem:v13+s18+$0x0] =	vst.idx.add.f32.msk $0xffff, v15  }
0x173: {  	v13 =	vld [tilespmem:s0+$0xFFFFFE00];
	_ =	sdelay $0x1  }
0x174: {  	v63 =	vld [tilespmem:s29+$0xFFFFFE00];
	v62 =	vand.u32 $0xFFFFFFF8, v12  }
0x175: {  	v12 =	vand.u32 $0x7, v12;
	v14 =	vadd.s32 v5, v62;
	[tilespmem:v9+s18+$0x0] =	vst.idx.add.f32.msk $0xffff, v16  }
0x176: {  	v12 =	vor.u32 v12, v14;
	v9 =	vld [tilespmem:s1+$0xFFFFFE00];
	_ =	sdelay $0x3  }
0x177: {  	v13 =	vld.idx.msk [tilespmem:v13+s3+$0x0], $0xffff  }
0x178: {  	[tilespmem:v12+s18+$0x0] =	vst.idx.add.f32.msk $0xffff, v63  }
0x179: {  	v12 =	vld [tilespmem:s30+$0xFFFFFF00];
	_ =	sdelay $0x1  }
0x17a: {  	v9 =	vld.idx.msk [tilespmem:v9+s3+$0x0], $0xffff  }
0x17b: {  	v19 =	vand.u32 $0xFFFFFFF8, v13  }
0x17c: {  	v13 =	vand.u32 $0x7, v13;
	v14 =	vadd.s32 v6, v19  }
0x17d: {  	v15 =	vld [tilespmem:s31+$0xFFFFFE00];
	v13 =	vor.u32 v13, v14;
	_ =	sdelay $0x1  }
0x17e: {  	v24 =	vld [tilespmem:s26+$0xFFFFFF00];
	v20 =	vand.u32 $0xFFFFFFF8, v9  }
0x17f: {  	v12 =	vld.idx.msk [tilespmem:v12+s3+$0x0], $0xffff;
	v9 =	vand.u32 $0x7, v9;
	v14 =	vadd.s32 v7, v20  }
0x180: {  	v21 =	vand.u32 $0xFFFFFFF8, v11;
	v22 =	vld [tilespmem:s2+$0xFFFFFE00];
	v9 =	vor.u32 v9, v14  }
0x181: {  	v11 =	vand.u32 $0x7, v11;
	v23 =	vadd.s32 v4, v21;
	[tilespmem:v13+s18+$0x0] =	vst.idx.add.f32.msk $0xffff, v15  }
0x182: {  	v11 =	vor.u32 v11, v23;
	v13 =	vld [tilespmem:s0+$0xFFFFFF00];
	_ =	sdelay $0x1  }
0x183: {  	v18 =	vld [tilespmem:s29+$0xFFFFFF00];
	v25 =	vand.u32 $0xFFFFFFF8, v12  }
0x184: {  	v12 =	vand.u32 $0x7, v12;
	v14 =	vadd.s32 v5, v25;
	[tilespmem:v9+s18+$0x0] =	vst.idx.add.f32.msk $0xffff, v22  }
0x185: {  	v12 =	vor.u32 v12, v14;
	v9 =	vld [tilespmem:s1+$0xFFFFFF00]  }
0x186: {  	[tilespmem:v11+s18+$0x0] =	vst.idx.add.f32.msk $0xffff, v24  }
0x187: {  	v11 =	vld [tilespmem:s28+$0x0];
	_ =	sdelay $0x1  }
0x188: {  	v13 =	vld.idx.msk [tilespmem:v13+s3+$0x0], $0xffff  }
0x189: {  	[tilespmem:v12+s18+$0x0] =	vst.idx.add.f32.msk $0xffff, v18  }
0x18a: {  	v12 =	vld [tilespmem:s30+$0x0];
	_ =	sdelay $0x1  }
0x18b: {  	v9 =	vld.idx.msk [tilespmem:v9+s3+$0x0], $0xffff  }
0x18c: {  	v26 =	vand.u32 $0xFFFFFFF8, v13  }
0x18d: {  	v11 =	vld.idx.msk [tilespmem:v11+s3+$0x0], $0xffff;
	v13 =	vand.u32 $0x7, v13;
	v14 =	vadd.s32 v6, v26  }
0x18e: {  	v15 =	vld [tilespmem:s31+$0xFFFFFF00];
	v13 =	vor.u32 v13, v14;
	_ =	sdelay $0x1  }
0x18f: {  	v30 =	vld [tilespmem:s26+$0x0];
	v27 =	vand.u32 $0xFFFFFFF8, v9  }
0x190: {  	v12 =	vld.idx.msk [tilespmem:v12+s3+$0x0], $0xffff;
	v9 =	vand.u32 $0x7, v9;
	v14 =	vadd.s32 v7, v27  }
0x191: {  	v28 =	vand.u32 $0xFFFFFFF8, v11;
	v17 =	vld [tilespmem:s2+$0xFFFFFF00];
	v9 =	vor.u32 v9, v14  }
0x192: {  	v11 =	vand.u32 $0x7, v11;
	v29 =	vadd.s32 v4, v28;
	[tilespmem:v13+s18+$0x0] =	vst.idx.add.f32.msk $0xffff, v15  }
0x193: {  	v11 =	vor.u32 v11, v29;
	v15 =	vld [tilespmem:s0+$0x0];
	_ =	sdelay $0x1  }
0x194: {  	v31 =	vld [tilespmem:s29+$0x0];
	v32 =	vand.u32 $0xFFFFFFF8, v12  }
0x195: {  	v12 =	vand.u32 $0x7, v12;
	v33 =	vadd.s32 v5, v32;
	[tilespmem:v9+s18+$0x0] =	vst.idx.add.f32.msk $0xffff, v17  }
0x196: {  	v12 =	vor.u32 v12, v33;
	v9 =	vld [tilespmem:s1+$0x0]  }
0x197: {  	[tilespmem:v11+s18+$0x0] =	vst.idx.add.f32.msk $0xffff, v30  }
0x198: {  	v11 =	vld [tilespmem:s28+$0x100];
	_ =	sdelay $0x1  }
0x199: {  	v34 =	vld.idx.msk [tilespmem:v15+s3+$0x0], $0xffff  }
0x19a: {  	[tilespmem:v12+s18+$0x0] =	vst.idx.add.f32.msk $0xffff, v31  }
0x19b: {  	v12 =	vld [tilespmem:s30+$0x100];
	_ =	sdelay $0x1  }
0x19c: {  	v9 =	vld.idx.msk [tilespmem:v9+s3+$0x0], $0xffff;
	_ =	sdelay $0x1  }
0x19d: {  	v11 =	vld.idx.msk [tilespmem:v11+s3+$0x0], $0xffff  }
0x19e: {  	v35 =	vand.u32 $0xFFFFFFF8, v34  }
0x19f: {  	v36 =	vld [tilespmem:s23+$0x200];
	v13 =	vand.u32 $0x7, v34;
	v14 =	vadd.s32 v6, v35  }
0x1a0: {  	v37 =	vld [tilespmem:s31+$0x0];
	v13 =	vor.u32 v13, v14;
	v38 =	vand.u32 $0xFFFFFFF8, v9  }
0x1a1: {  	v12 =	vld.idx.msk [tilespmem:v12+s3+$0x0], $0xffff;
	v9 =	vand.u32 $0x7, v9;
	v14 =	vadd.s32 v7, v38  }
0x1a2: {  	v39 =	vand.u32 $0xFFFFFFF8, v11;
	v40 =	vld [tilespmem:s2+$0x0];
	v9 =	vor.u32 v9, v14  }
0x1a3: {  	v42 =	vld [tilespmem:s26+$0x100];
	v11 =	vand.u32 $0x7, v11;
	v41 =	vadd.s32 v4, v39  }
0x1a4: {  	v11 =	vor.u32 v11, v41;
	v43 =	vld [tilespmem:s29+$0x100]  }
0x1a5: {  	v19 =	vand.u32 $0xFFFFFFF8, v10;
	[tilespmem:v13+s18+$0x0] =	vst.idx.add.f32.msk $0xffff, v37  }
0x1a6: {  	v10 =	vand.u32 $0x7, v10;
	v19 =	vadd.s32 v3, v19;
	v16 =	vld [tilespmem:s0+$0x100];
	v44 =	vand.u32 $0xFFFFFFF8, v12  }
0x1a7: {  	v10 =	vor.u32 v10, v19;
	v12 =	vand.u32 $0x7, v12;
	v13 =	vadd.s32 v5, v44;
	[tilespmem:v9+s18+$0x0] =	vst.idx.add.f32.msk $0xffff, v40  }
0x1a8: {  	v9 =	vor.u32 v12, v13;
	v45 =	vld [tilespmem:s1+$0x100]  }
0x1a9: {  	[tilespmem:v11+s18+$0x0] =	vst.idx.add.f32.msk $0xffff, v42  }
0x1aa: {  	v11 =	vld [tilespmem:s28+$0x200];
	_ =	sdelay $0x1  }
0x1ab: {  	[tilespmem:v10+s18+$0x0] =	vst.idx.add.f32.msk $0xffff, v36  }
0x1ac: {  	[tilespmem:v9+s18+$0x0] =	vst.idx.add.f32.msk $0xffff, v43  }
0x1ad: {  	v9 =	vld.idx.msk [tilespmem:v16+s3+$0x0], $0xffff  }
0x1ae: {  	v46 =	vld [tilespmem:s30+$0x200]  }
0x1af: {  	v12 =	vld.idx.msk [tilespmem:v45+s3+$0x0], $0xffff  }
0x1b0: {  	v10 =	vld [tilespmem:s24+$0x300]  }
0x1b1: {  	v11 =	vld.idx.msk [tilespmem:v11+s3+$0x0], $0xffff  }
0x1b2: {  	v47 =	vand.u32 $0xFFFFFFF8, v9  }
0x1b3: {  	v9 =	vand.u32 $0x7, v9;
	v14 =	vadd.s32 v6, v47  }
0x1b4: {  	v48 =	vld [tilespmem:s31+$0x100];
	v9 =	vor.u32 v9, v14;
	v49 =	vand.u32 $0xFFFFFFF8, v12  }
0x1b5: {  	v53 =	vld [tilespmem:s26+$0x200];
	v12 =	vand.u32 $0x7, v12;
	v14 =	vadd.s32 v7, v49  }
0x1b6: {  	v50 =	vand.u32 $0xFFFFFFF8, v11;
	v51 =	vld [tilespmem:s2+$0x100];
	v12 =	vor.u32 v12, v14  }
0x1b7: {  	v11 =	vand.u32 $0x7, v11;
	v52 =	vadd.s32 v4, v50;
	v13 =	vld.idx.msk [tilespmem:v46+s3+$0x0], $0xffff  }
0x1b8: {  	v11 =	vor.u32 v11, v52;
	v10 =	vld.idx.msk [tilespmem:v10+s3+$0x0], $0xffff  }
0x1b9: {  	[tilespmem:v9+s18+$0x0] =	vst.idx.add.f32.msk $0xffff, v48  }
0x1ba: {  	v9 =	vld [tilespmem:s0+$0x200]  }
0x1bb: {  	[tilespmem:v12+s18+$0x0] =	vst.idx.add.f32.msk $0xffff, v51  }
0x1bc: {  	v54 =	vand.u32 $0xFFFFFFF8, v13;
	v55 =	vld [tilespmem:s1+$0x200]  }
0x1bd: {  	[tilespmem:v11+s18+$0x0] =	vst.idx.add.f32.msk $0xffff, v53;
	v11 =	vand.u32 $0x7, v13;
	v12 =	vadd.s32 v5, v54  }
0x1be: {  	v56 =	vld [tilespmem:s29+$0x200];
	v11 =	vor.u32 v11, v12  }
0x1bf: {  	v57 =	vld [tilespmem:s28+$0x300]  }
0x1c0: {  	v8 =	vld.idx.msk [tilespmem:v8+s3+$0x0], $0xffff  }
0x1c1: {  	v59 =	vld [tilespmem:s23+$0x300];
	v58 =	vand.u32 $0xFFFFFFF8, v10  }
0x1c2: {  	v10 =	vand.u32 $0x7, v10;
	v15 =	vadd.s32 v3, v58;
	v9 =	vld.idx.msk [tilespmem:v9+s3+$0x0], $0xffff  }
0x1c3: {  	v10 =	vor.u32 v10, v15;
	[tilespmem:v11+s18+$0x0] =	vst.idx.add.f32.msk $0xffff, v56  }
0x1c4: {  	v11 =	vld.idx.msk [tilespmem:v55+s3+$0x0], $0xffff  }
0x1c5: {  	v13 =	vld [tilespmem:s30+$0x300]  }
0x1c6: {  	v60 =	vld [tilespmem:s22+$0x500]  }
0x1c7: {  	v12 =	vld.idx.msk [tilespmem:v57+s3+$0x0], $0xffff;
	v61 =	vand.u32 $0xFFFFFFF8, v9  }
0x1c8: {  	[tilespmem:v10+s18+$0x0] =	vst.idx.add.f32.msk $0xffff, v59;
	v9 =	vand.u32 $0x7, v9;
	v10 =	vadd.s32 v6, v61  }
0x1c9: {  	v62 =	vld [tilespmem:s31+$0x200];
	v9 =	vor.u32 v9, v10;
	v10 =	vand.u32 $0xFFFFFFF8, v11  }
0x1ca: {  	v63 =	vld [tilespmem:s26+$0x300];
	v11 =	vand.u32 $0x7, v11;
	v10 =	vadd.s32 v7, v10  }
0x1cb: {  	v17 =	vld [tilespmem:s2+$0x200];
	v10 =	vor.u32 v11, v10  }
0x1cc: {  	v16 =	vld [tilespmem:s24+$0x400];
	v11 =	vand.u32 $0xFFFFFFF8, v12  }
0x1cd: {  	v13 =	vld.idx.msk [tilespmem:v13+s3+$0x0], $0xffff;
	v12 =	vand.u32 $0x7, v12;
	v11 =	vadd.s32 v4, v11  }
0x1ce: {  	[tilespmem:v9+s18+$0x0] =	vst.idx.add.f32.msk $0xffff, v62;
	v9 =	vand.u32 $0xFFFFFFF8, v8;
	v11 =	vor.u32 v12, v11  }
0x1cf: {  	v8 =	vand.u32 $0x7, v8;
	v21 =	vld [tilespmem:s0+$0x300];
	v9 =	vadd.s32 v2, v9  }
0x1d0: {  	v8 =	vor.u32 v8, v9;
	[tilespmem:v10+s18+$0x0] =	vst.idx.add.f32.msk $0xffff, v17  }
0x1d1: {  	v9 =	vld [tilespmem:s1+$0x300]  }
0x1d2: {  	v22 =	vld [tilespmem:s29+$0x300]  }
0x1d3: {  	[tilespmem:v11+s18+$0x0] =	vst.idx.add.f32.msk $0xffff, v63  }
0x1d4: {  	v10 =	vld [tilespmem:s28+$0x400]  }
0x1d5: {  	[tilespmem:v8+s18+$0x0] =	vst.idx.add.f32.msk $0xffff, v60;
	v8 =	vand.u32 $0xFFFFFFF8, v13  }
0x1d6: {  	v11 =	vld.idx.msk [tilespmem:v16+s3+$0x0], $0xffff;
	v13 =	vand.u32 $0x7, v13;
	v8 =	vadd.s32 v5, v8  }
0x1d7: {  	v12 =	vld.idx.msk [tilespmem:v21+s3+$0x0], $0xffff;
	v8 =	vor.u32 v13, v8;
	_ =	sdelay $0x1  }
0x1d8: {  	v9 =	vld.idx.msk [tilespmem:v9+s3+$0x0], $0xffff  }
0x1d9: {  	v25 =	vld [tilespmem:s23+$0x400]  }
0x1da: {  	v28 =	vld [tilespmem:s31+$0x300];
	v24 =	vand.u32 $0xFFFFFFF8, v11  }
0x1db: {  	v11 =	vand.u32 $0x7, v11;
	v15 =	vadd.s32 v3, v24;
	v26 =	vand.u32 $0xFFFFFFF8, v12;
	[tilespmem:v8+s18+$0x0] =	vst.idx.add.f32.msk $0xffff, v22  }
0x1dc: {  	v11 =	vor.u32 v11, v15;
	v8 =	vand.u32 $0x7, v12;
	v10 =	vld.idx.msk [tilespmem:v10+s3+$0x0], $0xffff;
	v27 =	vadd.s32 v6, v26  }
0x1dd: {  	v17 =	vld [tilespmem:s2+$0x300];
	v8 =	vor.u32 v8, v27;
	v29 =	vand.u32 $0xFFFFFFF8, v9  }
0x1de: {  	v31 =	vld [tilespmem:s26+$0x400];
	v9 =	vand.u32 $0x7, v9;
	v12 =	vadd.s32 v7, v29  }
0x1df: {  	v30 =	vld [tilespmem:s30+$0x400];
	v9 =	vor.u32 v9, v12  }
0x1e0: {  	v23 =	vld [tilespmem:s25+$0x600]  }
0x1e1: {  	[tilespmem:v11+s18+$0x0] =	vst.idx.add.f32.msk $0xffff, v25;
	v11 =	vand.u32 $0xFFFFFFF8, v10  }
0x1e2: {  	v10 =	vand.u32 $0x7, v10;
	v11 =	vadd.s32 v4, v11;
	[tilespmem:v8+s18+$0x0] =	vst.idx.add.f32.msk $0xffff, v28  }
0x1e3: {  	v8 =	vor.u32 v10, v11;
	v10 =	vld [tilespmem:s0+$0x400]  }
0x1e4: {  	[tilespmem:v9+s18+$0x0] =	vst.idx.add.f32.msk $0xffff, v17  }
0x1e5: {  	v9 =	vld [tilespmem:s1+$0x400]  }
0x1e6: {  	v11 =	vld [tilespmem:s24+$0x500]  }
0x1e7: {  	v32 =	vld.idx.msk [tilespmem:v30+s3+$0x0], $0xffff  }
0x1e8: {  	[tilespmem:v8+s18+$0x0] =	vst.idx.add.f32.msk $0xffff, v31  }
0x1e9: {  	v8 =	vld [tilespmem:s28+$0x500];
	_ =	sdelay $0x1  }
0x1ea: {  	v10 =	vld.idx.msk [tilespmem:v10+s3+$0x0], $0xffff  }
0x1eb: {  	v35 =	vld [tilespmem:s29+$0x400]  }
0x1ec: {  	v9 =	vld.idx.msk [tilespmem:v9+s3+$0x0], $0xffff  }
0x1ed: {  	v33 =	vld.idx.msk [tilespmem:v23+s3+$0x0], $0xffff;
	v15 =	vand.u32 $0xFFFFFFF8, v32  }
0x1ee: {  	v36 =	vld [tilespmem:s23+$0x500];
	v14 =	vand.u32 $0x7, v32;
	v15 =	vadd.s32 v5, v15  }
0x1ef: {  	v14 =	vor.u32 v14, v15;
	v11 =	vld.idx.msk [tilespmem:v11+s3+$0x0], $0xffff;
	v37 =	vand.u32 $0xFFFFFFF8, v10  }
0x1f0: {  	v10 =	vand.u32 $0x7, v10;
	v8 =	vld.idx.msk [tilespmem:v8+s3+$0x0], $0xffff;
	v17 =	vadd.s32 v6, v37  }
0x1f1: {  	v38 =	vld [tilespmem:s31+$0x400];
	v10 =	vor.u32 v10, v17;
	v39 =	vand.u32 $0xFFFFFFF8, v9  }
0x1f2: {  	v42 =	vld [tilespmem:s2+$0x400];
	v9 =	vand.u32 $0x7, v9;
	v40 =	vadd.s32 v7, v39  }
0x1f3: {  	v44 =	vld [tilespmem:s26+$0x500];
	v9 =	vor.u32 v9, v40  }
0x1f4: {  	[tilespmem:v14+s18+$0x0] =	vst.idx.add.f32.msk $0xffff, v35;
	v41 =	vand.u32 $0xFFFFFFF8, v11  }
0x1f5: {  	v11 =	vand.u32 $0x7, v11;
	v43 =	vadd.s32 v3, v41;
	v46 =	vld [tilespmem:s30+$0x500];
	v45 =	vand.u32 $0xFFFFFFF8, v8  }
0x1f6: {  	v11 =	vor.u32 v11, v43;
	v8 =	vand.u32 $0x7, v8;
	v14 =	vadd.s32 v4, v45;
	[tilespmem:v10+s18+$0x0] =	vst.idx.add.f32.msk $0xffff, v38  }
0x1f7: {  	v8 =	vor.u32 v8, v14;
	v10 =	vld [tilespmem:s0+$0x500]  }
0x1f8: {  	[tilespmem:v9+s18+$0x0] =	vst.idx.add.f32.msk $0xffff, v42  }
0x1f9: {  	v9 =	vld [tilespmem:s1+$0x500]  }
0x1fa: {  	v34 =	vld [tilespmem:s22+$0x600]  }
0x1fb: {  	[tilespmem:v11+s18+$0x0] =	vst.idx.add.f32.msk $0xffff, v36;
	v11 =	vand.u32 $0xFFFFFFF8, v33  }
0x1fc: {  	v12 =	vand.u32 $0x7, v33;
	v11 =	vadd.s32 v2, v11;
	[tilespmem:v8+s18+$0x0] =	vst.idx.add.f32.msk $0xffff, v44  }
0x1fd: {  	v8 =	vor.u32 v12, v11;
	v11 =	vld.idx.msk [tilespmem:v46+s3+$0x0], $0xffff;
	_ =	sdelay $0x1  }
0x1fe: {  	v10 =	vld.idx.msk [tilespmem:v10+s3+$0x0], $0xffff  }
0x1ff: {  	v47 =	vld [tilespmem:s24+$0x600]  }
0x200: {  	v9 =	vld.idx.msk [tilespmem:v9+s3+$0x0], $0xffff  }
0x201: {  	[tilespmem:v8+s18+$0x0] =	vst.idx.add.f32.msk $0xffff, v34;
	v8 =	vand.u32 $0xFFFFFFF8, v11  }
0x202: {  	v11 =	vand.u32 $0x7, v11;
	v8 =	vadd.s32 v5, v8  }
0x203: {  	v49 =	vld [tilespmem:s29+$0x500];
	v8 =	vor.u32 v11, v8;
	v11 =	vand.u32 $0xFFFFFFF8, v10  }
0x204: {  	v50 =	vld [tilespmem:s31+$0x500];
	v10 =	vand.u32 $0x7, v10;
	v11 =	vadd.s32 v6, v11  }
0x205: {  	v17 =	vld [tilespmem:s2+$0x500];
	v10 =	vor.u32 v10, v11;
	v11 =	vand.u32 $0xFFFFFFF8, v9  }
0x206: {  	v48 =	vld [tilespmem:s28+$0x600];
	v9 =	vand.u32 $0x7, v9;
	v11 =	vadd.s32 v7, v11  }
0x207: {  	v14 =	vld.idx.msk [tilespmem:v47+s3+$0x0], $0xffff;
	v9 =	vor.u32 v9, v11  }
0x208: {  	[tilespmem:v8+s18+$0x0] =	vst.idx.add.f32.msk $0xffff, v49  }
0x209: {  	v8 =	vld [tilespmem:s30+$0x600]  }
0x20a: {  	[tilespmem:v10+s18+$0x0] =	vst.idx.add.f32.msk $0xffff, v50  }
0x20b: {  	v10 =	vld [tilespmem:s0+$0x600]  }
0x20c: {  	[tilespmem:v9+s18+$0x0] =	vst.idx.add.f32.msk $0xffff, v17  }
0x20d: {  	v9 =	vld [tilespmem:s1+$0x600]  }
0x20e: {  	v13 =	vld [tilespmem:s25+$0x700]  }
0x20f: {  	v12 =	vld.idx.msk [tilespmem:v48+s3+$0x0], $0xffff;
	v11 =	vand.u32 $0xFFFFFFF8, v14  }
0x210: {  	v51 =	vld [tilespmem:s23+$0x600];
	v14 =	vand.u32 $0x7, v14;
	v11 =	vadd.s32 v3, v11  }
0x211: {  	v11 =	vor.u32 v14, v11;
	v8 =	vld.idx.msk [tilespmem:v8+s3+$0x0], $0xffff  }
0x212: {  	v53 =	vld [tilespmem:s26+$0x600]  }
0x213: {  	v10 =	vld.idx.msk [tilespmem:v10+s3+$0x0], $0xffff  }
0x214: {  	v55 =	vld [tilespmem:s29+$0x600];
	v52 =	vand.u32 $0xFFFFFFF8, v12  }
0x215: {  	v12 =	vand.u32 $0x7, v12;
	v14 =	vadd.s32 v4, v52;
	v9 =	vld.idx.msk [tilespmem:v9+s3+$0x0], $0xffff  }
0x216: {  	v12 =	vor.u32 v12, v14;
	[tilespmem:v11+s18+$0x0] =	vst.idx.add.f32.msk $0xffff, v51;
	v11 =	vand.u32 $0xFFFFFFF8, v8  }
0x217: {  	v13 =	vld.idx.msk [tilespmem:v13+s3+$0x0], $0xffff;
	v8 =	vand.u32 $0x7, v8;
	v11 =	vadd.s32 v5, v11  }
0x218: {  	v56 =	vld [tilespmem:s31+$0x600];
	v8 =	vor.u32 v8, v11;
	v11 =	vand.u32 $0xFFFFFFF8, v10  }
0x219: {  	v17 =	vld [tilespmem:s2+$0x600];
	v10 =	vand.u32 $0x7, v10;
	v11 =	vadd.s32 v6, v11  }
0x21a: {  	v54 =	vld [tilespmem:s24+$0x700];
	v10 =	vor.u32 v10, v11;
	v11 =	vand.u32 $0xFFFFFFF8, v9  }
0x21b: {  	[tilespmem:v12+s18+$0x0] =	vst.idx.add.f32.msk $0xffff, v53;
	v9 =	vand.u32 $0x7, v9;
	v11 =	vadd.s32 v7, v11  }
0x21c: {  	v16 =	vld [tilespmem:s28+$0x700];
	v9 =	vor.u32 v9, v11  }
0x21d: {  	[tilespmem:v8+s18+$0x0] =	vst.idx.add.f32.msk $0xffff, v55  }
0x21e: {  	v8 =	vld [tilespmem:s30+$0x700]  }
0x21f: {  	[tilespmem:v10+s18+$0x0] =	vst.idx.add.f32.msk $0xffff, v56  }
0x220: {  	v10 =	vld [tilespmem:s0+$0x700]  }
0x221: {  	[tilespmem:v9+s18+$0x0] =	vst.idx.add.f32.msk $0xffff, v17  }
0x222: {  	v9 =	vld [tilespmem:s1+$0x700];
	_ =	sdelay $0x1  }
0x223: {  	v58 =	vld [tilespmem:s22+$0x700];
	v57 =	vand.u32 $0xFFFFFFF8, v13  }
0x224: {  	v13 =	vand.u32 $0x7, v13;
	v2 =	vadd.s32 v2, v57;
	v11 =	vld.idx.msk [tilespmem:v54+s3+$0x0], $0xffff  }
0x225: {  	v2 =	vor.u32 v13, v2;
	v59 =	vld.idx.msk [tilespmem:v16+s3+$0x0], $0xffff  }
0x226: {  	v8 =	vld.idx.msk [tilespmem:v8+s3+$0x0], $0xffff;
	_ =	sdelay $0x1  }
0x227: {  	v10 =	vld.idx.msk [tilespmem:v10+s3+$0x0], $0xffff  }
0x228: {  	v60 =	vand.u32 $0xFFFFFFF8, v11;
	v9 =	vld.idx.msk [tilespmem:v9+s3+$0x0], $0xffff  }
0x229: {  	[tilespmem:v2+s18+$0x0] =	vst.idx.add.f32.msk $0xffff, v58;
	v2 =	vand.u32 $0xFFFFFFF8, v59;
	v11 =	vand.u32 $0x7, v11;
	v3 =	vadd.s32 v3, v60  }
0x22a: {  	v2 =	vadd.s32 v4, v2;
	v3 =	vor.u32 v11, v3;
	v61 =	vand.u32 $0xFFFFFFF8, v8  }
0x22b: {  	v62 =	vld [tilespmem:s23+$0x700];
	v11 =	vand.u32 $0x7, v59;
	v4 =	vand.u32 $0x7, v8;
	v5 =	vadd.s32 v5, v61  }
0x22c: {  	v2 =	vor.u32 v11, v2;
	v8 =	vld [tilespmem:s26+$0x700];
	v4 =	vor.u32 v4, v5;
	v5 =	vand.u32 $0xFFFFFFF8, v10  }
0x22d: {  	v11 =	vld [tilespmem:s29+$0x700];
	v10 =	vand.u32 $0x7, v10;
	v5 =	vadd.s32 v6, v5;
	v6 =	vand.u32 $0xFFFFFFF8, v9  }
0x22e: {  	v63 =	vld [tilespmem:s31+$0x700];
	v5 =	vor.u32 v10, v5;
	v9 =	vand.u32 $0x7, v9;
	v6 =	vadd.s32 v7, v6  }
0x22f: {  	v7 =	vld [tilespmem:s2+$0x700];
	v6 =	vor.u32 v9, v6  }
0x230: {  	[tilespmem:v3+s18+$0x0] =	vst.idx.add.f32.msk $0xffff, v62  }
0x231: {  	[tilespmem:v2+s18+$0x0] =	vst.idx.add.f32.msk $0xffff, v8  }
0x232: {  	[tilespmem:v4+s18+$0x0] =	vst.idx.add.f32.msk $0xffff, v11  }
0x233: {  	[tilespmem:v5+s18+$0x0] =	vst.idx.add.f32.msk $0xffff, v63  }
0x234: {  	[tilespmem:v6+s18+$0x0] =	vst.idx.add.f32.msk $0xffff, v7  }
0x235: {  	v2 =	vld [tilespmem:s13+$0x10];
	_ =	sdelay $0x1  }
0x236: {  	v4 =	vld [tilespmem:s13+$0xFFFFFFE0]  }
0x237: {  	v5 =	vld [tilespmem:s13+$0xFFFFFFF0]  }
0x238: {  	s31 =	simm.s32 $0x4060;
	v9 =	vld [tilespmem:s13+$0x0]  }
0x239: {  	v10 =	vld [tilespmem:s31+$0x10]  }
0x23a: {  	v3 =	vld [tilespmem:s31+$0xFFFFFFF0]  }
0x23b: {  	v8 =	vld [tilespmem:s31+$0xFFFFFFE0]  }
0x23c: {  	v11 =	vld.idx.msk [tilespmem:v2+s3+$0x0], $0xffff  }
0x23d: {  	v2 =	vld [tilespmem:s31+$0x0]  }
0x23e: {  	v7 =	vld.idx.msk [tilespmem:v4+s3+$0x0], $0xffff  }
0x23f: {  	v6 =	vld.idx.msk [tilespmem:v5+s3+$0x0], $0xffff  }
0x240: {  	v4 =	vld.idx.msk [tilespmem:v9+s3+$0x0], $0xffff  }
0x241: {  	s0 =	simm.s32 $0x40;
	s1 =	simm.s32 $0x40A0;
	v5 =	vld.idx.msk [tilespmem:v10+s3+$0x0], $0xffff;
	[tilespmem:s12+$0x10] =	vst v11  }
.LBB2_6:
0x242: {  	v9 =	vld [tilespmem:s1+$0x10];
	s0 =	sadd.s32 $0x40, s0  }
0x243: {  	v10 =	vld [tilespmem:s1+$0xFFFFFFF0];
	p0 =	slt.u32 s0, $0xC0;
	[tilespmem:s12+$0xFFFFFFE0] =	vst v7  }
0x244: {  	v11 =	vld [tilespmem:s1+$0x0];
	[tilespmem:s12+$0xFFFFFFF0] =	vst v6  }
0x245: {  	v12 =	vld [tilespmem:s1+$0xFFFFFFE0];
	[tilespmem:s12+$0x0] =	vst v4  }
.Ltmp2:
0x246: {  	s12 =	sadd.s32 $0x40, s12;
	v7 =	vld.idx.msk [tilespmem:v8+s3+$0x0], $0xffff;
	(pc) =	sbr.rel @p0 .LBB2_6-.Ltmp2, $4  }
0x247: {  	v6 =	vld.idx.msk [tilespmem:v3+s3+$0x0], $0xffff;
	[tilespmem:s12+$0x10] =	vst v5  }
0x248: {  	v4 =	vld.idx.msk [tilespmem:v2+s3+$0x0], $0xffff;
	v3 =	vmov v10  }
0x249: {  	v2 =	vmov v11  }
0x24a: {  	s1 =	sadd.s32 $0x40, s1;
	v5 =	vld.idx.msk [tilespmem:v9+s3+$0x0], $0xffff;
	v8 =	vmov v12  }
0x24b: {  	_ =	sdelay $0x3  }
0x24c: {  	v8 =	vld.idx.msk [tilespmem:v8+s3+$0x0], $0xffff  }
0x24d: {  	[tilespmem:s12+$0xFFFFFFE0] =	vst v7;
	v3 =	vld.idx.msk [tilespmem:v3+s3+$0x0], $0xffff  }
0x24e: {  	v2 =	vld.idx.msk [tilespmem:v2+s3+$0x0], $0xffff;
	[tilespmem:s12+$0xFFFFFFF0] =	vst v6  }
0x24f: {  	s0 =	sadd.s32 $0x40, s12;
	[tilespmem:s12+$0x0] =	vst v4  }
0x250: {  	[tilespmem:s0+$0x10] =	vst v5  }
0x251: {  	[tilespmem:s0+$0xFFFFFFE0] =	vst v8  }
0x252: {  	[tilespmem:s0+$0xFFFFFFF0] =	vst v3  }
0x253: {  	[tilespmem:s0+$0x0] =	vst v2  }
0x254: {  	[hbm4b:s7+s3] =	stream.linear.scatter [tilespmem:s18], [sflag:$0x5], $0x2000, $0x38;
	[tilespmem:$0x6200] =	vst v63  }
0x255: {  	s21 =	sadd.s32 $0x1, s21;
	_ =	swait.ge [sflag:s19], $0x2000  }
0x256: {  	p0 =	sne.s32 s21, s9;
	[sflag:s19] =	ssyncset.done $0x0  }
.Ltmp3:
0x257: {  	s31 =	simm.s32 $0x6100;
	[sflag:s19] =	ssyncadd.s32 $0xFFFFE000;
	(pc) =	sbr.rel @p0 .LBB2_1-.Ltmp3, $4  }
0x258: {  	[hbm4b:s8+s3] =	stream.linear.scatter [tilespmem:s31], [sflag:$0x5], $0x100, $0x38;
	[tilespmem:$0x6200] =	vst v63  }
0x259: {  	_ =	swait.ge [sflag:s19], $0x100  }
0x25a: {  	[sflag:s19] =	ssyncset.done $0x0  }
0x25b: {  	[sflag:s19] =	ssyncadd.s32 $0xFFFFFF00  }
0x25c: {  	_ =	sfence.sel $0x180000  }
0x25d: {  	[bflag:$0x0] =	sbarrier.arrive $0xFFFF  }
0x25e: {  	_ =	strace $0x90000047  }
0x25f: {  	s0 =	stileid.u32;
	[bflag:$0x2] =	sbarrier.arrive $0xFFFF  }
0x260: {  	p0 =	sne.s32 s0, $0x0;
	s0 =	rddreg [dreg:$0x5]  }
0x261: {  	s0 =	sadd.s32 @!p0 $0x100000, s0  }
0x262: {  	[sflag:s0] =	ssyncadd.tile.s32 @!p0 $0x1;
	_ =	shalt  }
.Lfunc_end2:
_tile_overlayer_lowered:
.L_overlay_start_2:
0x263: {  	(tag) =	ssettag $0x2  }
0x264: {  	s0 =	rddreg [dreg:$0x0];
	s2 =	stileid.u32  }
0x265: {  	s1 =	rddreg [dreg:$0x1];
	p0 =	sne.s32 s2, $0x0  }
0x266: {  	s3 =	rddreg [dreg:$0x2];
	[bflag:$0x3] =	sbarrier.arrive $0xFFFF;
	s2 =	simm.s32 @!p0 $0x1C05  }
0x267: {  	[timem:s3], [sflag:s2] =	dma.local @!p0 [hbm:s0], s1  }
0x268: {  	s0 =	simm.s32 @!p0 $0x5  }
0x269: {  	_ =	swait.ge @!p0 [sflag:s0], s1  }
0x26a: {  	s1 =	ssub.s32 @!p0 $0x0, s1;
	[sflag:s0] =	ssyncset.done @!p0 $0x0  }
0x26b: {  	[sflag:s0] =	ssyncadd.s32 @!p0 s1  }
0x26c: {  	[bflag:$0x3] =	sbarrier.arrive $0xFFFF  }
0x26d: {  	_ =	shalt  }

</sc_bundles>
